<compile_context>
chip_gen: v7x
topology: tpu7x:2x2x1
jax: 0.10.2.dev20260603
libtpu: 0.0.44.dev20260713+nightly
codegen_flags: <defaults>
</compile_context>

<pallas_src>
import functools

import jax
import jax.numpy as jnp
from jax import lax
from jax.experimental import pallas as pl
from jax.experimental.pallas import tpu as pltpu
from jax.experimental.pallas import tpu_sc as plsc

N = 10000
E = 320000
D = 128
H2 = 128
C = 64

NC, NS = 2, 16
NW = NC * NS
CW = 128
CHUNKS = -(-E // (NW * CW))
EPW = CHUNKS * CW
EPAD = EPW * NW
ZROW = 632
ZLAST = N - ZROW * (NS - 1)
AROWS = N + 8

_MESH = dict(core_axis_name="c", subcore_axis_name="s", num_cores=NC,
             num_subcores=NS)


def _wid():
    return lax.axis_index("c") * NS + lax.axis_index("s")


def _init_acc(sid, zeros_hbm, acc):
    @pl.when(sid < NS - 1)
    def _():
        pltpu.sync_copy(zeros_hbm.at[pl.ds(sid * ZROW, ZROW)],
                        acc.at[pl.ds(sid * ZROW, ZROW)])

    @pl.when(sid == NS - 1)
    def _():
        pltpu.sync_copy(zeros_hbm.at[pl.ds((NS - 1) * ZROW, ZLAST)],
                        acc.at[pl.ds((NS - 1) * ZROW, ZLAST)])


def _read_acc(cid, sid, acc, out_hbm):
    @pl.when(sid < NS - 1)
    def _():
        pltpu.sync_copy(acc.at[pl.ds(sid * ZROW, ZROW)],
                        out_hbm.at[cid, pl.ds(sid * ZROW, ZROW)])

    @pl.when(sid == NS - 1)
    def _():
        pltpu.sync_copy(acc.at[pl.ds((NS - 1) * ZROW, ZLAST)],
                        out_hbm.at[cid, pl.ds((NS - 1) * ZROW, ZLAST)])




HW = CW // 2


def _make_conv(Dw):
    @functools.partial(
        pl.kernel,
        out_type=jax.ShapeDtypeStruct((NC, N, Dw), jnp.float32),
        mesh=plsc.VectorSubcoreMesh(**_MESH),
        scratch_types=[
            pltpu.VMEM((CHUNKS, CW), jnp.int32),
            pltpu.VMEM((CHUNKS, CW), jnp.int32),
            pltpu.VMEM((HW, Dw), jnp.float32),
            pltpu.VMEM((HW, Dw), jnp.float32),
            pltpu.VMEM_SHARED((AROWS, Dw), jnp.float32),
            pltpu.SemaphoreType.DMA,
            pltpu.SemaphoreType.DMA,
        ],
    )
    def k(src_hbm, dst_hbm, xw_hbm, zeros_hbm, out_hbm,
          sidx, didx, buf0, buf1, acc, sem0, sem1):
        cid = lax.axis_index("c")
        sid = lax.axis_index("s")
        w = _wid()
        pltpu.sync_copy(src_hbm.at[w], sidx)
        pltpu.sync_copy(dst_hbm.at[w], didx)
        _init_acc(sid, zeros_hbm, acc)
        plsc.subcore_barrier()

        def s_at(j, o):
            return sidx.at[j, pl.ds(o, HW)]

        def fire(j, o, buf, sem):
            pltpu.async_copy(xw_hbm.at[s_at(j, o)], buf, sem)

        def drain(j, o, buf, sem):
            pltpu.make_async_copy(xw_hbm.at[s_at(j, o)], buf, sem).wait()

        def add(j, o, buf):
            pltpu.sync_copy(buf, acc.at[didx.at[j, pl.ds(o, HW)]], add=True)

        fire(0, 0, buf0, sem0)

        def body(j, carry):
            fire(j, HW, buf1, sem1)
            drain(j, 0, buf0, sem0)
            add(j, 0, buf0)
            fire(j + 1, 0, buf0, sem0)
            drain(j, HW, buf1, sem1)
            add(j, HW, buf1)
            return carry

        lax.fori_loop(0, CHUNKS - 1, body, 0)
        j = CHUNKS - 1
        fire(j, HW, buf1, sem1)
        drain(j, 0, buf0, sem0)
        add(j, 0, buf0)
        drain(j, HW, buf1, sem1)
        add(j, HW, buf1)

        plsc.subcore_barrier()
        _read_acc(cid, sid, acc, out_hbm)

    return k


_conv128 = _make_conv(D)


def _sc_degree(dst_p, ones64, zeros128):
    @functools.partial(
        pl.kernel,
        out_type=jax.ShapeDtypeStruct((NC, N, D), jnp.float32),
        mesh=plsc.VectorSubcoreMesh(**_MESH),
        scratch_types=[
            pltpu.VMEM((CHUNKS, CW), jnp.int32),
            pltpu.VMEM((HW, D), jnp.float32),
            pltpu.VMEM_SHARED((AROWS, D), jnp.float32),
        ],
    )
    def k(dst_hbm, ones_hbm, zeros_hbm, out_hbm, didx, buf, acc):
        cid = lax.axis_index("c")
        sid = lax.axis_index("s")
        w = _wid()
        pltpu.sync_copy(dst_hbm.at[w], didx)
        pltpu.sync_copy(ones_hbm, buf)
        _init_acc(sid, zeros_hbm, acc)
        plsc.subcore_barrier()

        def chunk(j, carry):
            pltpu.sync_copy(buf, acc.at[didx.at[j, pl.ds(0, HW)]], add=True)
            pltpu.sync_copy(buf, acc.at[didx.at[j, pl.ds(HW, HW)]], add=True)
            return carry

        lax.fori_loop(0, CHUNKS, chunk, 0)
        plsc.subcore_barrier()
        _read_acc(cid, sid, acc, out_hbm)

    return k(dst_p, ones64, zeros128)


def _sc_decode(la_p, lb_p, z):
    @functools.partial(
        pl.kernel,
        out_type=jax.ShapeDtypeStruct((NW, CHUNKS, CW, 16), jnp.float32),
        mesh=plsc.VectorSubcoreMesh(**_MESH),
        scratch_types=[
            pltpu.VMEM((CHUNKS, CW), jnp.int32),
            pltpu.VMEM((CHUNKS, CW), jnp.int32),
            pltpu.VMEM_SHARED((N, D), jnp.float32),
            pltpu.VMEM((HW, D), jnp.float32),
            pltpu.VMEM((HW, D), jnp.float32),
            pltpu.VMEM((HW, 16), jnp.float32),
        ],
    )
    def k(la_hbm, lb_hbm, z_hbm, out_hbm, aidx, bidx, zs, ab, bb, sums):
        sid = lax.axis_index("s")
        w = _wid()
        pltpu.sync_copy(la_hbm.at[w], aidx)
        pltpu.sync_copy(lb_hbm.at[w], bidx)

        @pl.when(sid < NS - 1)
        def _():
            pltpu.sync_copy(z_hbm.at[pl.ds(sid * ZROW, ZROW)],
                            zs.at[pl.ds(sid * ZROW, ZROW)])

        @pl.when(sid == NS - 1)
        def _():
            pltpu.sync_copy(z_hbm.at[pl.ds((NS - 1) * ZROW, ZLAST)],
                            zs.at[pl.ds((NS - 1) * ZROW, ZLAST)])

        plsc.subcore_barrier()

        def half(j, o):
            pltpu.sync_copy(zs.at[aidx.at[j, pl.ds(o, HW)]], ab)
            pltpu.sync_copy(zs.at[bidx.at[j, pl.ds(o, HW)]], bb)
            def edge(e, carry):
                def seg(c):
                    return ab[e, pl.ds(c, 16)] * bb[e, pl.ds(c, 16)]

                sums[e] = seg(0) + seg(16) + seg(32) + seg(48)
                return carry

            lax.fori_loop(0, HW, edge, 0, unroll=8)
            pltpu.sync_copy(sums, out_hbm.at[w, j, pl.ds(o, HW)])

        def chunk(j, carry):
            half(j, 0)
            half(j, HW)
            return carry

        lax.fori_loop(0, CHUNKS, chunk, 0)

    return k(la_p, lb_p, z)


_DEC_R = NW * CHUNKS


def _dec_reduce_body(sums_ref, out_ref):
    out_ref[...] = jnp.sum(sums_ref[...], axis=-1)


def _dec_reduce(sums):
    return pl.pallas_call(
        _dec_reduce_body,
        grid=(_DEC_R // 32,),
        in_specs=[pl.BlockSpec((32, CW, 16), lambda b: (b, 0, 0))],
        out_specs=pl.BlockSpec((32, CW), lambda b: (b, 0)),
        out_shape=jax.ShapeDtypeStruct((_DEC_R, CW), jnp.float32),
    )(sums.reshape(_DEC_R, CW, 16))


_RB = 1000


def _dinv_of(degp):
    deg = degp[0, :, 0:1] + degp[1, :, 0:1] + 1.0
    return lax.rsqrt(deg)


def _tc1_body(x_ref, wih_ref, bias_ref, w1_ref, degp_ref, xw1p_ref):
    x = x_ref[...]
    g = lax.dot_general(x, wih_ref[...], (((1,), (1,)), ((), ())),
                        preferred_element_type=jnp.float32)
    g = g + bias_ref[...]
    i = g[:, 0:D]
    gg = g[:, 2 * D:3 * D]
    o = g[:, 3 * D:4 * D]
    c = jax.nn.sigmoid(i) * jnp.tanh(gg)
    h = jax.nn.sigmoid(o) * jnp.tanh(c)
    dinv = _dinv_of(degp_ref[...])
    xw1p_ref[...] = jnp.dot(h, w1_ref[...],
                            preferred_element_type=jnp.float32) * dinv


def _tc1(x, W_ih, bias, W1, degp):
    grid = N // _RB
    return pl.pallas_call(
        _tc1_body,
        grid=(grid,),
        in_specs=[
            pl.BlockSpec((_RB, D), lambda b: (b, 0)),
            pl.BlockSpec((4 * D, D), lambda b: (0, 0)),
            pl.BlockSpec((1, 4 * D), lambda b: (0, 0)),
            pl.BlockSpec((D, H2), lambda b: (0, 0)),
            pl.BlockSpec((NC, _RB, D), lambda b: (0, b, 0)),
        ],
        out_specs=pl.BlockSpec((_RB, H2), lambda b: (b, 0)),
        out_shape=jax.ShapeDtypeStruct((N, H2), jnp.float32),
    )(x, W_ih, bias, W1, degp)


def _tc2_body(accp_ref, xw1p_ref, degp_ref, b1_ref, w2_ref, xw2p_ref):
    dinv = _dinv_of(degp_ref[...])
    s = accp_ref[0] + accp_ref[1] + xw1p_ref[...]
    h1 = jnp.maximum(dinv * s + b1_ref[...], 0.0)
    xw2p_ref[...] = jnp.dot(h1, w2_ref[...],
                            preferred_element_type=jnp.float32) * dinv


def _tc2(acc1, xw1p, degp, b1r, W2p):
    grid = N // _RB
    return pl.pallas_call(
        _tc2_body,
        grid=(grid,),
        in_specs=[
            pl.BlockSpec((NC, _RB, H2), lambda b: (0, b, 0)),
            pl.BlockSpec((_RB, H2), lambda b: (b, 0)),
            pl.BlockSpec((NC, _RB, D), lambda b: (0, b, 0)),
            pl.BlockSpec((1, H2), lambda b: (0, 0)),
            pl.BlockSpec((H2, D), lambda b: (0, 0)),
        ],
        out_specs=pl.BlockSpec((_RB, D), lambda b: (b, 0)),
        out_shape=jax.ShapeDtypeStruct((N, D), jnp.float32),
    )(acc1, xw1p, degp, b1r, W2p)


def _tc3_body(accp_ref, xw2p_ref, degp_ref, b2_ref, z_ref):
    dinv = _dinv_of(degp_ref[...])
    z_ref[...] = dinv * (accp_ref[0] + accp_ref[1] + xw2p_ref[...]) \
        + b2_ref[...]


def _tc3(acc2, xw2p, degp, b2r):
    grid = N // _RB
    return pl.pallas_call(
        _tc3_body,
        grid=(grid,),
        in_specs=[
            pl.BlockSpec((NC, _RB, D), lambda b: (0, b, 0)),
            pl.BlockSpec((_RB, D), lambda b: (b, 0)),
            pl.BlockSpec((NC, _RB, D), lambda b: (0, b, 0)),
            pl.BlockSpec((1, D), lambda b: (0, 0)),
        ],
        out_specs=pl.BlockSpec((_RB, D), lambda b: (b, 0)),
        out_shape=jax.ShapeDtypeStruct((N, D), jnp.float32),
    )(acc2, xw2p, degp, b2r)


def kernel(x, edge_index, edge_label_index, W_ih, W_hh, b_ih, b_hh,
           W1, b1, W2, b2):
    pad = EPAD - E
    zpad = jnp.zeros((pad,), jnp.int32)
    src_p = jnp.concatenate([edge_index[0], zpad]).reshape(NW, CHUNKS, CW)
    dst_p = jnp.concatenate(
        [edge_index[1], jnp.full((pad,), N, jnp.int32)]
    ).reshape(NW, CHUNKS, CW)
    la_p = jnp.concatenate([edge_label_index[0], zpad]).reshape(NW, CHUNKS, CW)
    lb_p = jnp.concatenate([edge_label_index[1], zpad]).reshape(NW, CHUNKS, CW)

    zeros128 = jnp.zeros((N, D), jnp.float32)
    bias = (b_ih + b_hh).reshape(1, 4 * D)
    b1r = b1.reshape(1, H2)
    W2p = jnp.pad(W2, ((0, 0), (0, D - C)))
    b2r = jnp.pad(b2, (0, D - C)).reshape(1, D)

    ones64 = jnp.ones((HW, D), jnp.float32)
    degp = _sc_degree(dst_p, ones64, zeros128)
    xw1p = _tc1(x, W_ih, bias, W1, degp)
    acc1 = _conv128(src_p, dst_p, xw1p, zeros128)
    xw2p = _tc2(acc1, xw1p, degp, b1r, W2p)
    acc2 = _conv128(src_p, dst_p, xw2p, zeros128)
    z = _tc3(acc2, xw2p, degp, b2r)
    outp = _dec_reduce(_sc_decode(la_p, lb_p, z))
    return outp.reshape(-1)[:E]

# --- scband reference (transcript-rebuilt; emitter-appended) ---
"""Pipeline reference for scband-gcn2-lstm-89008902243172 (READ-ONLY COPY).

The authoritative reference and input builder live on the scoring server;
editing this copy changes nothing except your own understanding.
"""

import jax, jax.numpy as jnp
import numpy as np

N = 10000
E = 320000
D = 128      # node_features (also LSTM hidden size)
H2 = 128     # second_features
C = 64       # num_classes (link-pred embedding dim)


def setup_inputs(seed: int = 0) -> dict:
    key = jax.random.key(seed)
    ks = jax.random.split(key, 12)
    x = jax.random.normal(ks[0], (N, D), dtype=jnp.float32)
    edge_index = jax.random.randint(ks[1], (2, E), 0, N, dtype=jnp.int32)
    edge_label_index = jax.random.randint(ks[2], (2, E), 0, N, dtype=jnp.int32)
    # LSTM params (torch layout: W_ih [4H, in], W_hh [4H, H], gate order i,f,g,o)
    W_ih = jax.random.normal(ks[3], (4 * D, D), dtype=jnp.float32) * 0.05
    W_hh = jax.random.normal(ks[4], (4 * D, D), dtype=jnp.float32) * 0.05
    b_ih = jax.random.normal(ks[5], (4 * D,), dtype=jnp.float32) * 0.05
    b_hh = jax.random.normal(ks[6], (4 * D,), dtype=jnp.float32) * 0.05
    # GCNConv params
    W1 = jax.random.normal(ks[7], (D, H2), dtype=jnp.float32) * 0.05
    b1 = jnp.zeros((H2,), dtype=jnp.float32)
    W2 = jax.random.normal(ks[8], (H2, C), dtype=jnp.float32) * 0.05
    b2 = jnp.zeros((C,), dtype=jnp.float32)
    return {"x": x, "edge_index": edge_index, "edge_label_index": edge_label_index,
            "W_ih": W_ih, "W_hh": W_hh, "b_ih": b_ih, "b_hh": b_hh,
            "W1": W1, "b1": b1, "W2": W2, "b2": b2}


def _lstm_single_step(x, W_ih, W_hh, b_ih, b_hh):
    # seq_len=1, h0=c0=0 so W_hh contributes nothing to the forward value
    gates = x @ W_ih.T + b_ih + b_hh + jnp.zeros((x.shape[0], 1), x.dtype) * (W_hh.sum())
    i, f, g, o = jnp.split(gates, 4, axis=-1)
    c = jax.nn.sigmoid(i) * jnp.tanh(g)
    h = jax.nn.sigmoid(o) * jnp.tanh(c)
    return h


def _gcn_conv(x, edge_index, W, b, num_nodes):
    loop = jnp.arange(num_nodes, dtype=edge_index.dtype)
    src = jnp.concatenate([edge_index[0], loop])
    dst = jnp.concatenate([edge_index[1], loop])
    deg = jnp.zeros((num_nodes,), x.dtype).at[dst].add(1.0)
    dinv = jnp.where(deg > 0, jax.lax.rsqrt(jnp.maximum(deg, 1e-12)), 0.0)
    norm = dinv[src] * dinv[dst]
    xw = x @ W
    out = jnp.zeros((num_nodes, W.shape[1]), x.dtype).at[dst].add(xw[src] * norm[:, None])
    return out + b


def reference(x, edge_index, edge_label_index, W_ih, W_hh, b_ih, b_hh, W1, b1, W2, b2):
    h = _lstm_single_step(x, W_ih, W_hh, b_ih, b_hh)
    h = jax.nn.relu(_gcn_conv(h, edge_index, W1, b1, N))
    z = _gcn_conv(h, edge_index, W2, b2, N)
    src = z[edge_label_index[0]]
    dst = z[edge_label_index[1]]
    return (src * dst).sum(axis=-1)

if __name__ == "__main__":
    import jax
    _d = setup_inputs()
    print(jax.jit(kernel)(*tuple(_d.values())))

</pallas_src>

<mosaic_0001>
#map = affine_map<(d0, d1) -> (0, 0, 0)>
#map1 = affine_map<(d0, d1) -> (0, 0)>
module attributes {stable_mosaic.version = 14 : i64} {
  func.func @k(%arg0: i32, %arg1: i32, %arg2: memref<32x79x128xi32, #tpu.memory_space<hbm>>, %arg3: memref<64x128xf32, #tpu.memory_space<hbm>>, %arg4: memref<10000x128xf32, #tpu.memory_space<hbm>>, %arg5: memref<2x10000x128xf32, #tpu.memory_space<hbm>>, %arg6: memref<79x128xi32, #tpu.memory_space<vmem>>, %arg7: memref<64x128xf32, #tpu.memory_space<vmem>>, %arg8: memref<10008x128xf32, #tpu.memory_space<vmem_shared>>) attributes {dimension_semantics = [#tpu.dimension_semantics<core_parallel>, #tpu.dimension_semantics<subcore_parallel>], iteration_bounds = array<i64: 2, 16>, scalar_prefetch = 0 : i64, scratch_operands = 3 : i64, tpu.core_type = #tpu.core_type<sc_vector_subcore>, window_params = [{transform_indices = #map}, {transform_indices = #map1}, {transform_indices = #map1}, {transform_indices = #map}]} {
    %mul3A = arith.constant 16 : i32
    %mul3A_0 = arith.muli %arg0, %mul3A : i32
    %add3A = arith.addi %mul3A_0, %arg1 : i32
    "tpu.region"() ({
      %run_scoped3A = tpu.sem_alloc : memref<!tpu.dma_semaphore, #tpu.memory_space<semaphore_mem>>
      %dma_start3A = arith.constant 0 : i32
      %dma_start3A_23 = arith.constant 0 : i32
      %dma_start3A_24 = tpu.memref_slice %arg2[%add3A, %dma_start3A, %dma_start3A_23] : memref<32x79x128xi32, #tpu.memory_space<hbm>> -> memref<1x79x128xi32, #tpu.memory_space<hbm>>
      %dma_start3A_25 = tpu.memref_squeeze %dma_start3A_24 : memref<1x79x128xi32, #tpu.memory_space<hbm>> -> memref<79x128xi32, #tpu.memory_space<hbm>>
      %dma_start3A_26 = arith.constant 0 : i32
      %dma_start3A_27 = arith.constant 0 : i32
      %dma_start3A_28 = tpu.memref_slice %arg2[%add3A, %dma_start3A_26, %dma_start3A_27] : memref<32x79x128xi32, #tpu.memory_space<hbm>> -> memref<1x79x128xi32, #tpu.memory_space<hbm>>
      %dma_start3A_29 = tpu.memref_squeeze %dma_start3A_28 : memref<1x79x128xi32, #tpu.memory_space<hbm>> -> memref<79x128xi32, #tpu.memory_space<hbm>>
      tpu.enqueue_dma source(%dma_start3A_29 : memref<79x128xi32, #tpu.memory_space<hbm>>) target(%arg6 : memref<79x128xi32, #tpu.memory_space<vmem>>) target_semaphore(%run_scoped3A : memref<!tpu.dma_semaphore, #tpu.memory_space<semaphore_mem>>)
      %dma_wait3A = arith.constant 0 : i32
      %dma_wait3A_30 = arith.constant 0 : i32
      %dma_wait3A_31 = tpu.memref_slice %arg2[%add3A, %dma_wait3A, %dma_wait3A_30] : memref<32x79x128xi32, #tpu.memory_space<hbm>> -> memref<1x79x128xi32, #tpu.memory_space<hbm>>
      %dma_wait3A_32 = tpu.memref_squeeze %dma_wait3A_31 : memref<1x79x128xi32, #tpu.memory_space<hbm>> -> memref<79x128xi32, #tpu.memory_space<hbm>>
      %dma_wait3A_33 = arith.constant 0 : i32
      %dma_wait3A_34 = arith.constant 0 : i32
      %dma_wait3A_35 = tpu.memref_slice %arg2[%add3A, %dma_wait3A_33, %dma_wait3A_34] : memref<32x79x128xi32, #tpu.memory_space<hbm>> -> memref<1x79x128xi32, #tpu.memory_space<hbm>>
      %dma_wait3A_36 = tpu.memref_squeeze %dma_wait3A_35 : memref<1x79x128xi32, #tpu.memory_space<hbm>> -> memref<79x128xi32, #tpu.memory_space<hbm>>
      tpu.wait_dma2 semaphore(%run_scoped3A : memref<!tpu.dma_semaphore, #tpu.memory_space<semaphore_mem>>) src(%dma_wait3A_36 : memref<79x128xi32, #tpu.memory_space<hbm>>) dst(%arg6 : memref<79x128xi32, #tpu.memory_space<vmem>>)
      tpu.yield
    }) : () -> ()
    "tpu.region"() ({
      %run_scoped3A = tpu.sem_alloc : memref<!tpu.dma_semaphore, #tpu.memory_space<semaphore_mem>>
      tpu.enqueue_dma source(%arg3 : memref<64x128xf32, #tpu.memory_space<hbm>>) target(%arg7 : memref<64x128xf32, #tpu.memory_space<vmem>>) target_semaphore(%run_scoped3A : memref<!tpu.dma_semaphore, #tpu.memory_space<semaphore_mem>>)
      tpu.wait_dma2 semaphore(%run_scoped3A : memref<!tpu.dma_semaphore, #tpu.memory_space<semaphore_mem>>) src(%arg3 : memref<64x128xf32, #tpu.memory_space<hbm>>) dst(%arg7 : memref<64x128xf32, #tpu.memory_space<vmem>>)
      tpu.yield
    }) : () -> ()
    %lt3A = arith.constant 15 : i32
    %lt3A_1 = arith.cmpi slt, %arg1, %lt3A : i32
    %convert_element_type3A = arith.extui %lt3A_1 : i1 to i32
    %cond3A = arith.constant 0 : i32
    %cond3A_2 = arith.cmpi ne, %convert_element_type3A, %cond3A : i32
    scf.if %cond3A_2 {
      %mul3A_23 = arith.constant 632 : i32
      %mul3A_24 = arith.muli %arg1, %mul3A_23 : i32
      %mul3A_25 = arith.constant 632 : i32
      %mul3A_26 = arith.muli %arg1, %mul3A_25 : i32
      "tpu.region"() ({
        %run_scoped3A = tpu.sem_alloc : memref<!tpu.dma_semaphore, #tpu.memory_space<semaphore_mem>>
        %dma_start3A = arith.constant 0 : i32
        %dma_start3A_27 = tpu.memref_slice %arg8[%mul3A_26, %dma_start3A] : memref<10008x128xf32, #tpu.memory_space<vmem_shared>> -> memref<632x128xf32, #tpu.memory_space<vmem_shared>>
        %dma_start3A_28 = arith.constant 0 : i32
        %dma_start3A_29 = tpu.memref_slice %arg4[%mul3A_24, %dma_start3A_28] : memref<10000x128xf32, #tpu.memory_space<hbm>> -> memref<632x128xf32, #tpu.memory_space<hbm>>
        tpu.enqueue_dma source(%dma_start3A_29 : memref<632x128xf32, #tpu.memory_space<hbm>>) target(%dma_start3A_27 : memref<632x128xf32, #tpu.memory_space<vmem_shared>>) target_semaphore(%run_scoped3A : memref<!tpu.dma_semaphore, #tpu.memory_space<semaphore_mem>>)
        %dma_wait3A = arith.constant 0 : i32
        %dma_wait3A_30 = tpu.memref_slice %arg8[%mul3A_26, %dma_wait3A] : memref<10008x128xf32, #tpu.memory_space<vmem_shared>> -> memref<632x128xf32, #tpu.memory_space<vmem_shared>>
        %dma_wait3A_31 = arith.constant 0 : i32
        %dma_wait3A_32 = tpu.memref_slice %arg4[%mul3A_24, %dma_wait3A_31] : memref<10000x128xf32, #tpu.memory_space<hbm>> -> memref<632x128xf32, #tpu.memory_space<hbm>>
        tpu.wait_dma2 semaphore(%run_scoped3A : memref<!tpu.dma_semaphore, #tpu.memory_space<semaphore_mem>>) src(%dma_wait3A_32 : memref<632x128xf32, #tpu.memory_space<hbm>>) dst(%dma_wait3A_30 : memref<632x128xf32, #tpu.memory_space<vmem_shared>>)
        tpu.yield
      }) : () -> ()
    } else {
    }
    %eq3A = arith.constant 15 : i32
    %eq3A_3 = arith.cmpi eq, %arg1, %eq3A : i32
    %convert_element_type3A_4 = arith.extui %eq3A_3 : i1 to i32
    %cond3A_5 = arith.constant 0 : i32
    %cond3A_6 = arith.cmpi ne, %convert_element_type3A_4, %cond3A_5 : i32
    scf.if %cond3A_6 {
      "tpu.region"() ({
        %run_scoped3A = tpu.sem_alloc : memref<!tpu.dma_semaphore, #tpu.memory_space<semaphore_mem>>
        %dma_start3A = arith.constant 9480 : i32
        %dma_start3A_23 = arith.constant 0 : i32
        %dma_start3A_24 = tpu.memref_slice %arg8[%dma_start3A, %dma_start3A_23] : memref<10008x128xf32, #tpu.memory_space<vmem_shared>> -> memref<520x128xf32, #tpu.memory_space<vmem_shared>>
        %dma_start3A_25 = arith.constant 9480 : i32
        %dma_start3A_26 = arith.constant 0 : i32
        %dma_start3A_27 = tpu.memref_slice %arg4[%dma_start3A_25, %dma_start3A_26] : memref<10000x128xf32, #tpu.memory_space<hbm>> -> memref<520x128xf32, #tpu.memory_space<hbm>>
        tpu.enqueue_dma source(%dma_start3A_27 : memref<520x128xf32, #tpu.memory_space<hbm>>) target(%dma_start3A_24 : memref<520x128xf32, #tpu.memory_space<vmem_shared>>) target_semaphore(%run_scoped3A : memref<!tpu.dma_semaphore, #tpu.memory_space<semaphore_mem>>)
        %dma_wait3A = arith.constant 9480 : i32
        %dma_wait3A_28 = arith.constant 0 : i32
        %dma_wait3A_29 = tpu.memref_slice %arg8[%dma_wait3A, %dma_wait3A_28] : memref<10008x128xf32, #tpu.memory_space<vmem_shared>> -> memref<520x128xf32, #tpu.memory_space<vmem_shared>>
        %dma_wait3A_30 = arith.constant 9480 : i32
        %dma_wait3A_31 = arith.constant 0 : i32
        %dma_wait3A_32 = tpu.memref_slice %arg4[%dma_wait3A_30, %dma_wait3A_31] : memref<10000x128xf32, #tpu.memory_space<hbm>> -> memref<520x128xf32, #tpu.memory_space<hbm>>
        tpu.wait_dma2 semaphore(%run_scoped3A : memref<!tpu.dma_semaphore, #tpu.memory_space<semaphore_mem>>) src(%dma_wait3A_32 : memref<520x128xf32, #tpu.memory_space<hbm>>) dst(%dma_wait3A_29 : memref<520x128xf32, #tpu.memory_space<vmem_shared>>)
        tpu.yield
      }) : () -> ()
    } else {
    }
    %barrier3A = arith.constant 0 : index
    tpu.barrier barrier_id(%barrier3A)
    %scan3A = arith.constant 0 : i32
    %scan3A_7 = arith.constant 0 : i32
    %scan3A_8 = arith.constant 79 : i32
    %scan3A_9 = arith.addi %scan3A_7, %scan3A_8 : i32
    %scan3A_10 = arith.constant 1 : i32
    scf.for %scan3A_23 = %scan3A_7 to %scan3A_9 step %scan3A_10  : i32 {
      "tpu.region"() ({
        %run_scoped3A = tpu.sem_alloc : memref<!tpu.dma_semaphore, #tpu.memory_space<semaphore_mem>>
        %dma_start3A = arith.constant 0 : i32
        %dma_start3A_24 = tpu.memref_slice %arg6[%scan3A_23, %dma_start3A] : memref<79x128xi32, #tpu.memory_space<vmem>> -> memref<1x64xi32, #tpu.memory_space<vmem>>
        %dma_start3A_25 = tpu.memref_squeeze %dma_start3A_24 : memref<1x64xi32, #tpu.memory_space<vmem>> -> memref<64xi32, #tpu.memory_space<vmem>>
        %dma_start3A_26 = arith.constant 0 : i32
        %dma_start3A_27 = arith.constant 0 : i32
        %dma_start3A_28 = tpu.memref_slice %arg8[%dma_start3A_26, %dma_start3A_27] : memref<10008x128xf32, #tpu.memory_space<vmem_shared>> -> memref<10008x128xf32, #tpu.memory_space<vmem_shared>>
        tpu.enqueue_indirect_dma source(%arg7 : memref<64x128xf32, #tpu.memory_space<vmem>>) target(%dma_start3A_28 : memref<10008x128xf32, #tpu.memory_space<vmem_shared>>) offsets(%dma_start3A_25 : memref<64xi32, #tpu.memory_space<vmem>>) semaphore(%run_scoped3A : memref<!tpu.dma_semaphore, #tpu.memory_space<semaphore_mem>>) {add = true}
        %dma_wait3A = arith.constant 0 : i32
        %dma_wait3A_29 = tpu.memref_slice %arg6[%scan3A_23, %dma_wait3A] : memref<79x128xi32, #tpu.memory_space<vmem>> -> memref<1x64xi32, #tpu.memory_space<vmem>>
        %dma_wait3A_30 = tpu.memref_squeeze %dma_wait3A_29 : memref<1x64xi32, #tpu.memory_space<vmem>> -> memref<64xi32, #tpu.memory_space<vmem>>
        %dma_wait3A_31 = arith.constant 0 : i32
        %dma_wait3A_32 = arith.constant 0 : i32
        %dma_wait3A_33 = tpu.memref_slice %arg8[%dma_wait3A_31, %dma_wait3A_32] : memref<10008x128xf32, #tpu.memory_space<vmem_shared>> -> memref<10008x128xf32, #tpu.memory_space<vmem_shared>>
        tpu.wait_indirect_dma semaphore(%run_scoped3A : memref<!tpu.dma_semaphore, #tpu.memory_space<semaphore_mem>>) src(%arg7 : memref<64x128xf32, #tpu.memory_space<vmem>>) dst(%dma_wait3A_33 : memref<10008x128xf32, #tpu.memory_space<vmem_shared>>)
        tpu.yield
      }) : () -> ()
      "tpu.region"() ({
        %run_scoped3A = tpu.sem_alloc : memref<!tpu.dma_semaphore, #tpu.memory_space<semaphore_mem>>
        %dma_start3A = arith.constant 64 : i32
        %dma_start3A_24 = tpu.memref_slice %arg6[%scan3A_23, %dma_start3A] : memref<79x128xi32, #tpu.memory_space<vmem>> -> memref<1x64xi32, #tpu.memory_space<vmem>>
        %dma_start3A_25 = tpu.memref_squeeze %dma_start3A_24 : memref<1x64xi32, #tpu.memory_space<vmem>> -> memref<64xi32, #tpu.memory_space<vmem>>
        %dma_start3A_26 = arith.constant 0 : i32
        %dma_start3A_27 = arith.constant 0 : i32
        %dma_start3A_28 = tpu.memref_slice %arg8[%dma_start3A_26, %dma_start3A_27] : memref<10008x128xf32, #tpu.memory_space<vmem_shared>> -> memref<10008x128xf32, #tpu.memory_space<vmem_shared>>
        tpu.enqueue_indirect_dma source(%arg7 : memref<64x128xf32, #tpu.memory_space<vmem>>) target(%dma_start3A_28 : memref<10008x128xf32, #tpu.memory_space<vmem_shared>>) offsets(%dma_start3A_25 : memref<64xi32, #tpu.memory_space<vmem>>) semaphore(%run_scoped3A : memref<!tpu.dma_semaphore, #tpu.memory_space<semaphore_mem>>) {add = true}
        %dma_wait3A = arith.constant 64 : i32
        %dma_wait3A_29 = tpu.memref_slice %arg6[%scan3A_23, %dma_wait3A] : memref<79x128xi32, #tpu.memory_space<vmem>> -> memref<1x64xi32, #tpu.memory_space<vmem>>
        %dma_wait3A_30 = tpu.memref_squeeze %dma_wait3A_29 : memref<1x64xi32, #tpu.memory_space<vmem>> -> memref<64xi32, #tpu.memory_space<vmem>>
        %dma_wait3A_31 = arith.constant 0 : i32
        %dma_wait3A_32 = arith.constant 0 : i32
        %dma_wait3A_33 = tpu.memref_slice %arg8[%dma_wait3A_31, %dma_wait3A_32] : memref<10008x128xf32, #tpu.memory_space<vmem_shared>> -> memref<10008x128xf32, #tpu.memory_space<vmem_shared>>
        tpu.wait_indirect_dma semaphore(%run_scoped3A : memref<!tpu.dma_semaphore, #tpu.memory_space<semaphore_mem>>) src(%arg7 : memref<64x128xf32, #tpu.memory_space<vmem>>) dst(%dma_wait3A_33 : memref<10008x128xf32, #tpu.memory_space<vmem_shared>>)
        tpu.yield
      }) : () -> ()
    }
    %scan3A_11 = arith.constant 79 : i32
    %barrier3A_12 = arith.constant 0 : index
    tpu.barrier barrier_id(%barrier3A_12)
    %lt3A_13 = arith.constant 15 : i32
    %lt3A_14 = arith.cmpi slt, %arg1, %lt3A_13 : i32
    %convert_element_type3A_15 = arith.extui %lt3A_14 : i1 to i32
    %cond3A_16 = arith.constant 0 : i32
    %cond3A_17 = arith.cmpi ne, %convert_element_type3A_15, %cond3A_16 : i32
    scf.if %cond3A_17 {
      %mul3A_23 = arith.constant 632 : i32
      %mul3A_24 = arith.muli %arg1, %mul3A_23 : i32
      %mul3A_25 = arith.constant 632 : i32
      %mul3A_26 = arith.muli %arg1, %mul3A_25 : i32
      "tpu.region"() ({
        %run_scoped3A = tpu.sem_alloc : memref<!tpu.dma_semaphore, #tpu.memory_space<semaphore_mem>>
        %dma_start3A = arith.constant 0 : i32
        %dma_start3A_27 = tpu.memref_slice %arg5[%arg0, %mul3A_26, %dma_start3A] : memref<2x10000x128xf32, #tpu.memory_space<hbm>> -> memref<1x632x128xf32, #tpu.memory_space<hbm>>
        %dma_start3A_28 = tpu.memref_squeeze %dma_start3A_27 : memref<1x632x128xf32, #tpu.memory_space<hbm>> -> memref<632x128xf32, #tpu.memory_space<hbm>>
        %dma_start3A_29 = arith.constant 0 : i32
        %dma_start3A_30 = tpu.memref_slice %arg8[%mul3A_24, %dma_start3A_29] : memref<10008x128xf32, #tpu.memory_space<vmem_shared>> -> memref<632x128xf32, #tpu.memory_space<vmem_shared>>
        tpu.enqueue_dma source(%dma_start3A_30 : memref<632x128xf32, #tpu.memory_space<vmem_shared>>) target(%dma_start3A_28 : memref<632x128xf32, #tpu.memory_space<hbm>>) target_semaphore(%run_scoped3A : memref<!tpu.dma_semaphore, #tpu.memory_space<semaphore_mem>>)
        %dma_wait3A = arith.constant 0 : i32
        %dma_wait3A_31 = tpu.memref_slice %arg5[%arg0, %mul3A_26, %dma_wait3A] : memref<2x10000x128xf32, #tpu.memory_space<hbm>> -> memref<1x632x128xf32, #tpu.memory_space<hbm>>
        %dma_wait3A_32 = tpu.memref_squeeze %dma_wait3A_31 : memref<1x632x128xf32, #tpu.memory_space<hbm>> -> memref<632x128xf32, #tpu.memory_space<hbm>>
        %dma_wait3A_33 = arith.constant 0 : i32
        %dma_wait3A_34 = tpu.memref_slice %arg8[%mul3A_24, %dma_wait3A_33] : memref<10008x128xf32, #tpu.memory_space<vmem_shared>> -> memref<632x128xf32, #tpu.memory_space<vmem_shared>>
        tpu.wait_dma2 semaphore(%run_scoped3A : memref<!tpu.dma_semaphore, #tpu.memory_space<semaphore_mem>>) src(%dma_wait3A_34 : memref<632x128xf32, #tpu.memory_space<vmem_shared>>) dst(%dma_wait3A_32 : memref<632x128xf32, #tpu.memory_space<hbm>>)
        tpu.yield
      }) : () -> ()
    } else {
    }
    %eq3A_18 = arith.constant 15 : i32
    %eq3A_19 = arith.cmpi eq, %arg1, %eq3A_18 : i32
    %convert_element_type3A_20 = arith.extui %eq3A_19 : i1 to i32
    %cond3A_21 = arith.constant 0 : i32
    %cond3A_22 = arith.cmpi ne, %convert_element_type3A_20, %cond3A_21 : i32
    scf.if %cond3A_22 {
      "tpu.region"() ({
        %run_scoped3A = tpu.sem_alloc : memref<!tpu.dma_semaphore, #tpu.memory_space<semaphore_mem>>
        %dma_start3A = arith.constant 9480 : i32
        %dma_start3A_23 = arith.constant 0 : i32
        %dma_start3A_24 = tpu.memref_slice %arg5[%arg0, %dma_start3A, %dma_start3A_23] : memref<2x10000x128xf32, #tpu.memory_space<hbm>> -> memref<1x520x128xf32, #tpu.memory_space<hbm>>
        %dma_start3A_25 = tpu.memref_squeeze %dma_start3A_24 : memref<1x520x128xf32, #tpu.memory_space<hbm>> -> memref<520x128xf32, #tpu.memory_space<hbm>>
        %dma_start3A_26 = arith.constant 9480 : i32
        %dma_start3A_27 = arith.constant 0 : i32
        %dma_start3A_28 = tpu.memref_slice %arg8[%dma_start3A_26, %dma_start3A_27] : memref<10008x128xf32, #tpu.memory_space<vmem_shared>> -> memref<520x128xf32, #tpu.memory_space<vmem_shared>>
        tpu.enqueue_dma source(%dma_start3A_28 : memref<520x128xf32, #tpu.memory_space<vmem_shared>>) target(%dma_start3A_25 : memref<520x128xf32, #tpu.memory_space<hbm>>) target_semaphore(%run_scoped3A : memref<!tpu.dma_semaphore, #tpu.memory_space<semaphore_mem>>)
        %dma_wait3A = arith.constant 9480 : i32
        %dma_wait3A_29 = arith.constant 0 : i32
        %dma_wait3A_30 = tpu.memref_slice %arg5[%arg0, %dma_wait3A, %dma_wait3A_29] : memref<2x10000x128xf32, #tpu.memory_space<hbm>> -> memref<1x520x128xf32, #tpu.memory_space<hbm>>
        %dma_wait3A_31 = tpu.memref_squeeze %dma_wait3A_30 : memref<1x520x128xf32, #tpu.memory_space<hbm>> -> memref<520x128xf32, #tpu.memory_space<hbm>>
        %dma_wait3A_32 = arith.constant 9480 : i32
        %dma_wait3A_33 = arith.constant 0 : i32
        %dma_wait3A_34 = tpu.memref_slice %arg8[%dma_wait3A_32, %dma_wait3A_33] : memref<10008x128xf32, #tpu.memory_space<vmem_shared>> -> memref<520x128xf32, #tpu.memory_space<vmem_shared>>
        tpu.wait_dma2 semaphore(%run_scoped3A : memref<!tpu.dma_semaphore, #tpu.memory_space<semaphore_mem>>) src(%dma_wait3A_34 : memref<520x128xf32, #tpu.memory_space<vmem_shared>>) dst(%dma_wait3A_31 : memref<520x128xf32, #tpu.memory_space<hbm>>)
        tpu.yield
      }) : () -> ()
    } else {
    }
    return
  }
}

#map = affine_map<(d0, d1) -> (0, 0, 0)>
#map1 = affine_map<(d0, d1) -> (0, 0)>
module attributes {stable_mosaic.version = 14 : i64} {
  func.func @k(%arg0: i32, %arg1: i32, %arg2: memref<32x79x128xi32, #tpu.memory_space<hbm>>, %arg3: memref<32x79x128xi32, #tpu.memory_space<hbm>>, %arg4: memref<10000x128xf32, #tpu.memory_space<hbm>>, %arg5: memref<10000x128xf32, #tpu.memory_space<hbm>>, %arg6: memref<2x10000x128xf32, #tpu.memory_space<hbm>>, %arg7: memref<79x128xi32, #tpu.memory_space<vmem>>, %arg8: memref<79x128xi32, #tpu.memory_space<vmem>>, %arg9: memref<64x128xf32, #tpu.memory_space<vmem>>, %arg10: memref<64x128xf32, #tpu.memory_space<vmem>>, %arg11: memref<10008x128xf32, #tpu.memory_space<vmem_shared>>, %arg12: memref<!tpu.dma_semaphore, #tpu.memory_space<semaphore_mem>>, %arg13: memref<!tpu.dma_semaphore, #tpu.memory_space<semaphore_mem>>) attributes {dimension_semantics = [#tpu.dimension_semantics<core_parallel>, #tpu.dimension_semantics<subcore_parallel>], iteration_bounds = array<i64: 2, 16>, scalar_prefetch = 0 : i64, scratch_operands = 7 : i64, tpu.core_type = #tpu.core_type<sc_vector_subcore>, window_params = [{transform_indices = #map}, {transform_indices = #map}, {transform_indices = #map1}, {transform_indices = #map1}, {transform_indices = #map}]} {
    %mul3A = arith.constant 16 : i32
    %mul3A_0 = arith.muli %arg0, %mul3A : i32
    %add3A = arith.addi %mul3A_0, %arg1 : i32
    "tpu.region"() ({
      %run_scoped3A_50 = tpu.sem_alloc : memref<!tpu.dma_semaphore, #tpu.memory_space<semaphore_mem>>
      %dma_start3A_51 = arith.constant 0 : i32
      %dma_start3A_52 = arith.constant 0 : i32
      %dma_start3A_53 = tpu.memref_slice %arg2[%add3A, %dma_start3A_51, %dma_start3A_52] : memref<32x79x128xi32, #tpu.memory_space<hbm>> -> memref<1x79x128xi32, #tpu.memory_space<hbm>>
      %dma_start3A_54 = tpu.memref_squeeze %dma_start3A_53 : memref<1x79x128xi32, #tpu.memory_space<hbm>> -> memref<79x128xi32, #tpu.memory_space<hbm>>
      %dma_start3A_55 = arith.constant 0 : i32
      %dma_start3A_56 = arith.constant 0 : i32
      %dma_start3A_57 = tpu.memref_slice %arg2[%add3A, %dma_start3A_55, %dma_start3A_56] : memref<32x79x128xi32, #tpu.memory_space<hbm>> -> memref<1x79x128xi32, #tpu.memory_space<hbm>>
      %dma_start3A_58 = tpu.memref_squeeze %dma_start3A_57 : memref<1x79x128xi32, #tpu.memory_space<hbm>> -> memref<79x128xi32, #tpu.memory_space<hbm>>
      tpu.enqueue_dma source(%dma_start3A_58 : memref<79x128xi32, #tpu.memory_space<hbm>>) target(%arg7 : memref<79x128xi32, #tpu.memory_space<vmem>>) target_semaphore(%run_scoped3A_50 : memref<!tpu.dma_semaphore, #tpu.memory_space<semaphore_mem>>)
      %dma_wait3A_59 = arith.constant 0 : i32
      %dma_wait3A_60 = arith.constant 0 : i32
      %dma_wait3A_61 = tpu.memref_slice %arg2[%add3A, %dma_wait3A_59, %dma_wait3A_60] : memref<32x79x128xi32, #tpu.memory_space<hbm>> -> memref<1x79x128xi32, #tpu.memory_space<hbm>>
      %dma_wait3A_62 = tpu.memref_squeeze %dma_wait3A_61 : memref<1x79x128xi32, #tpu.memory_space<hbm>> -> memref<79x128xi32, #tpu.memory_space<hbm>>
      %dma_wait3A_63 = arith.constant 0 : i32
      %dma_wait3A_64 = arith.constant 0 : i32
      %dma_wait3A_65 = tpu.memref_slice %arg2[%add3A, %dma_wait3A_63, %dma_wait3A_64] : memref<32x79x128xi32, #tpu.memory_space<hbm>> -> memref<1x79x128xi32, #tpu.memory_space<hbm>>
      %dma_wait3A_66 = tpu.memref_squeeze %dma_wait3A_65 : memref<1x79x128xi32, #tpu.memory_space<hbm>> -> memref<79x128xi32, #tpu.memory_space<hbm>>
      tpu.wait_dma2 semaphore(%run_scoped3A_50 : memref<!tpu.dma_semaphore, #tpu.memory_space<semaphore_mem>>) src(%dma_wait3A_66 : memref<79x128xi32, #tpu.memory_space<hbm>>) dst(%arg7 : memref<79x128xi32, #tpu.memory_space<vmem>>)
      tpu.yield
    }) : () -> ()
    "tpu.region"() ({
      %run_scoped3A_50 = tpu.sem_alloc : memref<!tpu.dma_semaphore, #tpu.memory_space<semaphore_mem>>
      %dma_start3A_51 = arith.constant 0 : i32
      %dma_start3A_52 = arith.constant 0 : i32
      %dma_start3A_53 = tpu.memref_slice %arg3[%add3A, %dma_start3A_51, %dma_start3A_52] : memref<32x79x128xi32, #tpu.memory_space<hbm>> -> memref<1x79x128xi32, #tpu.memory_space<hbm>>
      %dma_start3A_54 = tpu.memref_squeeze %dma_start3A_53 : memref<1x79x128xi32, #tpu.memory_space<hbm>> -> memref<79x128xi32, #tpu.memory_space<hbm>>
      %dma_start3A_55 = arith.constant 0 : i32
      %dma_start3A_56 = arith.constant 0 : i32
      %dma_start3A_57 = tpu.memref_slice %arg3[%add3A, %dma_start3A_55, %dma_start3A_56] : memref<32x79x128xi32, #tpu.memory_space<hbm>> -> memref<1x79x128xi32, #tpu.memory_space<hbm>>
      %dma_start3A_58 = tpu.memref_squeeze %dma_start3A_57 : memref<1x79x128xi32, #tpu.memory_space<hbm>> -> memref<79x128xi32, #tpu.memory_space<hbm>>
      tpu.enqueue_dma source(%dma_start3A_58 : memref<79x128xi32, #tpu.memory_space<hbm>>) target(%arg8 : memref<79x128xi32, #tpu.memory_space<vmem>>) target_semaphore(%run_scoped3A_50 : memref<!tpu.dma_semaphore, #tpu.memory_space<semaphore_mem>>)
      %dma_wait3A_59 = arith.constant 0 : i32
      %dma_wait3A_60 = arith.constant 0 : i32
      %dma_wait3A_61 = tpu.memref_slice %arg3[%add3A, %dma_wait3A_59, %dma_wait3A_60] : memref<32x79x128xi32, #tpu.memory_space<hbm>> -> memref<1x79x128xi32, #tpu.memory_space<hbm>>
      %dma_wait3A_62 = tpu.memref_squeeze %dma_wait3A_61 : memref<1x79x128xi32, #tpu.memory_space<hbm>> -> memref<79x128xi32, #tpu.memory_space<hbm>>
      %dma_wait3A_63 = arith.constant 0 : i32
      %dma_wait3A_64 = arith.constant 0 : i32
      %dma_wait3A_65 = tpu.memref_slice %arg3[%add3A, %dma_wait3A_63, %dma_wait3A_64] : memref<32x79x128xi32, #tpu.memory_space<hbm>> -> memref<1x79x128xi32, #tpu.memory_space<hbm>>
      %dma_wait3A_66 = tpu.memref_squeeze %dma_wait3A_65 : memref<1x79x128xi32, #tpu.memory_space<hbm>> -> memref<79x128xi32, #tpu.memory_space<hbm>>
      tpu.wait_dma2 semaphore(%run_scoped3A_50 : memref<!tpu.dma_semaphore, #tpu.memory_space<semaphore_mem>>) src(%dma_wait3A_66 : memref<79x128xi32, #tpu.memory_space<hbm>>) dst(%arg8 : memref<79x128xi32, #tpu.memory_space<vmem>>)
      tpu.yield
    }) : () -> ()
    %lt3A = arith.constant 15 : i32
    %lt3A_1 = arith.cmpi slt, %arg1, %lt3A : i32
    %convert_element_type3A = arith.extui %lt3A_1 : i1 to i32
    %cond3A = arith.constant 0 : i32
    %cond3A_2 = arith.cmpi ne, %convert_element_type3A, %cond3A : i32
    scf.if %cond3A_2 {
      %mul3A_50 = arith.constant 632 : i32
      %mul3A_51 = arith.muli %arg1, %mul3A_50 : i32
      %mul3A_52 = arith.constant 632 : i32
      %mul3A_53 = arith.muli %arg1, %mul3A_52 : i32
      "tpu.region"() ({
        %run_scoped3A_54 = tpu.sem_alloc : memref<!tpu.dma_semaphore, #tpu.memory_space<semaphore_mem>>
        %dma_start3A_55 = arith.constant 0 : i32
        %dma_start3A_56 = tpu.memref_slice %arg11[%mul3A_53, %dma_start3A_55] : memref<10008x128xf32, #tpu.memory_space<vmem_shared>> -> memref<632x128xf32, #tpu.memory_space<vmem_shared>>
        %dma_start3A_57 = arith.constant 0 : i32
        %dma_start3A_58 = tpu.memref_slice %arg5[%mul3A_51, %dma_start3A_57] : memref<10000x128xf32, #tpu.memory_space<hbm>> -> memref<632x128xf32, #tpu.memory_space<hbm>>
        tpu.enqueue_dma source(%dma_start3A_58 : memref<632x128xf32, #tpu.memory_space<hbm>>) target(%dma_start3A_56 : memref<632x128xf32, #tpu.memory_space<vmem_shared>>) target_semaphore(%run_scoped3A_54 : memref<!tpu.dma_semaphore, #tpu.memory_space<semaphore_mem>>)
        %dma_wait3A_59 = arith.constant 0 : i32
        %dma_wait3A_60 = tpu.memref_slice %arg11[%mul3A_53, %dma_wait3A_59] : memref<10008x128xf32, #tpu.memory_space<vmem_shared>> -> memref<632x128xf32, #tpu.memory_space<vmem_shared>>
        %dma_wait3A_61 = arith.constant 0 : i32
        %dma_wait3A_62 = tpu.memref_slice %arg5[%mul3A_51, %dma_wait3A_61] : memref<10000x128xf32, #tpu.memory_space<hbm>> -> memref<632x128xf32, #tpu.memory_space<hbm>>
        tpu.wait_dma2 semaphore(%run_scoped3A_54 : memref<!tpu.dma_semaphore, #tpu.memory_space<semaphore_mem>>) src(%dma_wait3A_62 : memref<632x128xf32, #tpu.memory_space<hbm>>) dst(%dma_wait3A_60 : memref<632x128xf32, #tpu.memory_space<vmem_shared>>)
        tpu.yield
      }) : () -> ()
    } else {
    }
    %eq3A = arith.constant 15 : i32
    %eq3A_3 = arith.cmpi eq, %arg1, %eq3A : i32
    %convert_element_type3A_4 = arith.extui %eq3A_3 : i1 to i32
    %cond3A_5 = arith.constant 0 : i32
    %cond3A_6 = arith.cmpi ne, %convert_element_type3A_4, %cond3A_5 : i32
    scf.if %cond3A_6 {
      "tpu.region"() ({
        %run_scoped3A_50 = tpu.sem_alloc : memref<!tpu.dma_semaphore, #tpu.memory_space<semaphore_mem>>
        %dma_start3A_51 = arith.constant 9480 : i32
        %dma_start3A_52 = arith.constant 0 : i32
        %dma_start3A_53 = tpu.memref_slice %arg11[%dma_start3A_51, %dma_start3A_52] : memref<10008x128xf32, #tpu.memory_space<vmem_shared>> -> memref<520x128xf32, #tpu.memory_space<vmem_shared>>
        %dma_start3A_54 = arith.constant 9480 : i32
        %dma_start3A_55 = arith.constant 0 : i32
        %dma_start3A_56 = tpu.memref_slice %arg5[%dma_start3A_54, %dma_start3A_55] : memref<10000x128xf32, #tpu.memory_space<hbm>> -> memref<520x128xf32, #tpu.memory_space<hbm>>
        tpu.enqueue_dma source(%dma_start3A_56 : memref<520x128xf32, #tpu.memory_space<hbm>>) target(%dma_start3A_53 : memref<520x128xf32, #tpu.memory_space<vmem_shared>>) target_semaphore(%run_scoped3A_50 : memref<!tpu.dma_semaphore, #tpu.memory_space<semaphore_mem>>)
        %dma_wait3A_57 = arith.constant 9480 : i32
        %dma_wait3A_58 = arith.constant 0 : i32
        %dma_wait3A_59 = tpu.memref_slice %arg11[%dma_wait3A_57, %dma_wait3A_58] : memref<10008x128xf32, #tpu.memory_space<vmem_shared>> -> memref<520x128xf32, #tpu.memory_space<vmem_shared>>
        %dma_wait3A_60 = arith.constant 9480 : i32
        %dma_wait3A_61 = arith.constant 0 : i32
        %dma_wait3A_62 = tpu.memref_slice %arg5[%dma_wait3A_60, %dma_wait3A_61] : memref<10000x128xf32, #tpu.memory_space<hbm>> -> memref<520x128xf32, #tpu.memory_space<hbm>>
        tpu.wait_dma2 semaphore(%run_scoped3A_50 : memref<!tpu.dma_semaphore, #tpu.memory_space<semaphore_mem>>) src(%dma_wait3A_62 : memref<520x128xf32, #tpu.memory_space<hbm>>) dst(%dma_wait3A_59 : memref<520x128xf32, #tpu.memory_space<vmem_shared>>)
        tpu.yield
      }) : () -> ()
    } else {
    }
    %barrier3A = arith.constant 0 : index
    tpu.barrier barrier_id(%barrier3A)
    %dma_start3A = arith.constant 0 : i32
    %dma_start3A_7 = arith.constant 0 : i32
    %dma_start3A_8 = tpu.memref_slice %arg7[%dma_start3A, %dma_start3A_7] : memref<79x128xi32, #tpu.memory_space<vmem>> -> memref<1x64xi32, #tpu.memory_space<vmem>>
    %dma_start3A_9 = tpu.memref_squeeze %dma_start3A_8 : memref<1x64xi32, #tpu.memory_space<vmem>> -> memref<64xi32, #tpu.memory_space<vmem>>
    %dma_start3A_10 = arith.constant 0 : i32
    %dma_start3A_11 = arith.constant 0 : i32
    %dma_start3A_12 = tpu.memref_slice %arg4[%dma_start3A_10, %dma_start3A_11] : memref<10000x128xf32, #tpu.memory_space<hbm>> -> memref<10000x128xf32, #tpu.memory_space<hbm>>
    tpu.enqueue_indirect_dma source(%dma_start3A_12 : memref<10000x128xf32, #tpu.memory_space<hbm>>) target(%arg9 : memref<64x128xf32, #tpu.memory_space<vmem>>) offsets(%dma_start3A_9 : memref<64xi32, #tpu.memory_space<vmem>>) semaphore(%arg12 : memref<!tpu.dma_semaphore, #tpu.memory_space<semaphore_mem>>)
    %scan3A = arith.constant 0 : i32
    %scan3A_13 = arith.constant 0 : i32
    %scan3A_14 = arith.constant 78 : i32
    %scan3A_15 = arith.addi %scan3A_13, %scan3A_14 : i32
    %scan3A_16 = arith.constant 1 : i32
    scf.for %scan3A_50 = %scan3A_13 to %scan3A_15 step %scan3A_16  : i32 {
      %dma_start3A_51 = arith.constant 64 : i32
      %dma_start3A_52 = tpu.memref_slice %arg7[%scan3A_50, %dma_start3A_51] : memref<79x128xi32, #tpu.memory_space<vmem>> -> memref<1x64xi32, #tpu.memory_space<vmem>>
      %dma_start3A_53 = tpu.memref_squeeze %dma_start3A_52 : memref<1x64xi32, #tpu.memory_space<vmem>> -> memref<64xi32, #tpu.memory_space<vmem>>
      %dma_start3A_54 = arith.constant 0 : i32
      %dma_start3A_55 = arith.constant 0 : i32
      %dma_start3A_56 = tpu.memref_slice %arg4[%dma_start3A_54, %dma_start3A_55] : memref<10000x128xf32, #tpu.memory_space<hbm>> -> memref<10000x128xf32, #tpu.memory_space<hbm>>
      tpu.enqueue_indirect_dma source(%dma_start3A_56 : memref<10000x128xf32, #tpu.memory_space<hbm>>) target(%arg10 : memref<64x128xf32, #tpu.memory_space<vmem>>) offsets(%dma_start3A_53 : memref<64xi32, #tpu.memory_space<vmem>>) semaphore(%arg13 : memref<!tpu.dma_semaphore, #tpu.memory_space<semaphore_mem>>)
      %dma_wait3A_57 = arith.constant 0 : i32
      %dma_wait3A_58 = tpu.memref_slice %arg7[%scan3A_50, %dma_wait3A_57] : memref<79x128xi32, #tpu.memory_space<vmem>> -> memref<1x64xi32, #tpu.memory_space<vmem>>
      %dma_wait3A_59 = tpu.memref_squeeze %dma_wait3A_58 : memref<1x64xi32, #tpu.memory_space<vmem>> -> memref<64xi32, #tpu.memory_space<vmem>>
      %dma_wait3A_60 = arith.constant 0 : i32
      %dma_wait3A_61 = arith.constant 0 : i32
      %dma_wait3A_62 = tpu.memref_slice %arg4[%dma_wait3A_60, %dma_wait3A_61] : memref<10000x128xf32, #tpu.memory_space<hbm>> -> memref<10000x128xf32, #tpu.memory_space<hbm>>
      tpu.wait_indirect_dma semaphore(%arg12 : memref<!tpu.dma_semaphore, #tpu.memory_space<semaphore_mem>>) src(%dma_wait3A_62 : memref<10000x128xf32, #tpu.memory_space<hbm>>) dst(%arg9 : memref<64x128xf32, #tpu.memory_space<vmem>>)
      "tpu.region"() ({
        %run_scoped3A_77 = tpu.sem_alloc : memref<!tpu.dma_semaphore, #tpu.memory_space<semaphore_mem>>
        %dma_start3A_78 = arith.constant 0 : i32
        %dma_start3A_79 = tpu.memref_slice %arg8[%scan3A_50, %dma_start3A_78] : memref<79x128xi32, #tpu.memory_space<vmem>> -> memref<1x64xi32, #tpu.memory_space<vmem>>
        %dma_start3A_80 = tpu.memref_squeeze %dma_start3A_79 : memref<1x64xi32, #tpu.memory_space<vmem>> -> memref<64xi32, #tpu.memory_space<vmem>>
        %dma_start3A_81 = arith.constant 0 : i32
        %dma_start3A_82 = arith.constant 0 : i32
        %dma_start3A_83 = tpu.memref_slice %arg11[%dma_start3A_81, %dma_start3A_82] : memref<10008x128xf32, #tpu.memory_space<vmem_shared>> -> memref<10008x128xf32, #tpu.memory_space<vmem_shared>>
        tpu.enqueue_indirect_dma source(%arg9 : memref<64x128xf32, #tpu.memory_space<vmem>>) target(%dma_start3A_83 : memref<10008x128xf32, #tpu.memory_space<vmem_shared>>) offsets(%dma_start3A_80 : memref<64xi32, #tpu.memory_space<vmem>>) semaphore(%run_scoped3A_77 : memref<!tpu.dma_semaphore, #tpu.memory_space<semaphore_mem>>) {add = true}
        %dma_wait3A_84 = arith.constant 0 : i32
        %dma_wait3A_85 = tpu.memref_slice %arg8[%scan3A_50, %dma_wait3A_84] : memref<79x128xi32, #tpu.memory_space<vmem>> -> memref<1x64xi32, #tpu.memory_space<vmem>>
        %dma_wait3A_86 = tpu.memref_squeeze %dma_wait3A_85 : memref<1x64xi32, #tpu.memory_space<vmem>> -> memref<64xi32, #tpu.memory_space<vmem>>
        %dma_wait3A_87 = arith.constant 0 : i32
        %dma_wait3A_88 = arith.constant 0 : i32
        %dma_wait3A_89 = tpu.memref_slice %arg11[%dma_wait3A_87, %dma_wait3A_88] : memref<10008x128xf32, #tpu.memory_space<vmem_shared>> -> memref<10008x128xf32, #tpu.memory_space<vmem_shared>>
        tpu.wait_indirect_dma semaphore(%run_scoped3A_77 : memref<!tpu.dma_semaphore, #tpu.memory_space<semaphore_mem>>) src(%arg9 : memref<64x128xf32, #tpu.memory_space<vmem>>) dst(%dma_wait3A_89 : memref<10008x128xf32, #tpu.memory_space<vmem_shared>>)
        tpu.yield
      }) : () -> ()
      %add3A_63 = arith.constant 1 : i32
      %add3A_64 = arith.addi %scan3A_50, %add3A_63 : i32
      %dma_start3A_65 = arith.constant 0 : i32
      %dma_start3A_66 = tpu.memref_slice %arg7[%add3A_64, %dma_start3A_65] : memref<79x128xi32, #tpu.memory_space<vmem>> -> memref<1x64xi32, #tpu.memory_space<vmem>>
      %dma_start3A_67 = tpu.memref_squeeze %dma_start3A_66 : memref<1x64xi32, #tpu.memory_space<vmem>> -> memref<64xi32, #tpu.memory_space<vmem>>
      %dma_start3A_68 = arith.constant 0 : i32
      %dma_start3A_69 = arith.constant 0 : i32
      %dma_start3A_70 = tpu.memref_slice %arg4[%dma_start3A_68, %dma_start3A_69] : memref<10000x128xf32, #tpu.memory_space<hbm>> -> memref<10000x128xf32, #tpu.memory_space<hbm>>
      tpu.enqueue_indirect_dma source(%dma_start3A_70 : memref<10000x128xf32, #tpu.memory_space<hbm>>) target(%arg9 : memref<64x128xf32, #tpu.memory_space<vmem>>) offsets(%dma_start3A_67 : memref<64xi32, #tpu.memory_space<vmem>>) semaphore(%arg12 : memref<!tpu.dma_semaphore, #tpu.memory_space<semaphore_mem>>)
      %dma_wait3A_71 = arith.constant 64 : i32
      %dma_wait3A_72 = tpu.memref_slice %arg7[%scan3A_50, %dma_wait3A_71] : memref<79x128xi32, #tpu.memory_space<vmem>> -> memref<1x64xi32, #tpu.memory_space<vmem>>
      %dma_wait3A_73 = tpu.memref_squeeze %dma_wait3A_72 : memref<1x64xi32, #tpu.memory_space<vmem>> -> memref<64xi32, #tpu.memory_space<vmem>>
      %dma_wait3A_74 = arith.constant 0 : i32
      %dma_wait3A_75 = arith.constant 0 : i32
      %dma_wait3A_76 = tpu.memref_slice %arg4[%dma_wait3A_74, %dma_wait3A_75] : memref<10000x128xf32, #tpu.memory_space<hbm>> -> memref<10000x128xf32, #tpu.memory_space<hbm>>
      tpu.wait_indirect_dma semaphore(%arg13 : memref<!tpu.dma_semaphore, #tpu.memory_space<semaphore_mem>>) src(%dma_wait3A_76 : memref<10000x128xf32, #tpu.memory_space<hbm>>) dst(%arg10 : memref<64x128xf32, #tpu.memory_space<vmem>>)
      "tpu.region"() ({
        %run_scoped3A_77 = tpu.sem_alloc : memref<!tpu.dma_semaphore, #tpu.memory_space<semaphore_mem>>
        %dma_start3A_78 = arith.constant 64 : i32
        %dma_start3A_79 = tpu.memref_slice %arg8[%scan3A_50, %dma_start3A_78] : memref<79x128xi32, #tpu.memory_space<vmem>> -> memref<1x64xi32, #tpu.memory_space<vmem>>
        %dma_start3A_80 = tpu.memref_squeeze %dma_start3A_79 : memref<1x64xi32, #tpu.memory_space<vmem>> -> memref<64xi32, #tpu.memory_space<vmem>>
        %dma_start3A_81 = arith.constant 0 : i32
        %dma_start3A_82 = arith.constant 0 : i32
        %dma_start3A_83 = tpu.memref_slice %arg11[%dma_start3A_81, %dma_start3A_82] : memref<10008x128xf32, #tpu.memory_space<vmem_shared>> -> memref<10008x128xf32, #tpu.memory_space<vmem_shared>>
        tpu.enqueue_indirect_dma source(%arg10 : memref<64x128xf32, #tpu.memory_space<vmem>>) target(%dma_start3A_83 : memref<10008x128xf32, #tpu.memory_space<vmem_shared>>) offsets(%dma_start3A_80 : memref<64xi32, #tpu.memory_space<vmem>>) semaphore(%run_scoped3A_77 : memref<!tpu.dma_semaphore, #tpu.memory_space<semaphore_mem>>) {add = true}
        %dma_wait3A_84 = arith.constant 64 : i32
        %dma_wait3A_85 = tpu.memref_slice %arg8[%scan3A_50, %dma_wait3A_84] : memref<79x128xi32, #tpu.memory_space<vmem>> -> memref<1x64xi32, #tpu.memory_space<vmem>>
        %dma_wait3A_86 = tpu.memref_squeeze %dma_wait3A_85 : memref<1x64xi32, #tpu.memory_space<vmem>> -> memref<64xi32, #tpu.memory_space<vmem>>
        %dma_wait3A_87 = arith.constant 0 : i32
        %dma_wait3A_88 = arith.constant 0 : i32
        %dma_wait3A_89 = tpu.memref_slice %arg11[%dma_wait3A_87, %dma_wait3A_88] : memref<10008x128xf32, #tpu.memory_space<vmem_shared>> -> memref<10008x128xf32, #tpu.memory_space<vmem_shared>>
        tpu.wait_indirect_dma semaphore(%run_scoped3A_77 : memref<!tpu.dma_semaphore, #tpu.memory_space<semaphore_mem>>) src(%arg10 : memref<64x128xf32, #tpu.memory_space<vmem>>) dst(%dma_wait3A_89 : memref<10008x128xf32, #tpu.memory_space<vmem_shared>>)
        tpu.yield
      }) : () -> ()
    }
    %scan3A_17 = arith.constant 78 : i32
    %dma_start3A_18 = arith.constant 78 : i32
    %dma_start3A_19 = arith.constant 64 : i32
    %dma_start3A_20 = tpu.memref_slice %arg7[%dma_start3A_18, %dma_start3A_19] : memref<79x128xi32, #tpu.memory_space<vmem>> -> memref<1x64xi32, #tpu.memory_space<vmem>>
    %dma_start3A_21 = tpu.memref_squeeze %dma_start3A_20 : memref<1x64xi32, #tpu.memory_space<vmem>> -> memref<64xi32, #tpu.memory_space<vmem>>
    %dma_start3A_22 = arith.constant 0 : i32
    %dma_start3A_23 = arith.constant 0 : i32
    %dma_start3A_24 = tpu.memref_slice %arg4[%dma_start3A_22, %dma_start3A_23] : memref<10000x128xf32, #tpu.memory_space<hbm>> -> memref<10000x128xf32, #tpu.memory_space<hbm>>
    tpu.enqueue_indirect_dma source(%dma_start3A_24 : memref<10000x128xf32, #tpu.memory_space<hbm>>) target(%arg10 : memref<64x128xf32, #tpu.memory_space<vmem>>) offsets(%dma_start3A_21 : memref<64xi32, #tpu.memory_space<vmem>>) semaphore(%arg13 : memref<!tpu.dma_semaphore, #tpu.memory_space<semaphore_mem>>)
    %dma_wait3A = arith.constant 78 : i32
    %dma_wait3A_25 = arith.constant 0 : i32
    %dma_wait3A_26 = tpu.memref_slice %arg7[%dma_wait3A, %dma_wait3A_25] : memref<79x128xi32, #tpu.memory_space<vmem>> -> memref<1x64xi32, #tpu.memory_space<vmem>>
    %dma_wait3A_27 = tpu.memref_squeeze %dma_wait3A_26 : memref<1x64xi32, #tpu.memory_space<vmem>> -> memref<64xi32, #tpu.memory_space<vmem>>
    %dma_wait3A_28 = arith.constant 0 : i32
    %dma_wait3A_29 = arith.constant 0 : i32
    %dma_wait3A_30 = tpu.memref_slice %arg4[%dma_wait3A_28, %dma_wait3A_29] : memref<10000x128xf32, #tpu.memory_space<hbm>> -> memref<10000x128xf32, #tpu.memory_space<hbm>>
    tpu.wait_indirect_dma semaphore(%arg12 : memref<!tpu.dma_semaphore, #tpu.memory_space<semaphore_mem>>) src(%dma_wait3A_30 : memref<10000x128xf32, #tpu.memory_space<hbm>>) dst(%arg9 : memref<64x128xf32, #tpu.memory_space<vmem>>)
    %run_scoped3A = arith.constant 78 : i32
    "tpu.region"() ({
      %run_scoped3A_50 = tpu.sem_alloc : memref<!tpu.dma_semaphore, #tpu.memory_space<semaphore_mem>>
      %dma_start3A_51 = arith.constant 0 : i32
      %dma_start3A_52 = tpu.memref_slice %arg8[%run_scoped3A, %dma_start3A_51] : memref<79x128xi32, #tpu.memory_space<vmem>> -> memref<1x64xi32, #tpu.memory_space<vmem>>
      %dma_start3A_53 = tpu.memref_squeeze %dma_start3A_52 : memref<1x64xi32, #tpu.memory_space<vmem>> -> memref<64xi32, #tpu.memory_space<vmem>>
      %dma_start3A_54 = arith.constant 0 : i32
      %dma_start3A_55 = arith.constant 0 : i32
      %dma_start3A_56 = tpu.memref_slice %arg11[%dma_start3A_54, %dma_start3A_55] : memref<10008x128xf32, #tpu.memory_space<vmem_shared>> -> memref<10008x128xf32, #tpu.memory_space<vmem_shared>>
      tpu.enqueue_indirect_dma source(%arg9 : memref<64x128xf32, #tpu.memory_space<vmem>>) target(%dma_start3A_56 : memref<10008x128xf32, #tpu.memory_space<vmem_shared>>) offsets(%dma_start3A_53 : memref<64xi32, #tpu.memory_space<vmem>>) semaphore(%run_scoped3A_50 : memref<!tpu.dma_semaphore, #tpu.memory_space<semaphore_mem>>) {add = true}
      %dma_wait3A_57 = arith.constant 0 : i32
      %dma_wait3A_58 = tpu.memref_slice %arg8[%run_scoped3A, %dma_wait3A_57] : memref<79x128xi32, #tpu.memory_space<vmem>> -> memref<1x64xi32, #tpu.memory_space<vmem>>
      %dma_wait3A_59 = tpu.memref_squeeze %dma_wait3A_58 : memref<1x64xi32, #tpu.memory_space<vmem>> -> memref<64xi32, #tpu.memory_space<vmem>>
      %dma_wait3A_60 = arith.constant 0 : i32
      %dma_wait3A_61 = arith.constant 0 : i32
      %dma_wait3A_62 = tpu.memref_slice %arg11[%dma_wait3A_60, %dma_wait3A_61] : memref<10008x128xf32, #tpu.memory_space<vmem_shared>> -> memref<10008x128xf32, #tpu.memory_space<vmem_shared>>
      tpu.wait_indirect_dma semaphore(%run_scoped3A_50 : memref<!tpu.dma_semaphore, #tpu.memory_space<semaphore_mem>>) src(%arg9 : memref<64x128xf32, #tpu.memory_space<vmem>>) dst(%dma_wait3A_62 : memref<10008x128xf32, #tpu.memory_space<vmem_shared>>)
      tpu.yield
    }) : () -> ()
    %dma_wait3A_31 = arith.constant 78 : i32
    %dma_wait3A_32 = arith.constant 64 : i32
    %dma_wait3A_33 = tpu.memref_slice %arg7[%dma_wait3A_31, %dma_wait3A_32] : memref<79x128xi32, #tpu.memory_space<vmem>> -> memref<1x64xi32, #tpu.memory_space<vmem>>
    %dma_wait3A_34 = tpu.memref_squeeze %dma_wait3A_33 : memref<1x64xi32, #tpu.memory_space<vmem>> -> memref<64xi32, #tpu.memory_space<vmem>>
    %dma_wait3A_35 = arith.constant 0 : i32
    %dma_wait3A_36 = arith.constant 0 : i32
    %dma_wait3A_37 = tpu.memref_slice %arg4[%dma_wait3A_35, %dma_wait3A_36] : memref<10000x128xf32, #tpu.memory_space<hbm>> -> memref<10000x128xf32, #tpu.memory_space<hbm>>
    tpu.wait_indirect_dma semaphore(%arg13 : memref<!tpu.dma_semaphore, #tpu.memory_space<semaphore_mem>>) src(%dma_wait3A_37 : memref<10000x128xf32, #tpu.memory_space<hbm>>) dst(%arg10 : memref<64x128xf32, #tpu.memory_space<vmem>>)
    %run_scoped3A_38 = arith.constant 78 : i32
    "tpu.region"() ({
      %run_scoped3A_50 = tpu.sem_alloc : memref<!tpu.dma_semaphore, #tpu.memory_space<semaphore_mem>>
      %dma_start3A_51 = arith.constant 64 : i32
      %dma_start3A_52 = tpu.memref_slice %arg8[%run_scoped3A_38, %dma_start3A_51] : memref<79x128xi32, #tpu.memory_space<vmem>> -> memref<1x64xi32, #tpu.memory_space<vmem>>
      %dma_start3A_53 = tpu.memref_squeeze %dma_start3A_52 : memref<1x64xi32, #tpu.memory_space<vmem>> -> memref<64xi32, #tpu.memory_space<vmem>>
      %dma_start3A_54 = arith.constant 0 : i32
      %dma_start3A_55 = arith.constant 0 : i32
      %dma_start3A_56 = tpu.memref_slice %arg11[%dma_start3A_54, %dma_start3A_55] : memref<10008x128xf32, #tpu.memory_space<vmem_shared>> -> memref<10008x128xf32, #tpu.memory_space<vmem_shared>>
      tpu.enqueue_indirect_dma source(%arg10 : memref<64x128xf32, #tpu.memory_space<vmem>>) target(%dma_start3A_56 : memref<10008x128xf32, #tpu.memory_space<vmem_shared>>) offsets(%dma_start3A_53 : memref<64xi32, #tpu.memory_space<vmem>>) semaphore(%run_scoped3A_50 : memref<!tpu.dma_semaphore, #tpu.memory_space<semaphore_mem>>) {add = true}
      %dma_wait3A_57 = arith.constant 64 : i32
      %dma_wait3A_58 = tpu.memref_slice %arg8[%run_scoped3A_38, %dma_wait3A_57] : memref<79x128xi32, #tpu.memory_space<vmem>> -> memref<1x64xi32, #tpu.memory_space<vmem>>
      %dma_wait3A_59 = tpu.memref_squeeze %dma_wait3A_58 : memref<1x64xi32, #tpu.memory_space<vmem>> -> memref<64xi32, #tpu.memory_space<vmem>>
      %dma_wait3A_60 = arith.constant 0 : i32
      %dma_wait3A_61 = arith.constant 0 : i32
      %dma_wait3A_62 = tpu.memref_slice %arg11[%dma_wait3A_60, %dma_wait3A_61] : memref<10008x128xf32, #tpu.memory_space<vmem_shared>> -> memref<10008x128xf32, #tpu.memory_space<vmem_shared>>
      tpu.wait_indirect_dma semaphore(%run_scoped3A_50 : memref<!tpu.dma_semaphore, #tpu.memory_space<semaphore_mem>>) src(%arg10 : memref<64x128xf32, #tpu.memory_space<vmem>>) dst(%dma_wait3A_62 : memref<10008x128xf32, #tpu.memory_space<vmem_shared>>)
      tpu.yield
    }) : () -> ()
    %barrier3A_39 = arith.constant 0 : index
    tpu.barrier barrier_id(%barrier3A_39)
    %lt3A_40 = arith.constant 15 : i32
    %lt3A_41 = arith.cmpi slt, %arg1, %lt3A_40 : i32
    %convert_element_type3A_42 = arith.extui %lt3A_41 : i1 to i32
    %cond3A_43 = arith.constant 0 : i32
    %cond3A_44 = arith.cmpi ne, %convert_element_type3A_42, %cond3A_43 : i32
    scf.if %cond3A_44 {
      %mul3A_50 = arith.constant 632 : i32
      %mul3A_51 = arith.muli %arg1, %mul3A_50 : i32
      %mul3A_52 = arith.constant 632 : i32
      %mul3A_53 = arith.muli %arg1, %mul3A_52 : i32
      "tpu.region"() ({
        %run_scoped3A_54 = tpu.sem_alloc : memref<!tpu.dma_semaphore, #tpu.memory_space<semaphore_mem>>
        %dma_start3A_55 = arith.constant 0 : i32
        %dma_start3A_56 = tpu.memref_slice %arg6[%arg0, %mul3A_53, %dma_start3A_55] : memref<2x10000x128xf32, #tpu.memory_space<hbm>> -> memref<1x632x128xf32, #tpu.memory_space<hbm>>
        %dma_start3A_57 = tpu.memref_squeeze %dma_start3A_56 : memref<1x632x128xf32, #tpu.memory_space<hbm>> -> memref<632x128xf32, #tpu.memory_space<hbm>>
        %dma_start3A_58 = arith.constant 0 : i32
        %dma_start3A_59 = tpu.memref_slice %arg11[%mul3A_51, %dma_start3A_58] : memref<10008x128xf32, #tpu.memory_space<vmem_shared>> -> memref<632x128xf32, #tpu.memory_space<vmem_shared>>
        tpu.enqueue_dma source(%dma_start3A_59 : memref<632x128xf32, #tpu.memory_space<vmem_shared>>) target(%dma_start3A_57 : memref<632x128xf32, #tpu.memory_space<hbm>>) target_semaphore(%run_scoped3A_54 : memref<!tpu.dma_semaphore, #tpu.memory_space<semaphore_mem>>)
        %dma_wait3A_60 = arith.constant 0 : i32
        %dma_wait3A_61 = tpu.memref_slice %arg6[%arg0, %mul3A_53, %dma_wait3A_60] : memref<2x10000x128xf32, #tpu.memory_space<hbm>> -> memref<1x632x128xf32, #tpu.memory_space<hbm>>
        %dma_wait3A_62 = tpu.memref_squeeze %dma_wait3A_61 : memref<1x632x128xf32, #tpu.memory_space<hbm>> -> memref<632x128xf32, #tpu.memory_space<hbm>>
        %dma_wait3A_63 = arith.constant 0 : i32
        %dma_wait3A_64 = tpu.memref_slice %arg11[%mul3A_51, %dma_wait3A_63] : memref<10008x128xf32, #tpu.memory_space<vmem_shared>> -> memref<632x128xf32, #tpu.memory_space<vmem_shared>>
        tpu.wait_dma2 semaphore(%run_scoped3A_54 : memref<!tpu.dma_semaphore, #tpu.memory_space<semaphore_mem>>) src(%dma_wait3A_64 : memref<632x128xf32, #tpu.memory_space<vmem_shared>>) dst(%dma_wait3A_62 : memref<632x128xf32, #tpu.memory_space<hbm>>)
        tpu.yield
      }) : () -> ()
    } else {
    }
    %eq3A_45 = arith.constant 15 : i32
    %eq3A_46 = arith.cmpi eq, %arg1, %eq3A_45 : i32
    %convert_element_type3A_47 = arith.extui %eq3A_46 : i1 to i32
    %cond3A_48 = arith.constant 0 : i32
    %cond3A_49 = arith.cmpi ne, %convert_element_type3A_47, %cond3A_48 : i32
    scf.if %cond3A_49 {
      "tpu.region"() ({
        %run_scoped3A_50 = tpu.sem_alloc : memref<!tpu.dma_semaphore, #tpu.memory_space<semaphore_mem>>
        %dma_start3A_51 = arith.constant 9480 : i32
        %dma_start3A_52 = arith.constant 0 : i32
        %dma_start3A_53 = tpu.memref_slice %arg6[%arg0, %dma_start3A_51, %dma_start3A_52] : memref<2x10000x128xf32, #tpu.memory_space<hbm>> -> memref<1x520x128xf32, #tpu.memory_space<hbm>>
        %dma_start3A_54 = tpu.memref_squeeze %dma_start3A_53 : memref<1x520x128xf32, #tpu.memory_space<hbm>> -> memref<520x128xf32, #tpu.memory_space<hbm>>
        %dma_start3A_55 = arith.constant 9480 : i32
        %dma_start3A_56 = arith.constant 0 : i32
        %dma_start3A_57 = tpu.memref_slice %arg11[%dma_start3A_55, %dma_start3A_56] : memref<10008x128xf32, #tpu.memory_space<vmem_shared>> -> memref<520x128xf32, #tpu.memory_space<vmem_shared>>
        tpu.enqueue_dma source(%dma_start3A_57 : memref<520x128xf32, #tpu.memory_space<vmem_shared>>) target(%dma_start3A_54 : memref<520x128xf32, #tpu.memory_space<hbm>>) target_semaphore(%run_scoped3A_50 : memref<!tpu.dma_semaphore, #tpu.memory_space<semaphore_mem>>)
        %dma_wait3A_58 = arith.constant 9480 : i32
        %dma_wait3A_59 = arith.constant 0 : i32
        %dma_wait3A_60 = tpu.memref_slice %arg6[%arg0, %dma_wait3A_58, %dma_wait3A_59] : memref<2x10000x128xf32, #tpu.memory_space<hbm>> -> memref<1x520x128xf32, #tpu.memory_space<hbm>>
        %dma_wait3A_61 = tpu.memref_squeeze %dma_wait3A_60 : memref<1x520x128xf32, #tpu.memory_space<hbm>> -> memref<520x128xf32, #tpu.memory_space<hbm>>
        %dma_wait3A_62 = arith.constant 9480 : i32
        %dma_wait3A_63 = arith.constant 0 : i32
        %dma_wait3A_64 = tpu.memref_slice %arg11[%dma_wait3A_62, %dma_wait3A_63] : memref<10008x128xf32, #tpu.memory_space<vmem_shared>> -> memref<520x128xf32, #tpu.memory_space<vmem_shared>>
        tpu.wait_dma2 semaphore(%run_scoped3A_50 : memref<!tpu.dma_semaphore, #tpu.memory_space<semaphore_mem>>) src(%dma_wait3A_64 : memref<520x128xf32, #tpu.memory_space<vmem_shared>>) dst(%dma_wait3A_61 : memref<520x128xf32, #tpu.memory_space<hbm>>)
        tpu.yield
      }) : () -> ()
    } else {
    }
    return
  }
}

#map = affine_map<(d0, d1) -> (0, 0, 0)>
#map1 = affine_map<(d0, d1) -> (0, 0)>
#map2 = affine_map<(d0, d1) -> (0, 0, 0, 0)>
module attributes {stable_mosaic.version = 14 : i64} {
  func.func @k(%arg0: i32, %arg1: i32, %arg2: memref<32x79x128xi32, #tpu.memory_space<hbm>>, %arg3: memref<32x79x128xi32, #tpu.memory_space<hbm>>, %arg4: memref<10000x128xf32, #tpu.memory_space<hbm>>, %arg5: memref<32x79x128x16xf32, #tpu.memory_space<hbm>>, %arg6: memref<79x128xi32, #tpu.memory_space<vmem>>, %arg7: memref<79x128xi32, #tpu.memory_space<vmem>>, %arg8: memref<10000x128xf32, #tpu.memory_space<vmem_shared>>, %arg9: memref<64x128xf32, #tpu.memory_space<vmem>>, %arg10: memref<64x128xf32, #tpu.memory_space<vmem>>, %arg11: memref<64x16xf32, #tpu.memory_space<vmem>>) attributes {dimension_semantics = [#tpu.dimension_semantics<core_parallel>, #tpu.dimension_semantics<subcore_parallel>], iteration_bounds = array<i64: 2, 16>, scalar_prefetch = 0 : i64, scratch_operands = 6 : i64, tpu.core_type = #tpu.core_type<sc_vector_subcore>, window_params = [{transform_indices = #map}, {transform_indices = #map}, {transform_indices = #map1}, {transform_indices = #map2}]} {
    %mul3A = arith.constant 16 : i32
    %mul3A_0 = arith.muli %arg0, %mul3A : i32
    %add3A = arith.addi %mul3A_0, %arg1 : i32
    "tpu.region"() ({
      %run_scoped3A = tpu.sem_alloc : memref<!tpu.dma_semaphore, #tpu.memory_space<semaphore_mem>>
      %dma_start3A = arith.constant 0 : i32
      %dma_start3A_12 = arith.constant 0 : i32
      %dma_start3A_13 = tpu.memref_slice %arg2[%add3A, %dma_start3A, %dma_start3A_12] : memref<32x79x128xi32, #tpu.memory_space<hbm>> -> memref<1x79x128xi32, #tpu.memory_space<hbm>>
      %dma_start3A_14 = tpu.memref_squeeze %dma_start3A_13 : memref<1x79x128xi32, #tpu.memory_space<hbm>> -> memref<79x128xi32, #tpu.memory_space<hbm>>
      %dma_start3A_15 = arith.constant 0 : i32
      %dma_start3A_16 = arith.constant 0 : i32
      %dma_start3A_17 = tpu.memref_slice %arg2[%add3A, %dma_start3A_15, %dma_start3A_16] : memref<32x79x128xi32, #tpu.memory_space<hbm>> -> memref<1x79x128xi32, #tpu.memory_space<hbm>>
      %dma_start3A_18 = tpu.memref_squeeze %dma_start3A_17 : memref<1x79x128xi32, #tpu.memory_space<hbm>> -> memref<79x128xi32, #tpu.memory_space<hbm>>
      tpu.enqueue_dma source(%dma_start3A_18 : memref<79x128xi32, #tpu.memory_space<hbm>>) target(%arg6 : memref<79x128xi32, #tpu.memory_space<vmem>>) target_semaphore(%run_scoped3A : memref<!tpu.dma_semaphore, #tpu.memory_space<semaphore_mem>>)
      %dma_wait3A = arith.constant 0 : i32
      %dma_wait3A_19 = arith.constant 0 : i32
      %dma_wait3A_20 = tpu.memref_slice %arg2[%add3A, %dma_wait3A, %dma_wait3A_19] : memref<32x79x128xi32, #tpu.memory_space<hbm>> -> memref<1x79x128xi32, #tpu.memory_space<hbm>>
      %dma_wait3A_21 = tpu.memref_squeeze %dma_wait3A_20 : memref<1x79x128xi32, #tpu.memory_space<hbm>> -> memref<79x128xi32, #tpu.memory_space<hbm>>
      %dma_wait3A_22 = arith.constant 0 : i32
      %dma_wait3A_23 = arith.constant 0 : i32
      %dma_wait3A_24 = tpu.memref_slice %arg2[%add3A, %dma_wait3A_22, %dma_wait3A_23] : memref<32x79x128xi32, #tpu.memory_space<hbm>> -> memref<1x79x128xi32, #tpu.memory_space<hbm>>
      %dma_wait3A_25 = tpu.memref_squeeze %dma_wait3A_24 : memref<1x79x128xi32, #tpu.memory_space<hbm>> -> memref<79x128xi32, #tpu.memory_space<hbm>>
      tpu.wait_dma2 semaphore(%run_scoped3A : memref<!tpu.dma_semaphore, #tpu.memory_space<semaphore_mem>>) src(%dma_wait3A_25 : memref<79x128xi32, #tpu.memory_space<hbm>>) dst(%arg6 : memref<79x128xi32, #tpu.memory_space<vmem>>)
      tpu.yield
    }) : () -> ()
    "tpu.region"() ({
      %run_scoped3A = tpu.sem_alloc : memref<!tpu.dma_semaphore, #tpu.memory_space<semaphore_mem>>
      %dma_start3A = arith.constant 0 : i32
      %dma_start3A_12 = arith.constant 0 : i32
      %dma_start3A_13 = tpu.memref_slice %arg3[%add3A, %dma_start3A, %dma_start3A_12] : memref<32x79x128xi32, #tpu.memory_space<hbm>> -> memref<1x79x128xi32, #tpu.memory_space<hbm>>
      %dma_start3A_14 = tpu.memref_squeeze %dma_start3A_13 : memref<1x79x128xi32, #tpu.memory_space<hbm>> -> memref<79x128xi32, #tpu.memory_space<hbm>>
      %dma_start3A_15 = arith.constant 0 : i32
      %dma_start3A_16 = arith.constant 0 : i32
      %dma_start3A_17 = tpu.memref_slice %arg3[%add3A, %dma_start3A_15, %dma_start3A_16] : memref<32x79x128xi32, #tpu.memory_space<hbm>> -> memref<1x79x128xi32, #tpu.memory_space<hbm>>
      %dma_start3A_18 = tpu.memref_squeeze %dma_start3A_17 : memref<1x79x128xi32, #tpu.memory_space<hbm>> -> memref<79x128xi32, #tpu.memory_space<hbm>>
      tpu.enqueue_dma source(%dma_start3A_18 : memref<79x128xi32, #tpu.memory_space<hbm>>) target(%arg7 : memref<79x128xi32, #tpu.memory_space<vmem>>) target_semaphore(%run_scoped3A : memref<!tpu.dma_semaphore, #tpu.memory_space<semaphore_mem>>)
      %dma_wait3A = arith.constant 0 : i32
      %dma_wait3A_19 = arith.constant 0 : i32
      %dma_wait3A_20 = tpu.memref_slice %arg3[%add3A, %dma_wait3A, %dma_wait3A_19] : memref<32x79x128xi32, #tpu.memory_space<hbm>> -> memref<1x79x128xi32, #tpu.memory_space<hbm>>
      %dma_wait3A_21 = tpu.memref_squeeze %dma_wait3A_20 : memref<1x79x128xi32, #tpu.memory_space<hbm>> -> memref<79x128xi32, #tpu.memory_space<hbm>>
      %dma_wait3A_22 = arith.constant 0 : i32
      %dma_wait3A_23 = arith.constant 0 : i32
      %dma_wait3A_24 = tpu.memref_slice %arg3[%add3A, %dma_wait3A_22, %dma_wait3A_23] : memref<32x79x128xi32, #tpu.memory_space<hbm>> -> memref<1x79x128xi32, #tpu.memory_space<hbm>>
      %dma_wait3A_25 = tpu.memref_squeeze %dma_wait3A_24 : memref<1x79x128xi32, #tpu.memory_space<hbm>> -> memref<79x128xi32, #tpu.memory_space<hbm>>
      tpu.wait_dma2 semaphore(%run_scoped3A : memref<!tpu.dma_semaphore, #tpu.memory_space<semaphore_mem>>) src(%dma_wait3A_25 : memref<79x128xi32, #tpu.memory_space<hbm>>) dst(%arg7 : memref<79x128xi32, #tpu.memory_space<vmem>>)
      tpu.yield
    }) : () -> ()
    %lt3A = arith.constant 15 : i32
    %lt3A_1 = arith.cmpi slt, %arg1, %lt3A : i32
    %convert_element_type3A = arith.extui %lt3A_1 : i1 to i32
    %cond3A = arith.constant 0 : i32
    %cond3A_2 = arith.cmpi ne, %convert_element_type3A, %cond3A : i32
    scf.if %cond3A_2 {
      %mul3A_12 = arith.constant 632 : i32
      %mul3A_13 = arith.muli %arg1, %mul3A_12 : i32
      %mul3A_14 = arith.constant 632 : i32
      %mul3A_15 = arith.muli %arg1, %mul3A_14 : i32
      "tpu.region"() ({
        %run_scoped3A = tpu.sem_alloc : memref<!tpu.dma_semaphore, #tpu.memory_space<semaphore_mem>>
        %dma_start3A = arith.constant 0 : i32
        %dma_start3A_16 = tpu.memref_slice %arg8[%mul3A_15, %dma_start3A] : memref<10000x128xf32, #tpu.memory_space<vmem_shared>> -> memref<632x128xf32, #tpu.memory_space<vmem_shared>>
        %dma_start3A_17 = arith.constant 0 : i32
        %dma_start3A_18 = tpu.memref_slice %arg4[%mul3A_13, %dma_start3A_17] : memref<10000x128xf32, #tpu.memory_space<hbm>> -> memref<632x128xf32, #tpu.memory_space<hbm>>
        tpu.enqueue_dma source(%dma_start3A_18 : memref<632x128xf32, #tpu.memory_space<hbm>>) target(%dma_start3A_16 : memref<632x128xf32, #tpu.memory_space<vmem_shared>>) target_semaphore(%run_scoped3A : memref<!tpu.dma_semaphore, #tpu.memory_space<semaphore_mem>>)
        %dma_wait3A = arith.constant 0 : i32
        %dma_wait3A_19 = tpu.memref_slice %arg8[%mul3A_15, %dma_wait3A] : memref<10000x128xf32, #tpu.memory_space<vmem_shared>> -> memref<632x128xf32, #tpu.memory_space<vmem_shared>>
        %dma_wait3A_20 = arith.constant 0 : i32
        %dma_wait3A_21 = tpu.memref_slice %arg4[%mul3A_13, %dma_wait3A_20] : memref<10000x128xf32, #tpu.memory_space<hbm>> -> memref<632x128xf32, #tpu.memory_space<hbm>>
        tpu.wait_dma2 semaphore(%run_scoped3A : memref<!tpu.dma_semaphore, #tpu.memory_space<semaphore_mem>>) src(%dma_wait3A_21 : memref<632x128xf32, #tpu.memory_space<hbm>>) dst(%dma_wait3A_19 : memref<632x128xf32, #tpu.memory_space<vmem_shared>>)
        tpu.yield
      }) : () -> ()
    } else {
    }
    %eq3A = arith.constant 15 : i32
    %eq3A_3 = arith.cmpi eq, %arg1, %eq3A : i32
    %convert_element_type3A_4 = arith.extui %eq3A_3 : i1 to i32
    %cond3A_5 = arith.constant 0 : i32
    %cond3A_6 = arith.cmpi ne, %convert_element_type3A_4, %cond3A_5 : i32
    scf.if %cond3A_6 {
      "tpu.region"() ({
        %run_scoped3A = tpu.sem_alloc : memref<!tpu.dma_semaphore, #tpu.memory_space<semaphore_mem>>
        %dma_start3A = arith.constant 9480 : i32
        %dma_start3A_12 = arith.constant 0 : i32
        %dma_start3A_13 = tpu.memref_slice %arg8[%dma_start3A, %dma_start3A_12] : memref<10000x128xf32, #tpu.memory_space<vmem_shared>> -> memref<520x128xf32, #tpu.memory_space<vmem_shared>>
        %dma_start3A_14 = arith.constant 9480 : i32
        %dma_start3A_15 = arith.constant 0 : i32
        %dma_start3A_16 = tpu.memref_slice %arg4[%dma_start3A_14, %dma_start3A_15] : memref<10000x128xf32, #tpu.memory_space<hbm>> -> memref<520x128xf32, #tpu.memory_space<hbm>>
        tpu.enqueue_dma source(%dma_start3A_16 : memref<520x128xf32, #tpu.memory_space<hbm>>) target(%dma_start3A_13 : memref<520x128xf32, #tpu.memory_space<vmem_shared>>) target_semaphore(%run_scoped3A : memref<!tpu.dma_semaphore, #tpu.memory_space<semaphore_mem>>)
        %dma_wait3A = arith.constant 9480 : i32
        %dma_wait3A_17 = arith.constant 0 : i32
        %dma_wait3A_18 = tpu.memref_slice %arg8[%dma_wait3A, %dma_wait3A_17] : memref<10000x128xf32, #tpu.memory_space<vmem_shared>> -> memref<520x128xf32, #tpu.memory_space<vmem_shared>>
        %dma_wait3A_19 = arith.constant 9480 : i32
        %dma_wait3A_20 = arith.constant 0 : i32
        %dma_wait3A_21 = tpu.memref_slice %arg4[%dma_wait3A_19, %dma_wait3A_20] : memref<10000x128xf32, #tpu.memory_space<hbm>> -> memref<520x128xf32, #tpu.memory_space<hbm>>
        tpu.wait_dma2 semaphore(%run_scoped3A : memref<!tpu.dma_semaphore, #tpu.memory_space<semaphore_mem>>) src(%dma_wait3A_21 : memref<520x128xf32, #tpu.memory_space<hbm>>) dst(%dma_wait3A_18 : memref<520x128xf32, #tpu.memory_space<vmem_shared>>)
        tpu.yield
      }) : () -> ()
    } else {
    }
    %barrier3A = arith.constant 0 : index
    tpu.barrier barrier_id(%barrier3A)
    %scan3A = arith.constant 0 : i32
    %scan3A_7 = arith.constant 0 : i32
    %scan3A_8 = arith.constant 79 : i32
    %scan3A_9 = arith.addi %scan3A_7, %scan3A_8 : i32
    %scan3A_10 = arith.constant 1 : i32
    scf.for %scan3A_12 = %scan3A_7 to %scan3A_9 step %scan3A_10  : i32 {
      "tpu.region"() ({
        %run_scoped3A = tpu.sem_alloc : memref<!tpu.dma_semaphore, #tpu.memory_space<semaphore_mem>>
        %dma_start3A = arith.constant 0 : i32
        %dma_start3A_25 = tpu.memref_slice %arg6[%scan3A_12, %dma_start3A] : memref<79x128xi32, #tpu.memory_space<vmem>> -> memref<1x64xi32, #tpu.memory_space<vmem>>
        %dma_start3A_26 = tpu.memref_squeeze %dma_start3A_25 : memref<1x64xi32, #tpu.memory_space<vmem>> -> memref<64xi32, #tpu.memory_space<vmem>>
        %dma_start3A_27 = arith.constant 0 : i32
        %dma_start3A_28 = arith.constant 0 : i32
        %dma_start3A_29 = tpu.memref_slice %arg8[%dma_start3A_27, %dma_start3A_28] : memref<10000x128xf32, #tpu.memory_space<vmem_shared>> -> memref<10000x128xf32, #tpu.memory_space<vmem_shared>>
        tpu.enqueue_indirect_dma source(%dma_start3A_29 : memref<10000x128xf32, #tpu.memory_space<vmem_shared>>) target(%arg9 : memref<64x128xf32, #tpu.memory_space<vmem>>) offsets(%dma_start3A_26 : memref<64xi32, #tpu.memory_space<vmem>>) semaphore(%run_scoped3A : memref<!tpu.dma_semaphore, #tpu.memory_space<semaphore_mem>>)
        %dma_wait3A = arith.constant 0 : i32
        %dma_wait3A_30 = tpu.memref_slice %arg6[%scan3A_12, %dma_wait3A] : memref<79x128xi32, #tpu.memory_space<vmem>> -> memref<1x64xi32, #tpu.memory_space<vmem>>
        %dma_wait3A_31 = tpu.memref_squeeze %dma_wait3A_30 : memref<1x64xi32, #tpu.memory_space<vmem>> -> memref<64xi32, #tpu.memory_space<vmem>>
        %dma_wait3A_32 = arith.constant 0 : i32
        %dma_wait3A_33 = arith.constant 0 : i32
        %dma_wait3A_34 = tpu.memref_slice %arg8[%dma_wait3A_32, %dma_wait3A_33] : memref<10000x128xf32, #tpu.memory_space<vmem_shared>> -> memref<10000x128xf32, #tpu.memory_space<vmem_shared>>
        tpu.wait_indirect_dma semaphore(%run_scoped3A : memref<!tpu.dma_semaphore, #tpu.memory_space<semaphore_mem>>) src(%dma_wait3A_34 : memref<10000x128xf32, #tpu.memory_space<vmem_shared>>) dst(%arg9 : memref<64x128xf32, #tpu.memory_space<vmem>>)
        tpu.yield
      }) : () -> ()
      "tpu.region"() ({
        %run_scoped3A = tpu.sem_alloc : memref<!tpu.dma_semaphore, #tpu.memory_space<semaphore_mem>>
        %dma_start3A = arith.constant 0 : i32
        %dma_start3A_25 = tpu.memref_slice %arg7[%scan3A_12, %dma_start3A] : memref<79x128xi32, #tpu.memory_space<vmem>> -> memref<1x64xi32, #tpu.memory_space<vmem>>
        %dma_start3A_26 = tpu.memref_squeeze %dma_start3A_25 : memref<1x64xi32, #tpu.memory_space<vmem>> -> memref<64xi32, #tpu.memory_space<vmem>>
        %dma_start3A_27 = arith.constant 0 : i32
        %dma_start3A_28 = arith.constant 0 : i32
        %dma_start3A_29 = tpu.memref_slice %arg8[%dma_start3A_27, %dma_start3A_28] : memref<10000x128xf32, #tpu.memory_space<vmem_shared>> -> memref<10000x128xf32, #tpu.memory_space<vmem_shared>>
        tpu.enqueue_indirect_dma source(%dma_start3A_29 : memref<10000x128xf32, #tpu.memory_space<vmem_shared>>) target(%arg10 : memref<64x128xf32, #tpu.memory_space<vmem>>) offsets(%dma_start3A_26 : memref<64xi32, #tpu.memory_space<vmem>>) semaphore(%run_scoped3A : memref<!tpu.dma_semaphore, #tpu.memory_space<semaphore_mem>>)
        %dma_wait3A = arith.constant 0 : i32
        %dma_wait3A_30 = tpu.memref_slice %arg7[%scan3A_12, %dma_wait3A] : memref<79x128xi32, #tpu.memory_space<vmem>> -> memref<1x64xi32, #tpu.memory_space<vmem>>
        %dma_wait3A_31 = tpu.memref_squeeze %dma_wait3A_30 : memref<1x64xi32, #tpu.memory_space<vmem>> -> memref<64xi32, #tpu.memory_space<vmem>>
        %dma_wait3A_32 = arith.constant 0 : i32
        %dma_wait3A_33 = arith.constant 0 : i32
        %dma_wait3A_34 = tpu.memref_slice %arg8[%dma_wait3A_32, %dma_wait3A_33] : memref<10000x128xf32, #tpu.memory_space<vmem_shared>> -> memref<10000x128xf32, #tpu.memory_space<vmem_shared>>
        tpu.wait_indirect_dma semaphore(%run_scoped3A : memref<!tpu.dma_semaphore, #tpu.memory_space<semaphore_mem>>) src(%dma_wait3A_34 : memref<10000x128xf32, #tpu.memory_space<vmem_shared>>) dst(%arg10 : memref<64x128xf32, #tpu.memory_space<vmem>>)
        tpu.yield
      }) : () -> ()
      %scan3A_13 = arith.constant 0 : i32
      %scan3A_14 = arith.constant 0 : i32
      %scan3A_15 = arith.constant 64 : i32
      %scan3A_16 = arith.addi %scan3A_14, %scan3A_15 : i32
      %scan3A_17 = arith.constant 8 : i32
      scf.for %scan3A_25 = %scan3A_14 to %scan3A_16 step %scan3A_17  : i32 {
        %get3A = arith.index_cast %scan3A_25 : i32 to index
        %get3A_26 = arith.constant 0 : index
        %get3A_27 = tpu.vector_load %arg9[%get3A, %get3A_26] {strides = array<i32>} : memref<64x128xf32, #tpu.memory_space<vmem>>, vector<1x16xf32>,
        %get3A_28 = vector.shape_cast %get3A_27 : vector<1x16xf32> to vector<16xf32>
        %get3A_29 = arith.index_cast %scan3A_25 : i32 to index
        %get3A_30 = arith.constant 0 : index
        %get3A_31 = tpu.vector_load %arg10[%get3A_29, %get3A_30] {strides = array<i32>} : memref<64x128xf32, #tpu.memory_space<vmem>>, vector<1x16xf32>,
        %get3A_32 = vector.shape_cast %get3A_31 : vector<1x16xf32> to vector<16xf32>
        %mul3A_33 = arith.mulf %get3A_28, %get3A_32 : vector<16xf32>
        %get3A_34 = arith.index_cast %scan3A_25 : i32 to index
        %get3A_35 = arith.constant 16 : index
        %get3A_36 = tpu.vector_load %arg9[%get3A_34, %get3A_35] {strides = array<i32>} : memref<64x128xf32, #tpu.memory_space<vmem>>, vector<1x16xf32>,
        %get3A_37 = vector.shape_cast %get3A_36 : vector<1x16xf32> to vector<16xf32>
        %get3A_38 = arith.index_cast %scan3A_25 : i32 to index
        %get3A_39 = arith.constant 16 : index
        %get3A_40 = tpu.vector_load %arg10[%get3A_38, %get3A_39] {strides = array<i32>} : memref<64x128xf32, #tpu.memory_space<vmem>>, vector<1x16xf32>,
        %get3A_41 = vector.shape_cast %get3A_40 : vector<1x16xf32> to vector<16xf32>
        %mul3A_42 = arith.mulf %get3A_37, %get3A_41 : vector<16xf32>
        %add3A_43 = arith.addf %mul3A_33, %mul3A_42 : vector<16xf32>
        %get3A_44 = arith.index_cast %scan3A_25 : i32 to index
        %get3A_45 = arith.constant 32 : index
        %get3A_46 = tpu.vector_load %arg9[%get3A_44, %get3A_45] {strides = array<i32>} : memref<64x128xf32, #tpu.memory_space<vmem>>, vector<1x16xf32>,
        %get3A_47 = vector.shape_cast %get3A_46 : vector<1x16xf32> to vector<16xf32>
        %get3A_48 = arith.index_cast %scan3A_25 : i32 to index
        %get3A_49 = arith.constant 32 : index
        %get3A_50 = tpu.vector_load %arg10[%get3A_48, %get3A_49] {strides = array<i32>} : memref<64x128xf32, #tpu.memory_space<vmem>>, vector<1x16xf32>,
        %get3A_51 = vector.shape_cast %get3A_50 : vector<1x16xf32> to vector<16xf32>
        %mul3A_52 = arith.mulf %get3A_47, %get3A_51 : vector<16xf32>
        %add3A_53 = arith.addf %add3A_43, %mul3A_52 : vector<16xf32>
        %get3A_54 = arith.index_cast %scan3A_25 : i32 to index
        %get3A_55 = arith.constant 48 : index
        %get3A_56 = tpu.vector_load %arg9[%get3A_54, %get3A_55] {strides = array<i32>} : memref<64x128xf32, #tpu.memory_space<vmem>>, vector<1x16xf32>,
        %get3A_57 = vector.shape_cast %get3A_56 : vector<1x16xf32> to vector<16xf32>
        %get3A_58 = arith.index_cast %scan3A_25 : i32 to index
        %get3A_59 = arith.constant 48 : index
        %get3A_60 = tpu.vector_load %arg10[%get3A_58, %get3A_59] {strides = array<i32>} : memref<64x128xf32, #tpu.memory_space<vmem>>, vector<1x16xf32>,
        %get3A_61 = vector.shape_cast %get3A_60 : vector<1x16xf32> to vector<16xf32>
        %mul3A_62 = arith.mulf %get3A_57, %get3A_61 : vector<16xf32>
        %add3A_63 = arith.addf %add3A_53, %mul3A_62 : vector<16xf32>
        %swap3A = arith.index_cast %scan3A_25 : i32 to index
        %swap3A_64 = arith.constant 0 : index
        %swap3A_65 = tpu.vector_load %arg11[%swap3A, %swap3A_64] {strides = array<i32>} : memref<64x16xf32, #tpu.memory_space<vmem>>, vector<1x16xf32>,
        %swap3A_66 = vector.shape_cast %swap3A_65 : vector<1x16xf32> to vector<16xf32>
        %swap3A_67 = vector.shape_cast %add3A_63 : vector<16xf32> to vector<1x16xf32>
        tpu.vector_store %arg11[%swap3A, %swap3A_64], %swap3A_67 {strides = array<i32>} : memref<64x16xf32, #tpu.memory_space<vmem>>, vector<1x16xf32>,
        %scan3A_68 = arith.constant 1 : i32
        %scan3A_69 = arith.addi %scan3A_25, %scan3A_68 : i32
        %get3A_70 = arith.index_cast %scan3A_69 : i32 to index
        %get3A_71 = arith.constant 0 : index
        %get3A_72 = tpu.vector_load %arg9[%get3A_70, %get3A_71] {strides = array<i32>} : memref<64x128xf32, #tpu.memory_space<vmem>>, vector<1x16xf32>,
        %get3A_73 = vector.shape_cast %get3A_72 : vector<1x16xf32> to vector<16xf32>
        %get3A_74 = arith.index_cast %scan3A_69 : i32 to index
        %get3A_75 = arith.constant 0 : index
        %get3A_76 = tpu.vector_load %arg10[%get3A_74, %get3A_75] {strides = array<i32>} : memref<64x128xf32, #tpu.memory_space<vmem>>, vector<1x16xf32>,
        %get3A_77 = vector.shape_cast %get3A_76 : vector<1x16xf32> to vector<16xf32>
        %mul3A_78 = arith.mulf %get3A_73, %get3A_77 : vector<16xf32>
        %get3A_79 = arith.index_cast %scan3A_69 : i32 to index
        %get3A_80 = arith.constant 16 : index
        %get3A_81 = tpu.vector_load %arg9[%get3A_79, %get3A_80] {strides = array<i32>} : memref<64x128xf32, #tpu.memory_space<vmem>>, vector<1x16xf32>,
        %get3A_82 = vector.shape_cast %get3A_81 : vector<1x16xf32> to vector<16xf32>
        %get3A_83 = arith.index_cast %scan3A_69 : i32 to index
        %get3A_84 = arith.constant 16 : index
        %get3A_85 = tpu.vector_load %arg10[%get3A_83, %get3A_84] {strides = array<i32>} : memref<64x128xf32, #tpu.memory_space<vmem>>, vector<1x16xf32>,
        %get3A_86 = vector.shape_cast %get3A_85 : vector<1x16xf32> to vector<16xf32>
        %mul3A_87 = arith.mulf %get3A_82, %get3A_86 : vector<16xf32>
        %add3A_88 = arith.addf %mul3A_78, %mul3A_87 : vector<16xf32>
        %get3A_89 = arith.index_cast %scan3A_69 : i32 to index
        %get3A_90 = arith.constant 32 : index
        %get3A_91 = tpu.vector_load %arg9[%get3A_89, %get3A_90] {strides = array<i32>} : memref<64x128xf32, #tpu.memory_space<vmem>>, vector<1x16xf32>,
        %get3A_92 = vector.shape_cast %get3A_91 : vector<1x16xf32> to vector<16xf32>
        %get3A_93 = arith.index_cast %scan3A_69 : i32 to index
        %get3A_94 = arith.constant 32 : index
        %get3A_95 = tpu.vector_load %arg10[%get3A_93, %get3A_94] {strides = array<i32>} : memref<64x128xf32, #tpu.memory_space<vmem>>, vector<1x16xf32>,
        %get3A_96 = vector.shape_cast %get3A_95 : vector<1x16xf32> to vector<16xf32>
        %mul3A_97 = arith.mulf %get3A_92, %get3A_96 : vector<16xf32>
        %add3A_98 = arith.addf %add3A_88, %mul3A_97 : vector<16xf32>
        %get3A_99 = arith.index_cast %scan3A_69 : i32 to index
        %get3A_100 = arith.constant 48 : index
        %get3A_101 = tpu.vector_load %arg9[%get3A_99, %get3A_100] {strides = array<i32>} : memref<64x128xf32, #tpu.memory_space<vmem>>, vector<1x16xf32>,
        %get3A_102 = vector.shape_cast %get3A_101 : vector<1x16xf32> to vector<16xf32>
        %get3A_103 = arith.index_cast %scan3A_69 : i32 to index
        %get3A_104 = arith.constant 48 : index
        %get3A_105 = tpu.vector_load %arg10[%get3A_103, %get3A_104] {strides = array<i32>} : memref<64x128xf32, #tpu.memory_space<vmem>>, vector<1x16xf32>,
        %get3A_106 = vector.shape_cast %get3A_105 : vector<1x16xf32> to vector<16xf32>
        %mul3A_107 = arith.mulf %get3A_102, %get3A_106 : vector<16xf32>
        %add3A_108 = arith.addf %add3A_98, %mul3A_107 : vector<16xf32>
        %swap3A_109 = arith.index_cast %scan3A_69 : i32 to index
        %swap3A_110 = arith.constant 0 : index
        %swap3A_111 = tpu.vector_load %arg11[%swap3A_109, %swap3A_110] {strides = array<i32>} : memref<64x16xf32, #tpu.memory_space<vmem>>, vector<1x16xf32>,
        %swap3A_112 = vector.shape_cast %swap3A_111 : vector<1x16xf32> to vector<16xf32>
        %swap3A_113 = vector.shape_cast %add3A_108 : vector<16xf32> to vector<1x16xf32>
        tpu.vector_store %arg11[%swap3A_109, %swap3A_110], %swap3A_113 {strides = array<i32>} : memref<64x16xf32, #tpu.memory_space<vmem>>, vector<1x16xf32>,
        %scan3A_114 = arith.constant 2 : i32
        %scan3A_115 = arith.addi %scan3A_25, %scan3A_114 : i32
        %get3A_116 = arith.index_cast %scan3A_115 : i32 to index
        %get3A_117 = arith.constant 0 : index
        %get3A_118 = tpu.vector_load %arg9[%get3A_116, %get3A_117] {strides = array<i32>} : memref<64x128xf32, #tpu.memory_space<vmem>>, vector<1x16xf32>,
        %get3A_119 = vector.shape_cast %get3A_118 : vector<1x16xf32> to vector<16xf32>
        %get3A_120 = arith.index_cast %scan3A_115 : i32 to index
        %get3A_121 = arith.constant 0 : index
        %get3A_122 = tpu.vector_load %arg10[%get3A_120, %get3A_121] {strides = array<i32>} : memref<64x128xf32, #tpu.memory_space<vmem>>, vector<1x16xf32>,
        %get3A_123 = vector.shape_cast %get3A_122 : vector<1x16xf32> to vector<16xf32>
        %mul3A_124 = arith.mulf %get3A_119, %get3A_123 : vector<16xf32>
        %get3A_125 = arith.index_cast %scan3A_115 : i32 to index
        %get3A_126 = arith.constant 16 : index
        %get3A_127 = tpu.vector_load %arg9[%get3A_125, %get3A_126] {strides = array<i32>} : memref<64x128xf32, #tpu.memory_space<vmem>>, vector<1x16xf32>,
        %get3A_128 = vector.shape_cast %get3A_127 : vector<1x16xf32> to vector<16xf32>
        %get3A_129 = arith.index_cast %scan3A_115 : i32 to index
        %get3A_130 = arith.constant 16 : index
        %get3A_131 = tpu.vector_load %arg10[%get3A_129, %get3A_130] {strides = array<i32>} : memref<64x128xf32, #tpu.memory_space<vmem>>, vector<1x16xf32>,
        %get3A_132 = vector.shape_cast %get3A_131 : vector<1x16xf32> to vector<16xf32>
        %mul3A_133 = arith.mulf %get3A_128, %get3A_132 : vector<16xf32>
        %add3A_134 = arith.addf %mul3A_124, %mul3A_133 : vector<16xf32>
        %get3A_135 = arith.index_cast %scan3A_115 : i32 to index
        %get3A_136 = arith.constant 32 : index
        %get3A_137 = tpu.vector_load %arg9[%get3A_135, %get3A_136] {strides = array<i32>} : memref<64x128xf32, #tpu.memory_space<vmem>>, vector<1x16xf32>,
        %get3A_138 = vector.shape_cast %get3A_137 : vector<1x16xf32> to vector<16xf32>
        %get3A_139 = arith.index_cast %scan3A_115 : i32 to index
        %get3A_140 = arith.constant 32 : index
        %get3A_141 = tpu.vector_load %arg10[%get3A_139, %get3A_140] {strides = array<i32>} : memref<64x128xf32, #tpu.memory_space<vmem>>, vector<1x16xf32>,
        %get3A_142 = vector.shape_cast %get3A_141 : vector<1x16xf32> to vector<16xf32>
        %mul3A_143 = arith.mulf %get3A_138, %get3A_142 : vector<16xf32>
        %add3A_144 = arith.addf %add3A_134, %mul3A_143 : vector<16xf32>
        %get3A_145 = arith.index_cast %scan3A_115 : i32 to index
        %get3A_146 = arith.constant 48 : index
        %get3A_147 = tpu.vector_load %arg9[%get3A_145, %get3A_146] {strides = array<i32>} : memref<64x128xf32, #tpu.memory_space<vmem>>, vector<1x16xf32>,
        %get3A_148 = vector.shape_cast %get3A_147 : vector<1x16xf32> to vector<16xf32>
        %get3A_149 = arith.index_cast %scan3A_115 : i32 to index
        %get3A_150 = arith.constant 48 : index
        %get3A_151 = tpu.vector_load %arg10[%get3A_149, %get3A_150] {strides = array<i32>} : memref<64x128xf32, #tpu.memory_space<vmem>>, vector<1x16xf32>,
        %get3A_152 = vector.shape_cast %get3A_151 : vector<1x16xf32> to vector<16xf32>
        %mul3A_153 = arith.mulf %get3A_148, %get3A_152 : vector<16xf32>
        %add3A_154 = arith.addf %add3A_144, %mul3A_153 : vector<16xf32>
        %swap3A_155 = arith.index_cast %scan3A_115 : i32 to index
        %swap3A_156 = arith.constant 0 : index
        %swap3A_157 = tpu.vector_load %arg11[%swap3A_155, %swap3A_156] {strides = array<i32>} : memref<64x16xf32, #tpu.memory_space<vmem>>, vector<1x16xf32>,
        %swap3A_158 = vector.shape_cast %swap3A_157 : vector<1x16xf32> to vector<16xf32>
        %swap3A_159 = vector.shape_cast %add3A_154 : vector<16xf32> to vector<1x16xf32>
        tpu.vector_store %arg11[%swap3A_155, %swap3A_156], %swap3A_159 {strides = array<i32>} : memref<64x16xf32, #tpu.memory_space<vmem>>, vector<1x16xf32>,
        %scan3A_160 = arith.constant 3 : i32
        %scan3A_161 = arith.addi %scan3A_25, %scan3A_160 : i32
        %get3A_162 = arith.index_cast %scan3A_161 : i32 to index
        %get3A_163 = arith.constant 0 : index
        %get3A_164 = tpu.vector_load %arg9[%get3A_162, %get3A_163] {strides = array<i32>} : memref<64x128xf32, #tpu.memory_space<vmem>>, vector<1x16xf32>,
        %get3A_165 = vector.shape_cast %get3A_164 : vector<1x16xf32> to vector<16xf32>
        %get3A_166 = arith.index_cast %scan3A_161 : i32 to index
        %get3A_167 = arith.constant 0 : index
        %get3A_168 = tpu.vector_load %arg10[%get3A_166, %get3A_167] {strides = array<i32>} : memref<64x128xf32, #tpu.memory_space<vmem>>, vector<1x16xf32>,
        %get3A_169 = vector.shape_cast %get3A_168 : vector<1x16xf32> to vector<16xf32>
        %mul3A_170 = arith.mulf %get3A_165, %get3A_169 : vector<16xf32>
        %get3A_171 = arith.index_cast %scan3A_161 : i32 to index
        %get3A_172 = arith.constant 16 : index
        %get3A_173 = tpu.vector_load %arg9[%get3A_171, %get3A_172] {strides = array<i32>} : memref<64x128xf32, #tpu.memory_space<vmem>>, vector<1x16xf32>,
        %get3A_174 = vector.shape_cast %get3A_173 : vector<1x16xf32> to vector<16xf32>
        %get3A_175 = arith.index_cast %scan3A_161 : i32 to index
        %get3A_176 = arith.constant 16 : index
        %get3A_177 = tpu.vector_load %arg10[%get3A_175, %get3A_176] {strides = array<i32>} : memref<64x128xf32, #tpu.memory_space<vmem>>, vector<1x16xf32>,
        %get3A_178 = vector.shape_cast %get3A_177 : vector<1x16xf32> to vector<16xf32>
        %mul3A_179 = arith.mulf %get3A_174, %get3A_178 : vector<16xf32>
        %add3A_180 = arith.addf %mul3A_170, %mul3A_179 : vector<16xf32>
        %get3A_181 = arith.index_cast %scan3A_161 : i32 to index
        %get3A_182 = arith.constant 32 : index
        %get3A_183 = tpu.vector_load %arg9[%get3A_181, %get3A_182] {strides = array<i32>} : memref<64x128xf32, #tpu.memory_space<vmem>>, vector<1x16xf32>,
        %get3A_184 = vector.shape_cast %get3A_183 : vector<1x16xf32> to vector<16xf32>
        %get3A_185 = arith.index_cast %scan3A_161 : i32 to index
        %get3A_186 = arith.constant 32 : index
        %get3A_187 = tpu.vector_load %arg10[%get3A_185, %get3A_186] {strides = array<i32>} : memref<64x128xf32, #tpu.memory_space<vmem>>, vector<1x16xf32>,
        %get3A_188 = vector.shape_cast %get3A_187 : vector<1x16xf32> to vector<16xf32>
        %mul3A_189 = arith.mulf %get3A_184, %get3A_188 : vector<16xf32>
        %add3A_190 = arith.addf %add3A_180, %mul3A_189 : vector<16xf32>
        %get3A_191 = arith.index_cast %scan3A_161 : i32 to index
        %get3A_192 = arith.constant 48 : index
        %get3A_193 = tpu.vector_load %arg9[%get3A_191, %get3A_192] {strides = array<i32>} : memref<64x128xf32, #tpu.memory_space<vmem>>, vector<1x16xf32>,
        %get3A_194 = vector.shape_cast %get3A_193 : vector<1x16xf32> to vector<16xf32>
        %get3A_195 = arith.index_cast %scan3A_161 : i32 to index
        %get3A_196 = arith.constant 48 : index
        %get3A_197 = tpu.vector_load %arg10[%get3A_195, %get3A_196] {strides = array<i32>} : memref<64x128xf32, #tpu.memory_space<vmem>>, vector<1x16xf32>,
        %get3A_198 = vector.shape_cast %get3A_197 : vector<1x16xf32> to vector<16xf32>
        %mul3A_199 = arith.mulf %get3A_194, %get3A_198 : vector<16xf32>
        %add3A_200 = arith.addf %add3A_190, %mul3A_199 : vector<16xf32>
        %swap3A_201 = arith.index_cast %scan3A_161 : i32 to index
        %swap3A_202 = arith.constant 0 : index
        %swap3A_203 = tpu.vector_load %arg11[%swap3A_201, %swap3A_202] {strides = array<i32>} : memref<64x16xf32, #tpu.memory_space<vmem>>, vector<1x16xf32>,
        %swap3A_204 = vector.shape_cast %swap3A_203 : vector<1x16xf32> to vector<16xf32>
        %swap3A_205 = vector.shape_cast %add3A_200 : vector<16xf32> to vector<1x16xf32>
        tpu.vector_store %arg11[%swap3A_201, %swap3A_202], %swap3A_205 {strides = array<i32>} : memref<64x16xf32, #tpu.memory_space<vmem>>, vector<1x16xf32>,
        %scan3A_206 = arith.constant 4 : i32
        %scan3A_207 = arith.addi %scan3A_25, %scan3A_206 : i32
        %get3A_208 = arith.index_cast %scan3A_207 : i32 to index
        %get3A_209 = arith.constant 0 : index
        %get3A_210 = tpu.vector_load %arg9[%get3A_208, %get3A_209] {strides = array<i32>} : memref<64x128xf32, #tpu.memory_space<vmem>>, vector<1x16xf32>,
        %get3A_211 = vector.shape_cast %get3A_210 : vector<1x16xf32> to vector<16xf32>
        %get3A_212 = arith.index_cast %scan3A_207 : i32 to index
        %get3A_213 = arith.constant 0 : index
        %get3A_214 = tpu.vector_load %arg10[%get3A_212, %get3A_213] {strides = array<i32>} : memref<64x128xf32, #tpu.memory_space<vmem>>, vector<1x16xf32>,
        %get3A_215 = vector.shape_cast %get3A_214 : vector<1x16xf32> to vector<16xf32>
        %mul3A_216 = arith.mulf %get3A_211, %get3A_215 : vector<16xf32>
        %get3A_217 = arith.index_cast %scan3A_207 : i32 to index
        %get3A_218 = arith.constant 16 : index
        %get3A_219 = tpu.vector_load %arg9[%get3A_217, %get3A_218] {strides = array<i32>} : memref<64x128xf32, #tpu.memory_space<vmem>>, vector<1x16xf32>,
        %get3A_220 = vector.shape_cast %get3A_219 : vector<1x16xf32> to vector<16xf32>
        %get3A_221 = arith.index_cast %scan3A_207 : i32 to index
        %get3A_222 = arith.constant 16 : index
        %get3A_223 = tpu.vector_load %arg10[%get3A_221, %get3A_222] {strides = array<i32>} : memref<64x128xf32, #tpu.memory_space<vmem>>, vector<1x16xf32>,
        %get3A_224 = vector.shape_cast %get3A_223 : vector<1x16xf32> to vector<16xf32>
        %mul3A_225 = arith.mulf %get3A_220, %get3A_224 : vector<16xf32>
        %add3A_226 = arith.addf %mul3A_216, %mul3A_225 : vector<16xf32>
        %get3A_227 = arith.index_cast %scan3A_207 : i32 to index
        %get3A_228 = arith.constant 32 : index
        %get3A_229 = tpu.vector_load %arg9[%get3A_227, %get3A_228] {strides = array<i32>} : memref<64x128xf32, #tpu.memory_space<vmem>>, vector<1x16xf32>,
        %get3A_230 = vector.shape_cast %get3A_229 : vector<1x16xf32> to vector<16xf32>
        %get3A_231 = arith.index_cast %scan3A_207 : i32 to index
        %get3A_232 = arith.constant 32 : index
        %get3A_233 = tpu.vector_load %arg10[%get3A_231, %get3A_232] {strides = array<i32>} : memref<64x128xf32, #tpu.memory_space<vmem>>, vector<1x16xf32>,
        %get3A_234 = vector.shape_cast %get3A_233 : vector<1x16xf32> to vector<16xf32>
        %mul3A_235 = arith.mulf %get3A_230, %get3A_234 : vector<16xf32>
        %add3A_236 = arith.addf %add3A_226, %mul3A_235 : vector<16xf32>
        %get3A_237 = arith.index_cast %scan3A_207 : i32 to index
        %get3A_238 = arith.constant 48 : index
        %get3A_239 = tpu.vector_load %arg9[%get3A_237, %get3A_238] {strides = array<i32>} : memref<64x128xf32, #tpu.memory_space<vmem>>, vector<1x16xf32>,
        %get3A_240 = vector.shape_cast %get3A_239 : vector<1x16xf32> to vector<16xf32>
        %get3A_241 = arith.index_cast %scan3A_207 : i32 to index
        %get3A_242 = arith.constant 48 : index
        %get3A_243 = tpu.vector_load %arg10[%get3A_241, %get3A_242] {strides = array<i32>} : memref<64x128xf32, #tpu.memory_space<vmem>>, vector<1x16xf32>,
        %get3A_244 = vector.shape_cast %get3A_243 : vector<1x16xf32> to vector<16xf32>
        %mul3A_245 = arith.mulf %get3A_240, %get3A_244 : vector<16xf32>
        %add3A_246 = arith.addf %add3A_236, %mul3A_245 : vector<16xf32>
        %swap3A_247 = arith.index_cast %scan3A_207 : i32 to index
        %swap3A_248 = arith.constant 0 : index
        %swap3A_249 = tpu.vector_load %arg11[%swap3A_247, %swap3A_248] {strides = array<i32>} : memref<64x16xf32, #tpu.memory_space<vmem>>, vector<1x16xf32>,
        %swap3A_250 = vector.shape_cast %swap3A_249 : vector<1x16xf32> to vector<16xf32>
        %swap3A_251 = vector.shape_cast %add3A_246 : vector<16xf32> to vector<1x16xf32>
        tpu.vector_store %arg11[%swap3A_247, %swap3A_248], %swap3A_251 {strides = array<i32>} : memref<64x16xf32, #tpu.memory_space<vmem>>, vector<1x16xf32>,
        %scan3A_252 = arith.constant 5 : i32
        %scan3A_253 = arith.addi %scan3A_25, %scan3A_252 : i32
        %get3A_254 = arith.index_cast %scan3A_253 : i32 to index
        %get3A_255 = arith.constant 0 : index
        %get3A_256 = tpu.vector_load %arg9[%get3A_254, %get3A_255] {strides = array<i32>} : memref<64x128xf32, #tpu.memory_space<vmem>>, vector<1x16xf32>,
        %get3A_257 = vector.shape_cast %get3A_256 : vector<1x16xf32> to vector<16xf32>
        %get3A_258 = arith.index_cast %scan3A_253 : i32 to index
        %get3A_259 = arith.constant 0 : index
        %get3A_260 = tpu.vector_load %arg10[%get3A_258, %get3A_259] {strides = array<i32>} : memref<64x128xf32, #tpu.memory_space<vmem>>, vector<1x16xf32>,
        %get3A_261 = vector.shape_cast %get3A_260 : vector<1x16xf32> to vector<16xf32>
        %mul3A_262 = arith.mulf %get3A_257, %get3A_261 : vector<16xf32>
        %get3A_263 = arith.index_cast %scan3A_253 : i32 to index
        %get3A_264 = arith.constant 16 : index
        %get3A_265 = tpu.vector_load %arg9[%get3A_263, %get3A_264] {strides = array<i32>} : memref<64x128xf32, #tpu.memory_space<vmem>>, vector<1x16xf32>,
        %get3A_266 = vector.shape_cast %get3A_265 : vector<1x16xf32> to vector<16xf32>
        %get3A_267 = arith.index_cast %scan3A_253 : i32 to index
        %get3A_268 = arith.constant 16 : index
        %get3A_269 = tpu.vector_load %arg10[%get3A_267, %get3A_268] {strides = array<i32>} : memref<64x128xf32, #tpu.memory_space<vmem>>, vector<1x16xf32>,
        %get3A_270 = vector.shape_cast %get3A_269 : vector<1x16xf32> to vector<16xf32>
        %mul3A_271 = arith.mulf %get3A_266, %get3A_270 : vector<16xf32>
        %add3A_272 = arith.addf %mul3A_262, %mul3A_271 : vector<16xf32>
        %get3A_273 = arith.index_cast %scan3A_253 : i32 to index
        %get3A_274 = arith.constant 32 : index
        %get3A_275 = tpu.vector_load %arg9[%get3A_273, %get3A_274] {strides = array<i32>} : memref<64x128xf32, #tpu.memory_space<vmem>>, vector<1x16xf32>,
        %get3A_276 = vector.shape_cast %get3A_275 : vector<1x16xf32> to vector<16xf32>
        %get3A_277 = arith.index_cast %scan3A_253 : i32 to index
        %get3A_278 = arith.constant 32 : index
        %get3A_279 = tpu.vector_load %arg10[%get3A_277, %get3A_278] {strides = array<i32>} : memref<64x128xf32, #tpu.memory_space<vmem>>, vector<1x16xf32>,
        %get3A_280 = vector.shape_cast %get3A_279 : vector<1x16xf32> to vector<16xf32>
        %mul3A_281 = arith.mulf %get3A_276, %get3A_280 : vector<16xf32>
        %add3A_282 = arith.addf %add3A_272, %mul3A_281 : vector<16xf32>
        %get3A_283 = arith.index_cast %scan3A_253 : i32 to index
        %get3A_284 = arith.constant 48 : index
        %get3A_285 = tpu.vector_load %arg9[%get3A_283, %get3A_284] {strides = array<i32>} : memref<64x128xf32, #tpu.memory_space<vmem>>, vector<1x16xf32>,
        %get3A_286 = vector.shape_cast %get3A_285 : vector<1x16xf32> to vector<16xf32>
        %get3A_287 = arith.index_cast %scan3A_253 : i32 to index
        %get3A_288 = arith.constant 48 : index
        %get3A_289 = tpu.vector_load %arg10[%get3A_287, %get3A_288] {strides = array<i32>} : memref<64x128xf32, #tpu.memory_space<vmem>>, vector<1x16xf32>,
        %get3A_290 = vector.shape_cast %get3A_289 : vector<1x16xf32> to vector<16xf32>
        %mul3A_291 = arith.mulf %get3A_286, %get3A_290 : vector<16xf32>
        %add3A_292 = arith.addf %add3A_282, %mul3A_291 : vector<16xf32>
        %swap3A_293 = arith.index_cast %scan3A_253 : i32 to index
        %swap3A_294 = arith.constant 0 : index
        %swap3A_295 = tpu.vector_load %arg11[%swap3A_293, %swap3A_294] {strides = array<i32>} : memref<64x16xf32, #tpu.memory_space<vmem>>, vector<1x16xf32>,
        %swap3A_296 = vector.shape_cast %swap3A_295 : vector<1x16xf32> to vector<16xf32>
        %swap3A_297 = vector.shape_cast %add3A_292 : vector<16xf32> to vector<1x16xf32>
        tpu.vector_store %arg11[%swap3A_293, %swap3A_294], %swap3A_297 {strides = array<i32>} : memref<64x16xf32, #tpu.memory_space<vmem>>, vector<1x16xf32>,
        %scan3A_298 = arith.constant 6 : i32
        %scan3A_299 = arith.addi %scan3A_25, %scan3A_298 : i32
        %get3A_300 = arith.index_cast %scan3A_299 : i32 to index
        %get3A_301 = arith.constant 0 : index
        %get3A_302 = tpu.vector_load %arg9[%get3A_300, %get3A_301] {strides = array<i32>} : memref<64x128xf32, #tpu.memory_space<vmem>>, vector<1x16xf32>,
        %get3A_303 = vector.shape_cast %get3A_302 : vector<1x16xf32> to vector<16xf32>
        %get3A_304 = arith.index_cast %scan3A_299 : i32 to index
        %get3A_305 = arith.constant 0 : index
        %get3A_306 = tpu.vector_load %arg10[%get3A_304, %get3A_305] {strides = array<i32>} : memref<64x128xf32, #tpu.memory_space<vmem>>, vector<1x16xf32>,
        %get3A_307 = vector.shape_cast %get3A_306 : vector<1x16xf32> to vector<16xf32>
        %mul3A_308 = arith.mulf %get3A_303, %get3A_307 : vector<16xf32>
        %get3A_309 = arith.index_cast %scan3A_299 : i32 to index
        %get3A_310 = arith.constant 16 : index
        %get3A_311 = tpu.vector_load %arg9[%get3A_309, %get3A_310] {strides = array<i32>} : memref<64x128xf32, #tpu.memory_space<vmem>>, vector<1x16xf32>,
        %get3A_312 = vector.shape_cast %get3A_311 : vector<1x16xf32> to vector<16xf32>
        %get3A_313 = arith.index_cast %scan3A_299 : i32 to index
        %get3A_314 = arith.constant 16 : index
        %get3A_315 = tpu.vector_load %arg10[%get3A_313, %get3A_314] {strides = array<i32>} : memref<64x128xf32, #tpu.memory_space<vmem>>, vector<1x16xf32>,
        %get3A_316 = vector.shape_cast %get3A_315 : vector<1x16xf32> to vector<16xf32>
        %mul3A_317 = arith.mulf %get3A_312, %get3A_316 : vector<16xf32>
        %add3A_318 = arith.addf %mul3A_308, %mul3A_317 : vector<16xf32>
        %get3A_319 = arith.index_cast %scan3A_299 : i32 to index
        %get3A_320 = arith.constant 32 : index
        %get3A_321 = tpu.vector_load %arg9[%get3A_319, %get3A_320] {strides = array<i32>} : memref<64x128xf32, #tpu.memory_space<vmem>>, vector<1x16xf32>,
        %get3A_322 = vector.shape_cast %get3A_321 : vector<1x16xf32> to vector<16xf32>
        %get3A_323 = arith.index_cast %scan3A_299 : i32 to index
        %get3A_324 = arith.constant 32 : index
        %get3A_325 = tpu.vector_load %arg10[%get3A_323, %get3A_324] {strides = array<i32>} : memref<64x128xf32, #tpu.memory_space<vmem>>, vector<1x16xf32>,
        %get3A_326 = vector.shape_cast %get3A_325 : vector<1x16xf32> to vector<16xf32>
        %mul3A_327 = arith.mulf %get3A_322, %get3A_326 : vector<16xf32>
        %add3A_328 = arith.addf %add3A_318, %mul3A_327 : vector<16xf32>
        %get3A_329 = arith.index_cast %scan3A_299 : i32 to index
        %get3A_330 = arith.constant 48 : index
        %get3A_331 = tpu.vector_load %arg9[%get3A_329, %get3A_330] {strides = array<i32>} : memref<64x128xf32, #tpu.memory_space<vmem>>, vector<1x16xf32>,
        %get3A_332 = vector.shape_cast %get3A_331 : vector<1x16xf32> to vector<16xf32>
        %get3A_333 = arith.index_cast %scan3A_299 : i32 to index
        %get3A_334 = arith.constant 48 : index
        %get3A_335 = tpu.vector_load %arg10[%get3A_333, %get3A_334] {strides = array<i32>} : memref<64x128xf32, #tpu.memory_space<vmem>>, vector<1x16xf32>,
        %get3A_336 = vector.shape_cast %get3A_335 : vector<1x16xf32> to vector<16xf32>
        %mul3A_337 = arith.mulf %get3A_332, %get3A_336 : vector<16xf32>
        %add3A_338 = arith.addf %add3A_328, %mul3A_337 : vector<16xf32>
        %swap3A_339 = arith.index_cast %scan3A_299 : i32 to index
        %swap3A_340 = arith.constant 0 : index
        %swap3A_341 = tpu.vector_load %arg11[%swap3A_339, %swap3A_340] {strides = array<i32>} : memref<64x16xf32, #tpu.memory_space<vmem>>, vector<1x16xf32>,
        %swap3A_342 = vector.shape_cast %swap3A_341 : vector<1x16xf32> to vector<16xf32>
        %swap3A_343 = vector.shape_cast %add3A_338 : vector<16xf32> to vector<1x16xf32>
        tpu.vector_store %arg11[%swap3A_339, %swap3A_340], %swap3A_343 {strides = array<i32>} : memref<64x16xf32, #tpu.memory_space<vmem>>, vector<1x16xf32>,
        %scan3A_344 = arith.constant 7 : i32
        %scan3A_345 = arith.addi %scan3A_25, %scan3A_344 : i32
        %get3A_346 = arith.index_cast %scan3A_345 : i32 to index
        %get3A_347 = arith.constant 0 : index
        %get3A_348 = tpu.vector_load %arg9[%get3A_346, %get3A_347] {strides = array<i32>} : memref<64x128xf32, #tpu.memory_space<vmem>>, vector<1x16xf32>,
        %get3A_349 = vector.shape_cast %get3A_348 : vector<1x16xf32> to vector<16xf32>
        %get3A_350 = arith.index_cast %scan3A_345 : i32 to index
        %get3A_351 = arith.constant 0 : index
        %get3A_352 = tpu.vector_load %arg10[%get3A_350, %get3A_351] {strides = array<i32>} : memref<64x128xf32, #tpu.memory_space<vmem>>, vector<1x16xf32>,
        %get3A_353 = vector.shape_cast %get3A_352 : vector<1x16xf32> to vector<16xf32>
        %mul3A_354 = arith.mulf %get3A_349, %get3A_353 : vector<16xf32>
        %get3A_355 = arith.index_cast %scan3A_345 : i32 to index
        %get3A_356 = arith.constant 16 : index
        %get3A_357 = tpu.vector_load %arg9[%get3A_355, %get3A_356] {strides = array<i32>} : memref<64x128xf32, #tpu.memory_space<vmem>>, vector<1x16xf32>,
        %get3A_358 = vector.shape_cast %get3A_357 : vector<1x16xf32> to vector<16xf32>
        %get3A_359 = arith.index_cast %scan3A_345 : i32 to index
        %get3A_360 = arith.constant 16 : index
        %get3A_361 = tpu.vector_load %arg10[%get3A_359, %get3A_360] {strides = array<i32>} : memref<64x128xf32, #tpu.memory_space<vmem>>, vector<1x16xf32>,
        %get3A_362 = vector.shape_cast %get3A_361 : vector<1x16xf32> to vector<16xf32>
        %mul3A_363 = arith.mulf %get3A_358, %get3A_362 : vector<16xf32>
        %add3A_364 = arith.addf %mul3A_354, %mul3A_363 : vector<16xf32>
        %get3A_365 = arith.index_cast %scan3A_345 : i32 to index
        %get3A_366 = arith.constant 32 : index
        %get3A_367 = tpu.vector_load %arg9[%get3A_365, %get3A_366] {strides = array<i32>} : memref<64x128xf32, #tpu.memory_space<vmem>>, vector<1x16xf32>,
        %get3A_368 = vector.shape_cast %get3A_367 : vector<1x16xf32> to vector<16xf32>
        %get3A_369 = arith.index_cast %scan3A_345 : i32 to index
        %get3A_370 = arith.constant 32 : index
        %get3A_371 = tpu.vector_load %arg10[%get3A_369, %get3A_370] {strides = array<i32>} : memref<64x128xf32, #tpu.memory_space<vmem>>, vector<1x16xf32>,
        %get3A_372 = vector.shape_cast %get3A_371 : vector<1x16xf32> to vector<16xf32>
        %mul3A_373 = arith.mulf %get3A_368, %get3A_372 : vector<16xf32>
        %add3A_374 = arith.addf %add3A_364, %mul3A_373 : vector<16xf32>
        %get3A_375 = arith.index_cast %scan3A_345 : i32 to index
        %get3A_376 = arith.constant 48 : index
        %get3A_377 = tpu.vector_load %arg9[%get3A_375, %get3A_376] {strides = array<i32>} : memref<64x128xf32, #tpu.memory_space<vmem>>, vector<1x16xf32>,
        %get3A_378 = vector.shape_cast %get3A_377 : vector<1x16xf32> to vector<16xf32>
        %get3A_379 = arith.index_cast %scan3A_345 : i32 to index
        %get3A_380 = arith.constant 48 : index
        %get3A_381 = tpu.vector_load %arg10[%get3A_379, %get3A_380] {strides = array<i32>} : memref<64x128xf32, #tpu.memory_space<vmem>>, vector<1x16xf32>,
        %get3A_382 = vector.shape_cast %get3A_381 : vector<1x16xf32> to vector<16xf32>
        %mul3A_383 = arith.mulf %get3A_378, %get3A_382 : vector<16xf32>
        %add3A_384 = arith.addf %add3A_374, %mul3A_383 : vector<16xf32>
        %swap3A_385 = arith.index_cast %scan3A_345 : i32 to index
        %swap3A_386 = arith.constant 0 : index
        %swap3A_387 = tpu.vector_load %arg11[%swap3A_385, %swap3A_386] {strides = array<i32>} : memref<64x16xf32, #tpu.memory_space<vmem>>, vector<1x16xf32>,
        %swap3A_388 = vector.shape_cast %swap3A_387 : vector<1x16xf32> to vector<16xf32>
        %swap3A_389 = vector.shape_cast %add3A_384 : vector<16xf32> to vector<1x16xf32>
        tpu.vector_store %arg11[%swap3A_385, %swap3A_386], %swap3A_389 {strides = array<i32>} : memref<64x16xf32, #tpu.memory_space<vmem>>, vector<1x16xf32>,
      }
      %scan3A_18 = arith.constant 64 : i32
      "tpu.region"() ({
        %run_scoped3A = tpu.sem_alloc : memref<!tpu.dma_semaphore, #tpu.memory_space<semaphore_mem>>
        %dma_start3A = arith.constant 0 : i32
        %dma_start3A_25 = arith.constant 0 : i32
        %dma_start3A_26 = tpu.memref_slice %arg5[%add3A, %scan3A_12, %dma_start3A, %dma_start3A_25] : memref<32x79x128x16xf32, #tpu.memory_space<hbm>> -> memref<1x1x64x16xf32, #tpu.memory_space<hbm>>
        %dma_start3A_27 = tpu.memref_squeeze %dma_start3A_26 : memref<1x1x64x16xf32, #tpu.memory_space<hbm>> -> memref<64x16xf32, #tpu.memory_space<hbm>>
        %dma_start3A_28 = arith.constant 0 : i32
        %dma_start3A_29 = arith.constant 0 : i32
        %dma_start3A_30 = tpu.memref_slice %arg5[%add3A, %scan3A_12, %dma_start3A_28, %dma_start3A_29] : memref<32x79x128x16xf32, #tpu.memory_space<hbm>> -> memref<1x1x64x16xf32, #tpu.memory_space<hbm>>
        %dma_start3A_31 = tpu.memref_squeeze %dma_start3A_30 : memref<1x1x64x16xf32, #tpu.memory_space<hbm>> -> memref<64x16xf32, #tpu.memory_space<hbm>>
        tpu.enqueue_dma source(%arg11 : memref<64x16xf32, #tpu.memory_space<vmem>>) target(%dma_start3A_31 : memref<64x16xf32, #tpu.memory_space<hbm>>) target_semaphore(%run_scoped3A : memref<!tpu.dma_semaphore, #tpu.memory_space<semaphore_mem>>)
        %dma_wait3A = arith.constant 0 : i32
        %dma_wait3A_32 = arith.constant 0 : i32
        %dma_wait3A_33 = tpu.memref_slice %arg5[%add3A, %scan3A_12, %dma_wait3A, %dma_wait3A_32] : memref<32x79x128x16xf32, #tpu.memory_space<hbm>> -> memref<1x1x64x16xf32, #tpu.memory_space<hbm>>
        %dma_wait3A_34 = tpu.memref_squeeze %dma_wait3A_33 : memref<1x1x64x16xf32, #tpu.memory_space<hbm>> -> memref<64x16xf32, #tpu.memory_space<hbm>>
        %dma_wait3A_35 = arith.constant 0 : i32
        %dma_wait3A_36 = arith.constant 0 : i32
        %dma_wait3A_37 = tpu.memref_slice %arg5[%add3A, %scan3A_12, %dma_wait3A_35, %dma_wait3A_36] : memref<32x79x128x16xf32, #tpu.memory_space<hbm>> -> memref<1x1x64x16xf32, #tpu.memory_space<hbm>>
        %dma_wait3A_38 = tpu.memref_squeeze %dma_wait3A_37 : memref<1x1x64x16xf32, #tpu.memory_space<hbm>> -> memref<64x16xf32, #tpu.memory_space<hbm>>
        tpu.wait_dma2 semaphore(%run_scoped3A : memref<!tpu.dma_semaphore, #tpu.memory_space<semaphore_mem>>) src(%arg11 : memref<64x16xf32, #tpu.memory_space<vmem>>) dst(%dma_wait3A_38 : memref<64x16xf32, #tpu.memory_space<hbm>>)
        tpu.yield
      }) : () -> ()
      "tpu.region"() ({
        %run_scoped3A = tpu.sem_alloc : memref<!tpu.dma_semaphore, #tpu.memory_space<semaphore_mem>>
        %dma_start3A = arith.constant 64 : i32
        %dma_start3A_25 = tpu.memref_slice %arg6[%scan3A_12, %dma_start3A] : memref<79x128xi32, #tpu.memory_space<vmem>> -> memref<1x64xi32, #tpu.memory_space<vmem>>
        %dma_start3A_26 = tpu.memref_squeeze %dma_start3A_25 : memref<1x64xi32, #tpu.memory_space<vmem>> -> memref<64xi32, #tpu.memory_space<vmem>>
        %dma_start3A_27 = arith.constant 0 : i32
        %dma_start3A_28 = arith.constant 0 : i32
        %dma_start3A_29 = tpu.memref_slice %arg8[%dma_start3A_27, %dma_start3A_28] : memref<10000x128xf32, #tpu.memory_space<vmem_shared>> -> memref<10000x128xf32, #tpu.memory_space<vmem_shared>>
        tpu.enqueue_indirect_dma source(%dma_start3A_29 : memref<10000x128xf32, #tpu.memory_space<vmem_shared>>) target(%arg9 : memref<64x128xf32, #tpu.memory_space<vmem>>) offsets(%dma_start3A_26 : memref<64xi32, #tpu.memory_space<vmem>>) semaphore(%run_scoped3A : memref<!tpu.dma_semaphore, #tpu.memory_space<semaphore_mem>>)
        %dma_wait3A = arith.constant 64 : i32
        %dma_wait3A_30 = tpu.memref_slice %arg6[%scan3A_12, %dma_wait3A] : memref<79x128xi32, #tpu.memory_space<vmem>> -> memref<1x64xi32, #tpu.memory_space<vmem>>
        %dma_wait3A_31 = tpu.memref_squeeze %dma_wait3A_30 : memref<1x64xi32, #tpu.memory_space<vmem>> -> memref<64xi32, #tpu.memory_space<vmem>>
        %dma_wait3A_32 = arith.constant 0 : i32
        %dma_wait3A_33 = arith.constant 0 : i32
        %dma_wait3A_34 = tpu.memref_slice %arg8[%dma_wait3A_32, %dma_wait3A_33] : memref<10000x128xf32, #tpu.memory_space<vmem_shared>> -> memref<10000x128xf32, #tpu.memory_space<vmem_shared>>
        tpu.wait_indirect_dma semaphore(%run_scoped3A : memref<!tpu.dma_semaphore, #tpu.memory_space<semaphore_mem>>) src(%dma_wait3A_34 : memref<10000x128xf32, #tpu.memory_space<vmem_shared>>) dst(%arg9 : memref<64x128xf32, #tpu.memory_space<vmem>>)
        tpu.yield
      }) : () -> ()
      "tpu.region"() ({
        %run_scoped3A = tpu.sem_alloc : memref<!tpu.dma_semaphore, #tpu.memory_space<semaphore_mem>>
        %dma_start3A = arith.constant 64 : i32
        %dma_start3A_25 = tpu.memref_slice %arg7[%scan3A_12, %dma_start3A] : memref<79x128xi32, #tpu.memory_space<vmem>> -> memref<1x64xi32, #tpu.memory_space<vmem>>
        %dma_start3A_26 = tpu.memref_squeeze %dma_start3A_25 : memref<1x64xi32, #tpu.memory_space<vmem>> -> memref<64xi32, #tpu.memory_space<vmem>>
        %dma_start3A_27 = arith.constant 0 : i32
        %dma_start3A_28 = arith.constant 0 : i32
        %dma_start3A_29 = tpu.memref_slice %arg8[%dma_start3A_27, %dma_start3A_28] : memref<10000x128xf32, #tpu.memory_space<vmem_shared>> -> memref<10000x128xf32, #tpu.memory_space<vmem_shared>>
        tpu.enqueue_indirect_dma source(%dma_start3A_29 : memref<10000x128xf32, #tpu.memory_space<vmem_shared>>) target(%arg10 : memref<64x128xf32, #tpu.memory_space<vmem>>) offsets(%dma_start3A_26 : memref<64xi32, #tpu.memory_space<vmem>>) semaphore(%run_scoped3A : memref<!tpu.dma_semaphore, #tpu.memory_space<semaphore_mem>>)
        %dma_wait3A = arith.constant 64 : i32
        %dma_wait3A_30 = tpu.memref_slice %arg7[%scan3A_12, %dma_wait3A] : memref<79x128xi32, #tpu.memory_space<vmem>> -> memref<1x64xi32, #tpu.memory_space<vmem>>
        %dma_wait3A_31 = tpu.memref_squeeze %dma_wait3A_30 : memref<1x64xi32, #tpu.memory_space<vmem>> -> memref<64xi32, #tpu.memory_space<vmem>>
        %dma_wait3A_32 = arith.constant 0 : i32
        %dma_wait3A_33 = arith.constant 0 : i32
        %dma_wait3A_34 = tpu.memref_slice %arg8[%dma_wait3A_32, %dma_wait3A_33] : memref<10000x128xf32, #tpu.memory_space<vmem_shared>> -> memref<10000x128xf32, #tpu.memory_space<vmem_shared>>
        tpu.wait_indirect_dma semaphore(%run_scoped3A : memref<!tpu.dma_semaphore, #tpu.memory_space<semaphore_mem>>) src(%dma_wait3A_34 : memref<10000x128xf32, #tpu.memory_space<vmem_shared>>) dst(%arg10 : memref<64x128xf32, #tpu.memory_space<vmem>>)
        tpu.yield
      }) : () -> ()
      %scan3A_19 = arith.constant 0 : i32
      %scan3A_20 = arith.constant 0 : i32
      %scan3A_21 = arith.constant 64 : i32
      %scan3A_22 = arith.addi %scan3A_20, %scan3A_21 : i32
      %scan3A_23 = arith.constant 8 : i32
      scf.for %scan3A_25 = %scan3A_20 to %scan3A_22 step %scan3A_23  : i32 {
        %get3A = arith.index_cast %scan3A_25 : i32 to index
        %get3A_26 = arith.constant 0 : index
        %get3A_27 = tpu.vector_load %arg9[%get3A, %get3A_26] {strides = array<i32>} : memref<64x128xf32, #tpu.memory_space<vmem>>, vector<1x16xf32>,
        %get3A_28 = vector.shape_cast %get3A_27 : vector<1x16xf32> to vector<16xf32>
        %get3A_29 = arith.index_cast %scan3A_25 : i32 to index
        %get3A_30 = arith.constant 0 : index
        %get3A_31 = tpu.vector_load %arg10[%get3A_29, %get3A_30] {strides = array<i32>} : memref<64x128xf32, #tpu.memory_space<vmem>>, vector<1x16xf32>,
        %get3A_32 = vector.shape_cast %get3A_31 : vector<1x16xf32> to vector<16xf32>
        %mul3A_33 = arith.mulf %get3A_28, %get3A_32 : vector<16xf32>
        %get3A_34 = arith.index_cast %scan3A_25 : i32 to index
        %get3A_35 = arith.constant 16 : index
        %get3A_36 = tpu.vector_load %arg9[%get3A_34, %get3A_35] {strides = array<i32>} : memref<64x128xf32, #tpu.memory_space<vmem>>, vector<1x16xf32>,
        %get3A_37 = vector.shape_cast %get3A_36 : vector<1x16xf32> to vector<16xf32>
        %get3A_38 = arith.index_cast %scan3A_25 : i32 to index
        %get3A_39 = arith.constant 16 : index
        %get3A_40 = tpu.vector_load %arg10[%get3A_38, %get3A_39] {strides = array<i32>} : memref<64x128xf32, #tpu.memory_space<vmem>>, vector<1x16xf32>,
        %get3A_41 = vector.shape_cast %get3A_40 : vector<1x16xf32> to vector<16xf32>
        %mul3A_42 = arith.mulf %get3A_37, %get3A_41 : vector<16xf32>
        %add3A_43 = arith.addf %mul3A_33, %mul3A_42 : vector<16xf32>
        %get3A_44 = arith.index_cast %scan3A_25 : i32 to index
        %get3A_45 = arith.constant 32 : index
        %get3A_46 = tpu.vector_load %arg9[%get3A_44, %get3A_45] {strides = array<i32>} : memref<64x128xf32, #tpu.memory_space<vmem>>, vector<1x16xf32>,
        %get3A_47 = vector.shape_cast %get3A_46 : vector<1x16xf32> to vector<16xf32>
        %get3A_48 = arith.index_cast %scan3A_25 : i32 to index
        %get3A_49 = arith.constant 32 : index
        %get3A_50 = tpu.vector_load %arg10[%get3A_48, %get3A_49] {strides = array<i32>} : memref<64x128xf32, #tpu.memory_space<vmem>>, vector<1x16xf32>,
        %get3A_51 = vector.shape_cast %get3A_50 : vector<1x16xf32> to vector<16xf32>
        %mul3A_52 = arith.mulf %get3A_47, %get3A_51 : vector<16xf32>
        %add3A_53 = arith.addf %add3A_43, %mul3A_52 : vector<16xf32>
        %get3A_54 = arith.index_cast %scan3A_25 : i32 to index
        %get3A_55 = arith.constant 48 : index
        %get3A_56 = tpu.vector_load %arg9[%get3A_54, %get3A_55] {strides = array<i32>} : memref<64x128xf32, #tpu.memory_space<vmem>>, vector<1x16xf32>,
        %get3A_57 = vector.shape_cast %get3A_56 : vector<1x16xf32> to vector<16xf32>
        %get3A_58 = arith.index_cast %scan3A_25 : i32 to index
        %get3A_59 = arith.constant 48 : index
        %get3A_60 = tpu.vector_load %arg10[%get3A_58, %get3A_59] {strides = array<i32>} : memref<64x128xf32, #tpu.memory_space<vmem>>, vector<1x16xf32>,
        %get3A_61 = vector.shape_cast %get3A_60 : vector<1x16xf32> to vector<16xf32>
        %mul3A_62 = arith.mulf %get3A_57, %get3A_61 : vector<16xf32>
        %add3A_63 = arith.addf %add3A_53, %mul3A_62 : vector<16xf32>
        %swap3A = arith.index_cast %scan3A_25 : i32 to index
        %swap3A_64 = arith.constant 0 : index
        %swap3A_65 = tpu.vector_load %arg11[%swap3A, %swap3A_64] {strides = array<i32>} : memref<64x16xf32, #tpu.memory_space<vmem>>, vector<1x16xf32>,
        %swap3A_66 = vector.shape_cast %swap3A_65 : vector<1x16xf32> to vector<16xf32>
        %swap3A_67 = vector.shape_cast %add3A_63 : vector<16xf32> to vector<1x16xf32>
        tpu.vector_store %arg11[%swap3A, %swap3A_64], %swap3A_67 {strides = array<i32>} : memref<64x16xf32, #tpu.memory_space<vmem>>, vector<1x16xf32>,
        %scan3A_68 = arith.constant 1 : i32
        %scan3A_69 = arith.addi %scan3A_25, %scan3A_68 : i32
        %get3A_70 = arith.index_cast %scan3A_69 : i32 to index
        %get3A_71 = arith.constant 0 : index
        %get3A_72 = tpu.vector_load %arg9[%get3A_70, %get3A_71] {strides = array<i32>} : memref<64x128xf32, #tpu.memory_space<vmem>>, vector<1x16xf32>,
        %get3A_73 = vector.shape_cast %get3A_72 : vector<1x16xf32> to vector<16xf32>
        %get3A_74 = arith.index_cast %scan3A_69 : i32 to index
        %get3A_75 = arith.constant 0 : index
        %get3A_76 = tpu.vector_load %arg10[%get3A_74, %get3A_75] {strides = array<i32>} : memref<64x128xf32, #tpu.memory_space<vmem>>, vector<1x16xf32>,
        %get3A_77 = vector.shape_cast %get3A_76 : vector<1x16xf32> to vector<16xf32>
        %mul3A_78 = arith.mulf %get3A_73, %get3A_77 : vector<16xf32>
        %get3A_79 = arith.index_cast %scan3A_69 : i32 to index
        %get3A_80 = arith.constant 16 : index
        %get3A_81 = tpu.vector_load %arg9[%get3A_79, %get3A_80] {strides = array<i32>} : memref<64x128xf32, #tpu.memory_space<vmem>>, vector<1x16xf32>,
        %get3A_82 = vector.shape_cast %get3A_81 : vector<1x16xf32> to vector<16xf32>
        %get3A_83 = arith.index_cast %scan3A_69 : i32 to index
        %get3A_84 = arith.constant 16 : index
        %get3A_85 = tpu.vector_load %arg10[%get3A_83, %get3A_84] {strides = array<i32>} : memref<64x128xf32, #tpu.memory_space<vmem>>, vector<1x16xf32>,
        %get3A_86 = vector.shape_cast %get3A_85 : vector<1x16xf32> to vector<16xf32>
        %mul3A_87 = arith.mulf %get3A_82, %get3A_86 : vector<16xf32>
        %add3A_88 = arith.addf %mul3A_78, %mul3A_87 : vector<16xf32>
        %get3A_89 = arith.index_cast %scan3A_69 : i32 to index
        %get3A_90 = arith.constant 32 : index
        %get3A_91 = tpu.vector_load %arg9[%get3A_89, %get3A_90] {strides = array<i32>} : memref<64x128xf32, #tpu.memory_space<vmem>>, vector<1x16xf32>,
        %get3A_92 = vector.shape_cast %get3A_91 : vector<1x16xf32> to vector<16xf32>
        %get3A_93 = arith.index_cast %scan3A_69 : i32 to index
        %get3A_94 = arith.constant 32 : index
        %get3A_95 = tpu.vector_load %arg10[%get3A_93, %get3A_94] {strides = array<i32>} : memref<64x128xf32, #tpu.memory_space<vmem>>, vector<1x16xf32>,
        %get3A_96 = vector.shape_cast %get3A_95 : vector<1x16xf32> to vector<16xf32>
        %mul3A_97 = arith.mulf %get3A_92, %get3A_96 : vector<16xf32>
        %add3A_98 = arith.addf %add3A_88, %mul3A_97 : vector<16xf32>
        %get3A_99 = arith.index_cast %scan3A_69 : i32 to index
        %get3A_100 = arith.constant 48 : index
        %get3A_101 = tpu.vector_load %arg9[%get3A_99, %get3A_100] {strides = array<i32>} : memref<64x128xf32, #tpu.memory_space<vmem>>, vector<1x16xf32>,
        %get3A_102 = vector.shape_cast %get3A_101 : vector<1x16xf32> to vector<16xf32>
        %get3A_103 = arith.index_cast %scan3A_69 : i32 to index
        %get3A_104 = arith.constant 48 : index
        %get3A_105 = tpu.vector_load %arg10[%get3A_103, %get3A_104] {strides = array<i32>} : memref<64x128xf32, #tpu.memory_space<vmem>>, vector<1x16xf32>,
        %get3A_106 = vector.shape_cast %get3A_105 : vector<1x16xf32> to vector<16xf32>
        %mul3A_107 = arith.mulf %get3A_102, %get3A_106 : vector<16xf32>
        %add3A_108 = arith.addf %add3A_98, %mul3A_107 : vector<16xf32>
        %swap3A_109 = arith.index_cast %scan3A_69 : i32 to index
        %swap3A_110 = arith.constant 0 : index
        %swap3A_111 = tpu.vector_load %arg11[%swap3A_109, %swap3A_110] {strides = array<i32>} : memref<64x16xf32, #tpu.memory_space<vmem>>, vector<1x16xf32>,
        %swap3A_112 = vector.shape_cast %swap3A_111 : vector<1x16xf32> to vector<16xf32>
        %swap3A_113 = vector.shape_cast %add3A_108 : vector<16xf32> to vector<1x16xf32>
        tpu.vector_store %arg11[%swap3A_109, %swap3A_110], %swap3A_113 {strides = array<i32>} : memref<64x16xf32, #tpu.memory_space<vmem>>, vector<1x16xf32>,
        %scan3A_114 = arith.constant 2 : i32
        %scan3A_115 = arith.addi %scan3A_25, %scan3A_114 : i32
        %get3A_116 = arith.index_cast %scan3A_115 : i32 to index
        %get3A_117 = arith.constant 0 : index
        %get3A_118 = tpu.vector_load %arg9[%get3A_116, %get3A_117] {strides = array<i32>} : memref<64x128xf32, #tpu.memory_space<vmem>>, vector<1x16xf32>,
        %get3A_119 = vector.shape_cast %get3A_118 : vector<1x16xf32> to vector<16xf32>
        %get3A_120 = arith.index_cast %scan3A_115 : i32 to index
        %get3A_121 = arith.constant 0 : index
        %get3A_122 = tpu.vector_load %arg10[%get3A_120, %get3A_121] {strides = array<i32>} : memref<64x128xf32, #tpu.memory_space<vmem>>, vector<1x16xf32>,
        %get3A_123 = vector.shape_cast %get3A_122 : vector<1x16xf32> to vector<16xf32>
        %mul3A_124 = arith.mulf %get3A_119, %get3A_123 : vector<16xf32>
        %get3A_125 = arith.index_cast %scan3A_115 : i32 to index
        %get3A_126 = arith.constant 16 : index
        %get3A_127 = tpu.vector_load %arg9[%get3A_125, %get3A_126] {strides = array<i32>} : memref<64x128xf32, #tpu.memory_space<vmem>>, vector<1x16xf32>,
        %get3A_128 = vector.shape_cast %get3A_127 : vector<1x16xf32> to vector<16xf32>
        %get3A_129 = arith.index_cast %scan3A_115 : i32 to index
        %get3A_130 = arith.constant 16 : index
        %get3A_131 = tpu.vector_load %arg10[%get3A_129, %get3A_130] {strides = array<i32>} : memref<64x128xf32, #tpu.memory_space<vmem>>, vector<1x16xf32>,
        %get3A_132 = vector.shape_cast %get3A_131 : vector<1x16xf32> to vector<16xf32>
        %mul3A_133 = arith.mulf %get3A_128, %get3A_132 : vector<16xf32>
        %add3A_134 = arith.addf %mul3A_124, %mul3A_133 : vector<16xf32>
        %get3A_135 = arith.index_cast %scan3A_115 : i32 to index
        %get3A_136 = arith.constant 32 : index
        %get3A_137 = tpu.vector_load %arg9[%get3A_135, %get3A_136] {strides = array<i32>} : memref<64x128xf32, #tpu.memory_space<vmem>>, vector<1x16xf32>,
        %get3A_138 = vector.shape_cast %get3A_137 : vector<1x16xf32> to vector<16xf32>
        %get3A_139 = arith.index_cast %scan3A_115 : i32 to index
        %get3A_140 = arith.constant 32 : index
        %get3A_141 = tpu.vector_load %arg10[%get3A_139, %get3A_140] {strides = array<i32>} : memref<64x128xf32, #tpu.memory_space<vmem>>, vector<1x16xf32>,
        %get3A_142 = vector.shape_cast %get3A_141 : vector<1x16xf32> to vector<16xf32>
        %mul3A_143 = arith.mulf %get3A_138, %get3A_142 : vector<16xf32>
        %add3A_144 = arith.addf %add3A_134, %mul3A_143 : vector<16xf32>
        %get3A_145 = arith.index_cast %scan3A_115 : i32 to index
        %get3A_146 = arith.constant 48 : index
        %get3A_147 = tpu.vector_load %arg9[%get3A_145, %get3A_146] {strides = array<i32>} : memref<64x128xf32, #tpu.memory_space<vmem>>, vector<1x16xf32>,
        %get3A_148 = vector.shape_cast %get3A_147 : vector<1x16xf32> to vector<16xf32>
        %get3A_149 = arith.index_cast %scan3A_115 : i32 to index
        %get3A_150 = arith.constant 48 : index
        %get3A_151 = tpu.vector_load %arg10[%get3A_149, %get3A_150] {strides = array<i32>} : memref<64x128xf32, #tpu.memory_space<vmem>>, vector<1x16xf32>,
        %get3A_152 = vector.shape_cast %get3A_151 : vector<1x16xf32> to vector<16xf32>
        %mul3A_153 = arith.mulf %get3A_148, %get3A_152 : vector<16xf32>
        %add3A_154 = arith.addf %add3A_144, %mul3A_153 : vector<16xf32>
        %swap3A_155 = arith.index_cast %scan3A_115 : i32 to index
        %swap3A_156 = arith.constant 0 : index
        %swap3A_157 = tpu.vector_load %arg11[%swap3A_155, %swap3A_156] {strides = array<i32>} : memref<64x16xf32, #tpu.memory_space<vmem>>, vector<1x16xf32>,
        %swap3A_158 = vector.shape_cast %swap3A_157 : vector<1x16xf32> to vector<16xf32>
        %swap3A_159 = vector.shape_cast %add3A_154 : vector<16xf32> to vector<1x16xf32>
        tpu.vector_store %arg11[%swap3A_155, %swap3A_156], %swap3A_159 {strides = array<i32>} : memref<64x16xf32, #tpu.memory_space<vmem>>, vector<1x16xf32>,
        %scan3A_160 = arith.constant 3 : i32
        %scan3A_161 = arith.addi %scan3A_25, %scan3A_160 : i32
        %get3A_162 = arith.index_cast %scan3A_161 : i32 to index
        %get3A_163 = arith.constant 0 : index
        %get3A_164 = tpu.vector_load %arg9[%get3A_162, %get3A_163] {strides = array<i32>} : memref<64x128xf32, #tpu.memory_space<vmem>>, vector<1x16xf32>,
        %get3A_165 = vector.shape_cast %get3A_164 : vector<1x16xf32> to vector<16xf32>
        %get3A_166 = arith.index_cast %scan3A_161 : i32 to index
        %get3A_167 = arith.constant 0 : index
        %get3A_168 = tpu.vector_load %arg10[%get3A_166, %get3A_167] {strides = array<i32>} : memref<64x128xf32, #tpu.memory_space<vmem>>, vector<1x16xf32>,
        %get3A_169 = vector.shape_cast %get3A_168 : vector<1x16xf32> to vector<16xf32>
        %mul3A_170 = arith.mulf %get3A_165, %get3A_169 : vector<16xf32>
        %get3A_171 = arith.index_cast %scan3A_161 : i32 to index
        %get3A_172 = arith.constant 16 : index
        %get3A_173 = tpu.vector_load %arg9[%get3A_171, %get3A_172] {strides = array<i32>} : memref<64x128xf32, #tpu.memory_space<vmem>>, vector<1x16xf32>,
        %get3A_174 = vector.shape_cast %get3A_173 : vector<1x16xf32> to vector<16xf32>
        %get3A_175 = arith.index_cast %scan3A_161 : i32 to index
        %get3A_176 = arith.constant 16 : index
        %get3A_177 = tpu.vector_load %arg10[%get3A_175, %get3A_176] {strides = array<i32>} : memref<64x128xf32, #tpu.memory_space<vmem>>, vector<1x16xf32>,
        %get3A_178 = vector.shape_cast %get3A_177 : vector<1x16xf32> to vector<16xf32>
        %mul3A_179 = arith.mulf %get3A_174, %get3A_178 : vector<16xf32>
        %add3A_180 = arith.addf %mul3A_170, %mul3A_179 : vector<16xf32>
        %get3A_181 = arith.index_cast %scan3A_161 : i32 to index
        %get3A_182 = arith.constant 32 : index
        %get3A_183 = tpu.vector_load %arg9[%get3A_181, %get3A_182] {strides = array<i32>} : memref<64x128xf32, #tpu.memory_space<vmem>>, vector<1x16xf32>,
        %get3A_184 = vector.shape_cast %get3A_183 : vector<1x16xf32> to vector<16xf32>
        %get3A_185 = arith.index_cast %scan3A_161 : i32 to index
        %get3A_186 = arith.constant 32 : index
        %get3A_187 = tpu.vector_load %arg10[%get3A_185, %get3A_186] {strides = array<i32>} : memref<64x128xf32, #tpu.memory_space<vmem>>, vector<1x16xf32>,
        %get3A_188 = vector.shape_cast %get3A_187 : vector<1x16xf32> to vector<16xf32>
        %mul3A_189 = arith.mulf %get3A_184, %get3A_188 : vector<16xf32>
        %add3A_190 = arith.addf %add3A_180, %mul3A_189 : vector<16xf32>
        %get3A_191 = arith.index_cast %scan3A_161 : i32 to index
        %get3A_192 = arith.constant 48 : index
        %get3A_193 = tpu.vector_load %arg9[%get3A_191, %get3A_192] {strides = array<i32>} : memref<64x128xf32, #tpu.memory_space<vmem>>, vector<1x16xf32>,
        %get3A_194 = vector.shape_cast %get3A_193 : vector<1x16xf32> to vector<16xf32>
        %get3A_195 = arith.index_cast %scan3A_161 : i32 to index
        %get3A_196 = arith.constant 48 : index
        %get3A_197 = tpu.vector_load %arg10[%get3A_195, %get3A_196] {strides = array<i32>} : memref<64x128xf32, #tpu.memory_space<vmem>>, vector<1x16xf32>,
        %get3A_198 = vector.shape_cast %get3A_197 : vector<1x16xf32> to vector<16xf32>
        %mul3A_199 = arith.mulf %get3A_194, %get3A_198 : vector<16xf32>
        %add3A_200 = arith.addf %add3A_190, %mul3A_199 : vector<16xf32>
        %swap3A_201 = arith.index_cast %scan3A_161 : i32 to index
        %swap3A_202 = arith.constant 0 : index
        %swap3A_203 = tpu.vector_load %arg11[%swap3A_201, %swap3A_202] {strides = array<i32>} : memref<64x16xf32, #tpu.memory_space<vmem>>, vector<1x16xf32>,
        %swap3A_204 = vector.shape_cast %swap3A_203 : vector<1x16xf32> to vector<16xf32>
        %swap3A_205 = vector.shape_cast %add3A_200 : vector<16xf32> to vector<1x16xf32>
        tpu.vector_store %arg11[%swap3A_201, %swap3A_202], %swap3A_205 {strides = array<i32>} : memref<64x16xf32, #tpu.memory_space<vmem>>, vector<1x16xf32>,
        %scan3A_206 = arith.constant 4 : i32
        %scan3A_207 = arith.addi %scan3A_25, %scan3A_206 : i32
        %get3A_208 = arith.index_cast %scan3A_207 : i32 to index
        %get3A_209 = arith.constant 0 : index
        %get3A_210 = tpu.vector_load %arg9[%get3A_208, %get3A_209] {strides = array<i32>} : memref<64x128xf32, #tpu.memory_space<vmem>>, vector<1x16xf32>,
        %get3A_211 = vector.shape_cast %get3A_210 : vector<1x16xf32> to vector<16xf32>
        %get3A_212 = arith.index_cast %scan3A_207 : i32 to index
        %get3A_213 = arith.constant 0 : index
        %get3A_214 = tpu.vector_load %arg10[%get3A_212, %get3A_213] {strides = array<i32>} : memref<64x128xf32, #tpu.memory_space<vmem>>, vector<1x16xf32>,
        %get3A_215 = vector.shape_cast %get3A_214 : vector<1x16xf32> to vector<16xf32>
        %mul3A_216 = arith.mulf %get3A_211, %get3A_215 : vector<16xf32>
        %get3A_217 = arith.index_cast %scan3A_207 : i32 to index
        %get3A_218 = arith.constant 16 : index
        %get3A_219 = tpu.vector_load %arg9[%get3A_217, %get3A_218] {strides = array<i32>} : memref<64x128xf32, #tpu.memory_space<vmem>>, vector<1x16xf32>,
        %get3A_220 = vector.shape_cast %get3A_219 : vector<1x16xf32> to vector<16xf32>
        %get3A_221 = arith.index_cast %scan3A_207 : i32 to index
        %get3A_222 = arith.constant 16 : index
        %get3A_223 = tpu.vector_load %arg10[%get3A_221, %get3A_222] {strides = array<i32>} : memref<64x128xf32, #tpu.memory_space<vmem>>, vector<1x16xf32>,
        %get3A_224 = vector.shape_cast %get3A_223 : vector<1x16xf32> to vector<16xf32>
        %mul3A_225 = arith.mulf %get3A_220, %get3A_224 : vector<16xf32>
        %add3A_226 = arith.addf %mul3A_216, %mul3A_225 : vector<16xf32>
        %get3A_227 = arith.index_cast %scan3A_207 : i32 to index
        %get3A_228 = arith.constant 32 : index
        %get3A_229 = tpu.vector_load %arg9[%get3A_227, %get3A_228] {strides = array<i32>} : memref<64x128xf32, #tpu.memory_space<vmem>>, vector<1x16xf32>,
        %get3A_230 = vector.shape_cast %get3A_229 : vector<1x16xf32> to vector<16xf32>
        %get3A_231 = arith.index_cast %scan3A_207 : i32 to index
        %get3A_232 = arith.constant 32 : index
        %get3A_233 = tpu.vector_load %arg10[%get3A_231, %get3A_232] {strides = array<i32>} : memref<64x128xf32, #tpu.memory_space<vmem>>, vector<1x16xf32>,
        %get3A_234 = vector.shape_cast %get3A_233 : vector<1x16xf32> to vector<16xf32>
        %mul3A_235 = arith.mulf %get3A_230, %get3A_234 : vector<16xf32>
        %add3A_236 = arith.addf %add3A_226, %mul3A_235 : vector<16xf32>
        %get3A_237 = arith.index_cast %scan3A_207 : i32 to index
        %get3A_238 = arith.constant 48 : index
        %get3A_239 = tpu.vector_load %arg9[%get3A_237, %get3A_238] {strides = array<i32>} : memref<64x128xf32, #tpu.memory_space<vmem>>, vector<1x16xf32>,
        %get3A_240 = vector.shape_cast %get3A_239 : vector<1x16xf32> to vector<16xf32>
        %get3A_241 = arith.index_cast %scan3A_207 : i32 to index
        %get3A_242 = arith.constant 48 : index
        %get3A_243 = tpu.vector_load %arg10[%get3A_241, %get3A_242] {strides = array<i32>} : memref<64x128xf32, #tpu.memory_space<vmem>>, vector<1x16xf32>,
        %get3A_244 = vector.shape_cast %get3A_243 : vector<1x16xf32> to vector<16xf32>
        %mul3A_245 = arith.mulf %get3A_240, %get3A_244 : vector<16xf32>
        %add3A_246 = arith.addf %add3A_236, %mul3A_245 : vector<16xf32>
        %swap3A_247 = arith.index_cast %scan3A_207 : i32 to index
        %swap3A_248 = arith.constant 0 : index
        %swap3A_249 = tpu.vector_load %arg11[%swap3A_247, %swap3A_248] {strides = array<i32>} : memref<64x16xf32, #tpu.memory_space<vmem>>, vector<1x16xf32>,
        %swap3A_250 = vector.shape_cast %swap3A_249 : vector<1x16xf32> to vector<16xf32>
        %swap3A_251 = vector.shape_cast %add3A_246 : vector<16xf32> to vector<1x16xf32>
        tpu.vector_store %arg11[%swap3A_247, %swap3A_248], %swap3A_251 {strides = array<i32>} : memref<64x16xf32, #tpu.memory_space<vmem>>, vector<1x16xf32>,
        %scan3A_252 = arith.constant 5 : i32
        %scan3A_253 = arith.addi %scan3A_25, %scan3A_252 : i32
        %get3A_254 = arith.index_cast %scan3A_253 : i32 to index
        %get3A_255 = arith.constant 0 : index
        %get3A_256 = tpu.vector_load %arg9[%get3A_254, %get3A_255] {strides = array<i32>} : memref<64x128xf32, #tpu.memory_space<vmem>>, vector<1x16xf32>,
        %get3A_257 = vector.shape_cast %get3A_256 : vector<1x16xf32> to vector<16xf32>
        %get3A_258 = arith.index_cast %scan3A_253 : i32 to index
        %get3A_259 = arith.constant 0 : index
        %get3A_260 = tpu.vector_load %arg10[%get3A_258, %get3A_259] {strides = array<i32>} : memref<64x128xf32, #tpu.memory_space<vmem>>, vector<1x16xf32>,
        %get3A_261 = vector.shape_cast %get3A_260 : vector<1x16xf32> to vector<16xf32>
        %mul3A_262 = arith.mulf %get3A_257, %get3A_261 : vector<16xf32>
        %get3A_263 = arith.index_cast %scan3A_253 : i32 to index
        %get3A_264 = arith.constant 16 : index
        %get3A_265 = tpu.vector_load %arg9[%get3A_263, %get3A_264] {strides = array<i32>} : memref<64x128xf32, #tpu.memory_space<vmem>>, vector<1x16xf32>,
        %get3A_266 = vector.shape_cast %get3A_265 : vector<1x16xf32> to vector<16xf32>
        %get3A_267 = arith.index_cast %scan3A_253 : i32 to index
        %get3A_268 = arith.constant 16 : index
        %get3A_269 = tpu.vector_load %arg10[%get3A_267, %get3A_268] {strides = array<i32>} : memref<64x128xf32, #tpu.memory_space<vmem>>, vector<1x16xf32>,
        %get3A_270 = vector.shape_cast %get3A_269 : vector<1x16xf32> to vector<16xf32>
        %mul3A_271 = arith.mulf %get3A_266, %get3A_270 : vector<16xf32>
        %add3A_272 = arith.addf %mul3A_262, %mul3A_271 : vector<16xf32>
        %get3A_273 = arith.index_cast %scan3A_253 : i32 to index
        %get3A_274 = arith.constant 32 : index
        %get3A_275 = tpu.vector_load %arg9[%get3A_273, %get3A_274] {strides = array<i32>} : memref<64x128xf32, #tpu.memory_space<vmem>>, vector<1x16xf32>,
        %get3A_276 = vector.shape_cast %get3A_275 : vector<1x16xf32> to vector<16xf32>
        %get3A_277 = arith.index_cast %scan3A_253 : i32 to index
        %get3A_278 = arith.constant 32 : index
        %get3A_279 = tpu.vector_load %arg10[%get3A_277, %get3A_278] {strides = array<i32>} : memref<64x128xf32, #tpu.memory_space<vmem>>, vector<1x16xf32>,
        %get3A_280 = vector.shape_cast %get3A_279 : vector<1x16xf32> to vector<16xf32>
        %mul3A_281 = arith.mulf %get3A_276, %get3A_280 : vector<16xf32>
        %add3A_282 = arith.addf %add3A_272, %mul3A_281 : vector<16xf32>
        %get3A_283 = arith.index_cast %scan3A_253 : i32 to index
        %get3A_284 = arith.constant 48 : index
        %get3A_285 = tpu.vector_load %arg9[%get3A_283, %get3A_284] {strides = array<i32>} : memref<64x128xf32, #tpu.memory_space<vmem>>, vector<1x16xf32>,
        %get3A_286 = vector.shape_cast %get3A_285 : vector<1x16xf32> to vector<16xf32>
        %get3A_287 = arith.index_cast %scan3A_253 : i32 to index
        %get3A_288 = arith.constant 48 : index
        %get3A_289 = tpu.vector_load %arg10[%get3A_287, %get3A_288] {strides = array<i32>} : memref<64x128xf32, #tpu.memory_space<vmem>>, vector<1x16xf32>,
        %get3A_290 = vector.shape_cast %get3A_289 : vector<1x16xf32> to vector<16xf32>
        %mul3A_291 = arith.mulf %get3A_286, %get3A_290 : vector<16xf32>
        %add3A_292 = arith.addf %add3A_282, %mul3A_291 : vector<16xf32>
        %swap3A_293 = arith.index_cast %scan3A_253 : i32 to index
        %swap3A_294 = arith.constant 0 : index
        %swap3A_295 = tpu.vector_load %arg11[%swap3A_293, %swap3A_294] {strides = array<i32>} : memref<64x16xf32, #tpu.memory_space<vmem>>, vector<1x16xf32>,
        %swap3A_296 = vector.shape_cast %swap3A_295 : vector<1x16xf32> to vector<16xf32>
        %swap3A_297 = vector.shape_cast %add3A_292 : vector<16xf32> to vector<1x16xf32>
        tpu.vector_store %arg11[%swap3A_293, %swap3A_294], %swap3A_297 {strides = array<i32>} : memref<64x16xf32, #tpu.memory_space<vmem>>, vector<1x16xf32>,
        %scan3A_298 = arith.constant 6 : i32
        %scan3A_299 = arith.addi %scan3A_25, %scan3A_298 : i32
        %get3A_300 = arith.index_cast %scan3A_299 : i32 to index
        %get3A_301 = arith.constant 0 : index
        %get3A_302 = tpu.vector_load %arg9[%get3A_300, %get3A_301] {strides = array<i32>} : memref<64x128xf32, #tpu.memory_space<vmem>>, vector<1x16xf32>,
        %get3A_303 = vector.shape_cast %get3A_302 : vector<1x16xf32> to vector<16xf32>
        %get3A_304 = arith.index_cast %scan3A_299 : i32 to index
        %get3A_305 = arith.constant 0 : index
        %get3A_306 = tpu.vector_load %arg10[%get3A_304, %get3A_305] {strides = array<i32>} : memref<64x128xf32, #tpu.memory_space<vmem>>, vector<1x16xf32>,
        %get3A_307 = vector.shape_cast %get3A_306 : vector<1x16xf32> to vector<16xf32>
        %mul3A_308 = arith.mulf %get3A_303, %get3A_307 : vector<16xf32>
        %get3A_309 = arith.index_cast %scan3A_299 : i32 to index
        %get3A_310 = arith.constant 16 : index
        %get3A_311 = tpu.vector_load %arg9[%get3A_309, %get3A_310] {strides = array<i32>} : memref<64x128xf32, #tpu.memory_space<vmem>>, vector<1x16xf32>,
        %get3A_312 = vector.shape_cast %get3A_311 : vector<1x16xf32> to vector<16xf32>
        %get3A_313 = arith.index_cast %scan3A_299 : i32 to index
        %get3A_314 = arith.constant 16 : index
        %get3A_315 = tpu.vector_load %arg10[%get3A_313, %get3A_314] {strides = array<i32>} : memref<64x128xf32, #tpu.memory_space<vmem>>, vector<1x16xf32>,
        %get3A_316 = vector.shape_cast %get3A_315 : vector<1x16xf32> to vector<16xf32>
        %mul3A_317 = arith.mulf %get3A_312, %get3A_316 : vector<16xf32>
        %add3A_318 = arith.addf %mul3A_308, %mul3A_317 : vector<16xf32>
        %get3A_319 = arith.index_cast %scan3A_299 : i32 to index
        %get3A_320 = arith.constant 32 : index
        %get3A_321 = tpu.vector_load %arg9[%get3A_319, %get3A_320] {strides = array<i32>} : memref<64x128xf32, #tpu.memory_space<vmem>>, vector<1x16xf32>,
        %get3A_322 = vector.shape_cast %get3A_321 : vector<1x16xf32> to vector<16xf32>
        %get3A_323 = arith.index_cast %scan3A_299 : i32 to index
        %get3A_324 = arith.constant 32 : index
        %get3A_325 = tpu.vector_load %arg10[%get3A_323, %get3A_324] {strides = array<i32>} : memref<64x128xf32, #tpu.memory_space<vmem>>, vector<1x16xf32>,
        %get3A_326 = vector.shape_cast %get3A_325 : vector<1x16xf32> to vector<16xf32>
        %mul3A_327 = arith.mulf %get3A_322, %get3A_326 : vector<16xf32>
        %add3A_328 = arith.addf %add3A_318, %mul3A_327 : vector<16xf32>
        %get3A_329 = arith.index_cast %scan3A_299 : i32 to index
        %get3A_330 = arith.constant 48 : index
        %get3A_331 = tpu.vector_load %arg9[%get3A_329, %get3A_330] {strides = array<i32>} : memref<64x128xf32, #tpu.memory_space<vmem>>, vector<1x16xf32>,
        %get3A_332 = vector.shape_cast %get3A_331 : vector<1x16xf32> to vector<16xf32>
        %get3A_333 = arith.index_cast %scan3A_299 : i32 to index
        %get3A_334 = arith.constant 48 : index
        %get3A_335 = tpu.vector_load %arg10[%get3A_333, %get3A_334] {strides = array<i32>} : memref<64x128xf32, #tpu.memory_space<vmem>>, vector<1x16xf32>,
        %get3A_336 = vector.shape_cast %get3A_335 : vector<1x16xf32> to vector<16xf32>
        %mul3A_337 = arith.mulf %get3A_332, %get3A_336 : vector<16xf32>
        %add3A_338 = arith.addf %add3A_328, %mul3A_337 : vector<16xf32>
        %swap3A_339 = arith.index_cast %scan3A_299 : i32 to index
        %swap3A_340 = arith.constant 0 : index
        %swap3A_341 = tpu.vector_load %arg11[%swap3A_339, %swap3A_340] {strides = array<i32>} : memref<64x16xf32, #tpu.memory_space<vmem>>, vector<1x16xf32>,
        %swap3A_342 = vector.shape_cast %swap3A_341 : vector<1x16xf32> to vector<16xf32>
        %swap3A_343 = vector.shape_cast %add3A_338 : vector<16xf32> to vector<1x16xf32>
        tpu.vector_store %arg11[%swap3A_339, %swap3A_340], %swap3A_343 {strides = array<i32>} : memref<64x16xf32, #tpu.memory_space<vmem>>, vector<1x16xf32>,
        %scan3A_344 = arith.constant 7 : i32
        %scan3A_345 = arith.addi %scan3A_25, %scan3A_344 : i32
        %get3A_346 = arith.index_cast %scan3A_345 : i32 to index
        %get3A_347 = arith.constant 0 : index
        %get3A_348 = tpu.vector_load %arg9[%get3A_346, %get3A_347] {strides = array<i32>} : memref<64x128xf32, #tpu.memory_space<vmem>>, vector<1x16xf32>,
        %get3A_349 = vector.shape_cast %get3A_348 : vector<1x16xf32> to vector<16xf32>
        %get3A_350 = arith.index_cast %scan3A_345 : i32 to index
        %get3A_351 = arith.constant 0 : index
        %get3A_352 = tpu.vector_load %arg10[%get3A_350, %get3A_351] {strides = array<i32>} : memref<64x128xf32, #tpu.memory_space<vmem>>, vector<1x16xf32>,
        %get3A_353 = vector.shape_cast %get3A_352 : vector<1x16xf32> to vector<16xf32>
        %mul3A_354 = arith.mulf %get3A_349, %get3A_353 : vector<16xf32>
        %get3A_355 = arith.index_cast %scan3A_345 : i32 to index
        %get3A_356 = arith.constant 16 : index
        %get3A_357 = tpu.vector_load %arg9[%get3A_355, %get3A_356] {strides = array<i32>} : memref<64x128xf32, #tpu.memory_space<vmem>>, vector<1x16xf32>,
        %get3A_358 = vector.shape_cast %get3A_357 : vector<1x16xf32> to vector<16xf32>
        %get3A_359 = arith.index_cast %scan3A_345 : i32 to index
        %get3A_360 = arith.constant 16 : index
        %get3A_361 = tpu.vector_load %arg10[%get3A_359, %get3A_360] {strides = array<i32>} : memref<64x128xf32, #tpu.memory_space<vmem>>, vector<1x16xf32>,
        %get3A_362 = vector.shape_cast %get3A_361 : vector<1x16xf32> to vector<16xf32>
        %mul3A_363 = arith.mulf %get3A_358, %get3A_362 : vector<16xf32>
        %add3A_364 = arith.addf %mul3A_354, %mul3A_363 : vector<16xf32>
        %get3A_365 = arith.index_cast %scan3A_345 : i32 to index
        %get3A_366 = arith.constant 32 : index
        %get3A_367 = tpu.vector_load %arg9[%get3A_365, %get3A_366] {strides = array<i32>} : memref<64x128xf32, #tpu.memory_space<vmem>>, vector<1x16xf32>,
        %get3A_368 = vector.shape_cast %get3A_367 : vector<1x16xf32> to vector<16xf32>
        %get3A_369 = arith.index_cast %scan3A_345 : i32 to index
        %get3A_370 = arith.constant 32 : index
        %get3A_371 = tpu.vector_load %arg10[%get3A_369, %get3A_370] {strides = array<i32>} : memref<64x128xf32, #tpu.memory_space<vmem>>, vector<1x16xf32>,
        %get3A_372 = vector.shape_cast %get3A_371 : vector<1x16xf32> to vector<16xf32>
        %mul3A_373 = arith.mulf %get3A_368, %get3A_372 : vector<16xf32>
        %add3A_374 = arith.addf %add3A_364, %mul3A_373 : vector<16xf32>
        %get3A_375 = arith.index_cast %scan3A_345 : i32 to index
        %get3A_376 = arith.constant 48 : index
        %get3A_377 = tpu.vector_load %arg9[%get3A_375, %get3A_376] {strides = array<i32>} : memref<64x128xf32, #tpu.memory_space<vmem>>, vector<1x16xf32>,
        %get3A_378 = vector.shape_cast %get3A_377 : vector<1x16xf32> to vector<16xf32>
        %get3A_379 = arith.index_cast %scan3A_345 : i32 to index
        %get3A_380 = arith.constant 48 : index
        %get3A_381 = tpu.vector_load %arg10[%get3A_379, %get3A_380] {strides = array<i32>} : memref<64x128xf32, #tpu.memory_space<vmem>>, vector<1x16xf32>,
        %get3A_382 = vector.shape_cast %get3A_381 : vector<1x16xf32> to vector<16xf32>
        %mul3A_383 = arith.mulf %get3A_378, %get3A_382 : vector<16xf32>
        %add3A_384 = arith.addf %add3A_374, %mul3A_383 : vector<16xf32>
        %swap3A_385 = arith.index_cast %scan3A_345 : i32 to index
        %swap3A_386 = arith.constant 0 : index
        %swap3A_387 = tpu.vector_load %arg11[%swap3A_385, %swap3A_386] {strides = array<i32>} : memref<64x16xf32, #tpu.memory_space<vmem>>, vector<1x16xf32>,
        %swap3A_388 = vector.shape_cast %swap3A_387 : vector<1x16xf32> to vector<16xf32>
        %swap3A_389 = vector.shape_cast %add3A_384 : vector<16xf32> to vector<1x16xf32>
        tpu.vector_store %arg11[%swap3A_385, %swap3A_386], %swap3A_389 {strides = array<i32>} : memref<64x16xf32, #tpu.memory_space<vmem>>, vector<1x16xf32>,
      }
      %scan3A_24 = arith.constant 64 : i32
      "tpu.region"() ({
        %run_scoped3A = tpu.sem_alloc : memref<!tpu.dma_semaphore, #tpu.memory_space<semaphore_mem>>
        %dma_start3A = arith.constant 64 : i32
        %dma_start3A_25 = arith.constant 0 : i32
        %dma_start3A_26 = tpu.memref_slice %arg5[%add3A, %scan3A_12, %dma_start3A, %dma_start3A_25] : memref<32x79x128x16xf32, #tpu.memory_space<hbm>> -> memref<1x1x64x16xf32, #tpu.memory_space<hbm>>
        %dma_start3A_27 = tpu.memref_squeeze %dma_start3A_26 : memref<1x1x64x16xf32, #tpu.memory_space<hbm>> -> memref<64x16xf32, #tpu.memory_space<hbm>>
        %dma_start3A_28 = arith.constant 64 : i32
        %dma_start3A_29 = arith.constant 0 : i32
        %dma_start3A_30 = tpu.memref_slice %arg5[%add3A, %scan3A_12, %dma_start3A_28, %dma_start3A_29] : memref<32x79x128x16xf32, #tpu.memory_space<hbm>> -> memref<1x1x64x16xf32, #tpu.memory_space<hbm>>
        %dma_start3A_31 = tpu.memref_squeeze %dma_start3A_30 : memref<1x1x64x16xf32, #tpu.memory_space<hbm>> -> memref<64x16xf32, #tpu.memory_space<hbm>>
        tpu.enqueue_dma source(%arg11 : memref<64x16xf32, #tpu.memory_space<vmem>>) target(%dma_start3A_31 : memref<64x16xf32, #tpu.memory_space<hbm>>) target_semaphore(%run_scoped3A : memref<!tpu.dma_semaphore, #tpu.memory_space<semaphore_mem>>)
        %dma_wait3A = arith.constant 64 : i32
        %dma_wait3A_32 = arith.constant 0 : i32
        %dma_wait3A_33 = tpu.memref_slice %arg5[%add3A, %scan3A_12, %dma_wait3A, %dma_wait3A_32] : memref<32x79x128x16xf32, #tpu.memory_space<hbm>> -> memref<1x1x64x16xf32, #tpu.memory_space<hbm>>
        %dma_wait3A_34 = tpu.memref_squeeze %dma_wait3A_33 : memref<1x1x64x16xf32, #tpu.memory_space<hbm>> -> memref<64x16xf32, #tpu.memory_space<hbm>>
        %dma_wait3A_35 = arith.constant 64 : i32
        %dma_wait3A_36 = arith.constant 0 : i32
        %dma_wait3A_37 = tpu.memref_slice %arg5[%add3A, %scan3A_12, %dma_wait3A_35, %dma_wait3A_36] : memref<32x79x128x16xf32, #tpu.memory_space<hbm>> -> memref<1x1x64x16xf32, #tpu.memory_space<hbm>>
        %dma_wait3A_38 = tpu.memref_squeeze %dma_wait3A_37 : memref<1x1x64x16xf32, #tpu.memory_space<hbm>> -> memref<64x16xf32, #tpu.memory_space<hbm>>
        tpu.wait_dma2 semaphore(%run_scoped3A : memref<!tpu.dma_semaphore, #tpu.memory_space<semaphore_mem>>) src(%arg11 : memref<64x16xf32, #tpu.memory_space<vmem>>) dst(%dma_wait3A_38 : memref<64x16xf32, #tpu.memory_space<hbm>>)
        tpu.yield
      }) : () -> ()
    }
    %scan3A_11 = arith.constant 79 : i32
    return
  }
}

#map = affine_map<(d0, d1) -> (0, 0, 0)>
#map1 = affine_map<(d0, d1) -> (0, 0)>
module attributes {stable_mosaic.version = 14 : i64} {
  func.func @k(%arg0: i32, %arg1: i32, %arg2: memref<32x79x128xi32, #tpu.memory_space<hbm>>, %arg3: memref<32x79x128xi32, #tpu.memory_space<hbm>>, %arg4: memref<10000x128xf32, #tpu.memory_space<hbm>>, %arg5: memref<10000x128xf32, #tpu.memory_space<hbm>>, %arg6: memref<2x10000x128xf32, #tpu.memory_space<hbm>>, %arg7: memref<79x128xi32, #tpu.memory_space<vmem>>, %arg8: memref<79x128xi32, #tpu.memory_space<vmem>>, %arg9: memref<64x128xf32, #tpu.memory_space<vmem>>, %arg10: memref<64x128xf32, #tpu.memory_space<vmem>>, %arg11: memref<10008x128xf32, #tpu.memory_space<vmem_shared>>, %arg12: memref<!tpu.dma_semaphore, #tpu.memory_space<semaphore_mem>>, %arg13: memref<!tpu.dma_semaphore, #tpu.memory_space<semaphore_mem>>) attributes {dimension_semantics = [#tpu.dimension_semantics<core_parallel>, #tpu.dimension_semantics<subcore_parallel>], iteration_bounds = array<i64: 2, 16>, scalar_prefetch = 0 : i64, scratch_operands = 7 : i64, tpu.core_type = #tpu.core_type<sc_vector_subcore>, window_params = [{transform_indices = #map}, {transform_indices = #map}, {transform_indices = #map1}, {transform_indices = #map1}, {transform_indices = #map}]} {
    %mul3A = arith.constant 16 : i32
    %mul3A_0 = arith.muli %arg0, %mul3A : i32
    %add3A = arith.addi %mul3A_0, %arg1 : i32
    "tpu.region"() ({
      %run_scoped3A_50 = tpu.sem_alloc : memref<!tpu.dma_semaphore, #tpu.memory_space<semaphore_mem>>
      %dma_start3A_51 = arith.constant 0 : i32
      %dma_start3A_52 = arith.constant 0 : i32
      %dma_start3A_53 = tpu.memref_slice %arg2[%add3A, %dma_start3A_51, %dma_start3A_52] : memref<32x79x128xi32, #tpu.memory_space<hbm>> -> memref<1x79x128xi32, #tpu.memory_space<hbm>>
      %dma_start3A_54 = tpu.memref_squeeze %dma_start3A_53 : memref<1x79x128xi32, #tpu.memory_space<hbm>> -> memref<79x128xi32, #tpu.memory_space<hbm>>
      %dma_start3A_55 = arith.constant 0 : i32
      %dma_start3A_56 = arith.constant 0 : i32
      %dma_start3A_57 = tpu.memref_slice %arg2[%add3A, %dma_start3A_55, %dma_start3A_56] : memref<32x79x128xi32, #tpu.memory_space<hbm>> -> memref<1x79x128xi32, #tpu.memory_space<hbm>>
      %dma_start3A_58 = tpu.memref_squeeze %dma_start3A_57 : memref<1x79x128xi32, #tpu.memory_space<hbm>> -> memref<79x128xi32, #tpu.memory_space<hbm>>
      tpu.enqueue_dma source(%dma_start3A_58 : memref<79x128xi32, #tpu.memory_space<hbm>>) target(%arg7 : memref<79x128xi32, #tpu.memory_space<vmem>>) target_semaphore(%run_scoped3A_50 : memref<!tpu.dma_semaphore, #tpu.memory_space<semaphore_mem>>)
      %dma_wait3A_59 = arith.constant 0 : i32
      %dma_wait3A_60 = arith.constant 0 : i32
      %dma_wait3A_61 = tpu.memref_slice %arg2[%add3A, %dma_wait3A_59, %dma_wait3A_60] : memref<32x79x128xi32, #tpu.memory_space<hbm>> -> memref<1x79x128xi32, #tpu.memory_space<hbm>>
      %dma_wait3A_62 = tpu.memref_squeeze %dma_wait3A_61 : memref<1x79x128xi32, #tpu.memory_space<hbm>> -> memref<79x128xi32, #tpu.memory_space<hbm>>
      %dma_wait3A_63 = arith.constant 0 : i32
      %dma_wait3A_64 = arith.constant 0 : i32
      %dma_wait3A_65 = tpu.memref_slice %arg2[%add3A, %dma_wait3A_63, %dma_wait3A_64] : memref<32x79x128xi32, #tpu.memory_space<hbm>> -> memref<1x79x128xi32, #tpu.memory_space<hbm>>
      %dma_wait3A_66 = tpu.memref_squeeze %dma_wait3A_65 : memref<1x79x128xi32, #tpu.memory_space<hbm>> -> memref<79x128xi32, #tpu.memory_space<hbm>>
      tpu.wait_dma2 semaphore(%run_scoped3A_50 : memref<!tpu.dma_semaphore, #tpu.memory_space<semaphore_mem>>) src(%dma_wait3A_66 : memref<79x128xi32, #tpu.memory_space<hbm>>) dst(%arg7 : memref<79x128xi32, #tpu.memory_space<vmem>>)
      tpu.yield
    }) : () -> ()
    "tpu.region"() ({
      %run_scoped3A_50 = tpu.sem_alloc : memref<!tpu.dma_semaphore, #tpu.memory_space<semaphore_mem>>
      %dma_start3A_51 = arith.constant 0 : i32
      %dma_start3A_52 = arith.constant 0 : i32
      %dma_start3A_53 = tpu.memref_slice %arg3[%add3A, %dma_start3A_51, %dma_start3A_52] : memref<32x79x128xi32, #tpu.memory_space<hbm>> -> memref<1x79x128xi32, #tpu.memory_space<hbm>>
      %dma_start3A_54 = tpu.memref_squeeze %dma_start3A_53 : memref<1x79x128xi32, #tpu.memory_space<hbm>> -> memref<79x128xi32, #tpu.memory_space<hbm>>
      %dma_start3A_55 = arith.constant 0 : i32
      %dma_start3A_56 = arith.constant 0 : i32
      %dma_start3A_57 = tpu.memref_slice %arg3[%add3A, %dma_start3A_55, %dma_start3A_56] : memref<32x79x128xi32, #tpu.memory_space<hbm>> -> memref<1x79x128xi32, #tpu.memory_space<hbm>>
      %dma_start3A_58 = tpu.memref_squeeze %dma_start3A_57 : memref<1x79x128xi32, #tpu.memory_space<hbm>> -> memref<79x128xi32, #tpu.memory_space<hbm>>
      tpu.enqueue_dma source(%dma_start3A_58 : memref<79x128xi32, #tpu.memory_space<hbm>>) target(%arg8 : memref<79x128xi32, #tpu.memory_space<vmem>>) target_semaphore(%run_scoped3A_50 : memref<!tpu.dma_semaphore, #tpu.memory_space<semaphore_mem>>)
      %dma_wait3A_59 = arith.constant 0 : i32
      %dma_wait3A_60 = arith.constant 0 : i32
      %dma_wait3A_61 = tpu.memref_slice %arg3[%add3A, %dma_wait3A_59, %dma_wait3A_60] : memref<32x79x128xi32, #tpu.memory_space<hbm>> -> memref<1x79x128xi32, #tpu.memory_space<hbm>>
      %dma_wait3A_62 = tpu.memref_squeeze %dma_wait3A_61 : memref<1x79x128xi32, #tpu.memory_space<hbm>> -> memref<79x128xi32, #tpu.memory_space<hbm>>
      %dma_wait3A_63 = arith.constant 0 : i32
      %dma_wait3A_64 = arith.constant 0 : i32
      %dma_wait3A_65 = tpu.memref_slice %arg3[%add3A, %dma_wait3A_63, %dma_wait3A_64] : memref<32x79x128xi32, #tpu.memory_space<hbm>> -> memref<1x79x128xi32, #tpu.memory_space<hbm>>
      %dma_wait3A_66 = tpu.memref_squeeze %dma_wait3A_65 : memref<1x79x128xi32, #tpu.memory_space<hbm>> -> memref<79x128xi32, #tpu.memory_space<hbm>>
      tpu.wait_dma2 semaphore(%run_scoped3A_50 : memref<!tpu.dma_semaphore, #tpu.memory_space<semaphore_mem>>) src(%dma_wait3A_66 : memref<79x128xi32, #tpu.memory_space<hbm>>) dst(%arg8 : memref<79x128xi32, #tpu.memory_space<vmem>>)
      tpu.yield
    }) : () -> ()
    %lt3A = arith.constant 15 : i32
    %lt3A_1 = arith.cmpi slt, %arg1, %lt3A : i32
    %convert_element_type3A = arith.extui %lt3A_1 : i1 to i32
    %cond3A = arith.constant 0 : i32
    %cond3A_2 = arith.cmpi ne, %convert_element_type3A, %cond3A : i32
    scf.if %cond3A_2 {
      %mul3A_50 = arith.constant 632 : i32
      %mul3A_51 = arith.muli %arg1, %mul3A_50 : i32
      %mul3A_52 = arith.constant 632 : i32
      %mul3A_53 = arith.muli %arg1, %mul3A_52 : i32
      "tpu.region"() ({
        %run_scoped3A_54 = tpu.sem_alloc : memref<!tpu.dma_semaphore, #tpu.memory_space<semaphore_mem>>
        %dma_start3A_55 = arith.constant 0 : i32
        %dma_start3A_56 = tpu.memref_slice %arg11[%mul3A_53, %dma_start3A_55] : memref<10008x128xf32, #tpu.memory_space<vmem_shared>> -> memref<632x128xf32, #tpu.memory_space<vmem_shared>>
        %dma_start3A_57 = arith.constant 0 : i32
        %dma_start3A_58 = tpu.memref_slice %arg5[%mul3A_51, %dma_start3A_57] : memref<10000x128xf32, #tpu.memory_space<hbm>> -> memref<632x128xf32, #tpu.memory_space<hbm>>
        tpu.enqueue_dma source(%dma_start3A_58 : memref<632x128xf32, #tpu.memory_space<hbm>>) target(%dma_start3A_56 : memref<632x128xf32, #tpu.memory_space<vmem_shared>>) target_semaphore(%run_scoped3A_54 : memref<!tpu.dma_semaphore, #tpu.memory_space<semaphore_mem>>)
        %dma_wait3A_59 = arith.constant 0 : i32
        %dma_wait3A_60 = tpu.memref_slice %arg11[%mul3A_53, %dma_wait3A_59] : memref<10008x128xf32, #tpu.memory_space<vmem_shared>> -> memref<632x128xf32, #tpu.memory_space<vmem_shared>>
        %dma_wait3A_61 = arith.constant 0 : i32
        %dma_wait3A_62 = tpu.memref_slice %arg5[%mul3A_51, %dma_wait3A_61] : memref<10000x128xf32, #tpu.memory_space<hbm>> -> memref<632x128xf32, #tpu.memory_space<hbm>>
        tpu.wait_dma2 semaphore(%run_scoped3A_54 : memref<!tpu.dma_semaphore, #tpu.memory_space<semaphore_mem>>) src(%dma_wait3A_62 : memref<632x128xf32, #tpu.memory_space<hbm>>) dst(%dma_wait3A_60 : memref<632x128xf32, #tpu.memory_space<vmem_shared>>)
        tpu.yield
      }) : () -> ()
    } else {
    }
    %eq3A = arith.constant 15 : i32
    %eq3A_3 = arith.cmpi eq, %arg1, %eq3A : i32
    %convert_element_type3A_4 = arith.extui %eq3A_3 : i1 to i32
    %cond3A_5 = arith.constant 0 : i32
    %cond3A_6 = arith.cmpi ne, %convert_element_type3A_4, %cond3A_5 : i32
    scf.if %cond3A_6 {
      "tpu.region"() ({
        %run_scoped3A_50 = tpu.sem_alloc : memref<!tpu.dma_semaphore, #tpu.memory_space<semaphore_mem>>
        %dma_start3A_51 = arith.constant 9480 : i32
        %dma_start3A_52 = arith.constant 0 : i32
        %dma_start3A_53 = tpu.memref_slice %arg11[%dma_start3A_51, %dma_start3A_52] : memref<10008x128xf32, #tpu.memory_space<vmem_shared>> -> memref<520x128xf32, #tpu.memory_space<vmem_shared>>
        %dma_start3A_54 = arith.constant 9480 : i32
        %dma_start3A_55 = arith.constant 0 : i32
        %dma_start3A_56 = tpu.memref_slice %arg5[%dma_start3A_54, %dma_start3A_55] : memref<10000x128xf32, #tpu.memory_space<hbm>> -> memref<520x128xf32, #tpu.memory_space<hbm>>
        tpu.enqueue_dma source(%dma_start3A_56 : memref<520x128xf32, #tpu.memory_space<hbm>>) target(%dma_start3A_53 : memref<520x128xf32, #tpu.memory_space<vmem_shared>>) target_semaphore(%run_scoped3A_50 : memref<!tpu.dma_semaphore, #tpu.memory_space<semaphore_mem>>)
        %dma_wait3A_57 = arith.constant 9480 : i32
        %dma_wait3A_58 = arith.constant 0 : i32
        %dma_wait3A_59 = tpu.memref_slice %arg11[%dma_wait3A_57, %dma_wait3A_58] : memref<10008x128xf32, #tpu.memory_space<vmem_shared>> -> memref<520x128xf32, #tpu.memory_space<vmem_shared>>
        %dma_wait3A_60 = arith.constant 9480 : i32
        %dma_wait3A_61 = arith.constant 0 : i32
        %dma_wait3A_62 = tpu.memref_slice %arg5[%dma_wait3A_60, %dma_wait3A_61] : memref<10000x128xf32, #tpu.memory_space<hbm>> -> memref<520x128xf32, #tpu.memory_space<hbm>>
        tpu.wait_dma2 semaphore(%run_scoped3A_50 : memref<!tpu.dma_semaphore, #tpu.memory_space<semaphore_mem>>) src(%dma_wait3A_62 : memref<520x128xf32, #tpu.memory_space<hbm>>) dst(%dma_wait3A_59 : memref<520x128xf32, #tpu.memory_space<vmem_shared>>)
        tpu.yield
      }) : () -> ()
    } else {
    }
    %barrier3A = arith.constant 0 : index
    tpu.barrier barrier_id(%barrier3A)
    %dma_start3A = arith.constant 0 : i32
    %dma_start3A_7 = arith.constant 0 : i32
    %dma_start3A_8 = tpu.memref_slice %arg7[%dma_start3A, %dma_start3A_7] : memref<79x128xi32, #tpu.memory_space<vmem>> -> memref<1x64xi32, #tpu.memory_space<vmem>>
    %dma_start3A_9 = tpu.memref_squeeze %dma_start3A_8 : memref<1x64xi32, #tpu.memory_space<vmem>> -> memref<64xi32, #tpu.memory_space<vmem>>
    %dma_start3A_10 = arith.constant 0 : i32
    %dma_start3A_11 = arith.constant 0 : i32
    %dma_start3A_12 = tpu.memref_slice %arg4[%dma_start3A_10, %dma_start3A_11] : memref<10000x128xf32, #tpu.memory_space<hbm>> -> memref<10000x128xf32, #tpu.memory_space<hbm>>
    tpu.enqueue_indirect_dma source(%dma_start3A_12 : memref<10000x128xf32, #tpu.memory_space<hbm>>) target(%arg9 : memref<64x128xf32, #tpu.memory_space<vmem>>) offsets(%dma_start3A_9 : memref<64xi32, #tpu.memory_space<vmem>>) semaphore(%arg12 : memref<!tpu.dma_semaphore, #tpu.memory_space<semaphore_mem>>)
    %scan3A = arith.constant 0 : i32
    %scan3A_13 = arith.constant 0 : i32
    %scan3A_14 = arith.constant 78 : i32
    %scan3A_15 = arith.addi %scan3A_13, %scan3A_14 : i32
    %scan3A_16 = arith.constant 1 : i32
    scf.for %scan3A_50 = %scan3A_13 to %scan3A_15 step %scan3A_16  : i32 {
      %dma_start3A_51 = arith.constant 64 : i32
      %dma_start3A_52 = tpu.memref_slice %arg7[%scan3A_50, %dma_start3A_51] : memref<79x128xi32, #tpu.memory_space<vmem>> -> memref<1x64xi32, #tpu.memory_space<vmem>>
      %dma_start3A_53 = tpu.memref_squeeze %dma_start3A_52 : memref<1x64xi32, #tpu.memory_space<vmem>> -> memref<64xi32, #tpu.memory_space<vmem>>
      %dma_start3A_54 = arith.constant 0 : i32
      %dma_start3A_55 = arith.constant 0 : i32
      %dma_start3A_56 = tpu.memref_slice %arg4[%dma_start3A_54, %dma_start3A_55] : memref<10000x128xf32, #tpu.memory_space<hbm>> -> memref<10000x128xf32, #tpu.memory_space<hbm>>
      tpu.enqueue_indirect_dma source(%dma_start3A_56 : memref<10000x128xf32, #tpu.memory_space<hbm>>) target(%arg10 : memref<64x128xf32, #tpu.memory_space<vmem>>) offsets(%dma_start3A_53 : memref<64xi32, #tpu.memory_space<vmem>>) semaphore(%arg13 : memref<!tpu.dma_semaphore, #tpu.memory_space<semaphore_mem>>)
      %dma_wait3A_57 = arith.constant 0 : i32
      %dma_wait3A_58 = tpu.memref_slice %arg7[%scan3A_50, %dma_wait3A_57] : memref<79x128xi32, #tpu.memory_space<vmem>> -> memref<1x64xi32, #tpu.memory_space<vmem>>
      %dma_wait3A_59 = tpu.memref_squeeze %dma_wait3A_58 : memref<1x64xi32, #tpu.memory_space<vmem>> -> memref<64xi32, #tpu.memory_space<vmem>>
      %dma_wait3A_60 = arith.constant 0 : i32
      %dma_wait3A_61 = arith.constant 0 : i32
      %dma_wait3A_62 = tpu.memref_slice %arg4[%dma_wait3A_60, %dma_wait3A_61] : memref<10000x128xf32, #tpu.memory_space<hbm>> -> memref<10000x128xf32, #tpu.memory_space<hbm>>
      tpu.wait_indirect_dma semaphore(%arg12 : memref<!tpu.dma_semaphore, #tpu.memory_space<semaphore_mem>>) src(%dma_wait3A_62 : memref<10000x128xf32, #tpu.memory_space<hbm>>) dst(%arg9 : memref<64x128xf32, #tpu.memory_space<vmem>>)
      "tpu.region"() ({
        %run_scoped3A_77 = tpu.sem_alloc : memref<!tpu.dma_semaphore, #tpu.memory_space<semaphore_mem>>
        %dma_start3A_78 = arith.constant 0 : i32
        %dma_start3A_79 = tpu.memref_slice %arg8[%scan3A_50, %dma_start3A_78] : memref<79x128xi32, #tpu.memory_space<vmem>> -> memref<1x64xi32, #tpu.memory_space<vmem>>
        %dma_start3A_80 = tpu.memref_squeeze %dma_start3A_79 : memref<1x64xi32, #tpu.memory_space<vmem>> -> memref<64xi32, #tpu.memory_space<vmem>>
        %dma_start3A_81 = arith.constant 0 : i32
        %dma_start3A_82 = arith.constant 0 : i32
        %dma_start3A_83 = tpu.memref_slice %arg11[%dma_start3A_81, %dma_start3A_82] : memref<10008x128xf32, #tpu.memory_space<vmem_shared>> -> memref<10008x128xf32, #tpu.memory_space<vmem_shared>>
        tpu.enqueue_indirect_dma source(%arg9 : memref<64x128xf32, #tpu.memory_space<vmem>>) target(%dma_start3A_83 : memref<10008x128xf32, #tpu.memory_space<vmem_shared>>) offsets(%dma_start3A_80 : memref<64xi32, #tpu.memory_space<vmem>>) semaphore(%run_scoped3A_77 : memref<!tpu.dma_semaphore, #tpu.memory_space<semaphore_mem>>) {add = true}
        %dma_wait3A_84 = arith.constant 0 : i32
        %dma_wait3A_85 = tpu.memref_slice %arg8[%scan3A_50, %dma_wait3A_84] : memref<79x128xi32, #tpu.memory_space<vmem>> -> memref<1x64xi32, #tpu.memory_space<vmem>>
        %dma_wait3A_86 = tpu.memref_squeeze %dma_wait3A_85 : memref<1x64xi32, #tpu.memory_space<vmem>> -> memref<64xi32, #tpu.memory_space<vmem>>
        %dma_wait3A_87 = arith.constant 0 : i32
        %dma_wait3A_88 = arith.constant 0 : i32
        %dma_wait3A_89 = tpu.memref_slice %arg11[%dma_wait3A_87, %dma_wait3A_88] : memref<10008x128xf32, #tpu.memory_space<vmem_shared>> -> memref<10008x128xf32, #tpu.memory_space<vmem_shared>>
        tpu.wait_indirect_dma semaphore(%run_scoped3A_77 : memref<!tpu.dma_semaphore, #tpu.memory_space<semaphore_mem>>) src(%arg9 : memref<64x128xf32, #tpu.memory_space<vmem>>) dst(%dma_wait3A_89 : memref<10008x128xf32, #tpu.memory_space<vmem_shared>>)
        tpu.yield
      }) : () -> ()
      %add3A_63 = arith.constant 1 : i32
      %add3A_64 = arith.addi %scan3A_50, %add3A_63 : i32
      %dma_start3A_65 = arith.constant 0 : i32
      %dma_start3A_66 = tpu.memref_slice %arg7[%add3A_64, %dma_start3A_65] : memref<79x128xi32, #tpu.memory_space<vmem>> -> memref<1x64xi32, #tpu.memory_space<vmem>>
      %dma_start3A_67 = tpu.memref_squeeze %dma_start3A_66 : memref<1x64xi32, #tpu.memory_space<vmem>> -> memref<64xi32, #tpu.memory_space<vmem>>
      %dma_start3A_68 = arith.constant 0 : i32
      %dma_start3A_69 = arith.constant 0 : i32
      %dma_start3A_70 = tpu.memref_slice %arg4[%dma_start3A_68, %dma_start3A_69] : memref<10000x128xf32, #tpu.memory_space<hbm>> -> memref<10000x128xf32, #tpu.memory_space<hbm>>
      tpu.enqueue_indirect_dma source(%dma_start3A_70 : memref<10000x128xf32, #tpu.memory_space<hbm>>) target(%arg9 : memref<64x128xf32, #tpu.memory_space<vmem>>) offsets(%dma_start3A_67 : memref<64xi32, #tpu.memory_space<vmem>>) semaphore(%arg12 : memref<!tpu.dma_semaphore, #tpu.memory_space<semaphore_mem>>)
      %dma_wait3A_71 = arith.constant 64 : i32
      %dma_wait3A_72 = tpu.memref_slice %arg7[%scan3A_50, %dma_wait3A_71] : memref<79x128xi32, #tpu.memory_space<vmem>> -> memref<1x64xi32, #tpu.memory_space<vmem>>
      %dma_wait3A_73 = tpu.memref_squeeze %dma_wait3A_72 : memref<1x64xi32, #tpu.memory_space<vmem>> -> memref<64xi32, #tpu.memory_space<vmem>>
      %dma_wait3A_74 = arith.constant 0 : i32
      %dma_wait3A_75 = arith.constant 0 : i32
      %dma_wait3A_76 = tpu.memref_slice %arg4[%dma_wait3A_74, %dma_wait3A_75] : memref<10000x128xf32, #tpu.memory_space<hbm>> -> memref<10000x128xf32, #tpu.memory_space<hbm>>
      tpu.wait_indirect_dma semaphore(%arg13 : memref<!tpu.dma_semaphore, #tpu.memory_space<semaphore_mem>>) src(%dma_wait3A_76 : memref<10000x128xf32, #tpu.memory_space<hbm>>) dst(%arg10 : memref<64x128xf32, #tpu.memory_space<vmem>>)
      "tpu.region"() ({
        %run_scoped3A_77 = tpu.sem_alloc : memref<!tpu.dma_semaphore, #tpu.memory_space<semaphore_mem>>
        %dma_start3A_78 = arith.constant 64 : i32
        %dma_start3A_79 = tpu.memref_slice %arg8[%scan3A_50, %dma_start3A_78] : memref<79x128xi32, #tpu.memory_space<vmem>> -> memref<1x64xi32, #tpu.memory_space<vmem>>
        %dma_start3A_80 = tpu.memref_squeeze %dma_start3A_79 : memref<1x64xi32, #tpu.memory_space<vmem>> -> memref<64xi32, #tpu.memory_space<vmem>>
        %dma_start3A_81 = arith.constant 0 : i32
        %dma_start3A_82 = arith.constant 0 : i32
        %dma_start3A_83 = tpu.memref_slice %arg11[%dma_start3A_81, %dma_start3A_82] : memref<10008x128xf32, #tpu.memory_space<vmem_shared>> -> memref<10008x128xf32, #tpu.memory_space<vmem_shared>>
        tpu.enqueue_indirect_dma source(%arg10 : memref<64x128xf32, #tpu.memory_space<vmem>>) target(%dma_start3A_83 : memref<10008x128xf32, #tpu.memory_space<vmem_shared>>) offsets(%dma_start3A_80 : memref<64xi32, #tpu.memory_space<vmem>>) semaphore(%run_scoped3A_77 : memref<!tpu.dma_semaphore, #tpu.memory_space<semaphore_mem>>) {add = true}
        %dma_wait3A_84 = arith.constant 64 : i32
        %dma_wait3A_85 = tpu.memref_slice %arg8[%scan3A_50, %dma_wait3A_84] : memref<79x128xi32, #tpu.memory_space<vmem>> -> memref<1x64xi32, #tpu.memory_space<vmem>>
        %dma_wait3A_86 = tpu.memref_squeeze %dma_wait3A_85 : memref<1x64xi32, #tpu.memory_space<vmem>> -> memref<64xi32, #tpu.memory_space<vmem>>
        %dma_wait3A_87 = arith.constant 0 : i32
        %dma_wait3A_88 = arith.constant 0 : i32
        %dma_wait3A_89 = tpu.memref_slice %arg11[%dma_wait3A_87, %dma_wait3A_88] : memref<10008x128xf32, #tpu.memory_space<vmem_shared>> -> memref<10008x128xf32, #tpu.memory_space<vmem_shared>>
        tpu.wait_indirect_dma semaphore(%run_scoped3A_77 : memref<!tpu.dma_semaphore, #tpu.memory_space<semaphore_mem>>) src(%arg10 : memref<64x128xf32, #tpu.memory_space<vmem>>) dst(%dma_wait3A_89 : memref<10008x128xf32, #tpu.memory_space<vmem_shared>>)
        tpu.yield
      }) : () -> ()
    }
    %scan3A_17 = arith.constant 78 : i32
    %dma_start3A_18 = arith.constant 78 : i32
    %dma_start3A_19 = arith.constant 64 : i32
    %dma_start3A_20 = tpu.memref_slice %arg7[%dma_start3A_18, %dma_start3A_19] : memref<79x128xi32, #tpu.memory_space<vmem>> -> memref<1x64xi32, #tpu.memory_space<vmem>>
    %dma_start3A_21 = tpu.memref_squeeze %dma_start3A_20 : memref<1x64xi32, #tpu.memory_space<vmem>> -> memref<64xi32, #tpu.memory_space<vmem>>
    %dma_start3A_22 = arith.constant 0 : i32
    %dma_start3A_23 = arith.constant 0 : i32
    %dma_start3A_24 = tpu.memref_slice %arg4[%dma_start3A_22, %dma_start3A_23] : memref<10000x128xf32, #tpu.memory_space<hbm>> -> memref<10000x128xf32, #tpu.memory_space<hbm>>
    tpu.enqueue_indirect_dma source(%dma_start3A_24 : memref<10000x128xf32, #tpu.memory_space<hbm>>) target(%arg10 : memref<64x128xf32, #tpu.memory_space<vmem>>) offsets(%dma_start3A_21 : memref<64xi32, #tpu.memory_space<vmem>>) semaphore(%arg13 : memref<!tpu.dma_semaphore, #tpu.memory_space<semaphore_mem>>)
    %dma_wait3A = arith.constant 78 : i32
    %dma_wait3A_25 = arith.constant 0 : i32
    %dma_wait3A_26 = tpu.memref_slice %arg7[%dma_wait3A, %dma_wait3A_25] : memref<79x128xi32, #tpu.memory_space<vmem>> -> memref<1x64xi32, #tpu.memory_space<vmem>>
    %dma_wait3A_27 = tpu.memref_squeeze %dma_wait3A_26 : memref<1x64xi32, #tpu.memory_space<vmem>> -> memref<64xi32, #tpu.memory_space<vmem>>
    %dma_wait3A_28 = arith.constant 0 : i32
    %dma_wait3A_29 = arith.constant 0 : i32
    %dma_wait3A_30 = tpu.memref_slice %arg4[%dma_wait3A_28, %dma_wait3A_29] : memref<10000x128xf32, #tpu.memory_space<hbm>> -> memref<10000x128xf32, #tpu.memory_space<hbm>>
    tpu.wait_indirect_dma semaphore(%arg12 : memref<!tpu.dma_semaphore, #tpu.memory_space<semaphore_mem>>) src(%dma_wait3A_30 : memref<10000x128xf32, #tpu.memory_space<hbm>>) dst(%arg9 : memref<64x128xf32, #tpu.memory_space<vmem>>)
    %run_scoped3A = arith.constant 78 : i32
    "tpu.region"() ({
      %run_scoped3A_50 = tpu.sem_alloc : memref<!tpu.dma_semaphore, #tpu.memory_space<semaphore_mem>>
      %dma_start3A_51 = arith.constant 0 : i32
      %dma_start3A_52 = tpu.memref_slice %arg8[%run_scoped3A, %dma_start3A_51] : memref<79x128xi32, #tpu.memory_space<vmem>> -> memref<1x64xi32, #tpu.memory_space<vmem>>
      %dma_start3A_53 = tpu.memref_squeeze %dma_start3A_52 : memref<1x64xi32, #tpu.memory_space<vmem>> -> memref<64xi32, #tpu.memory_space<vmem>>
      %dma_start3A_54 = arith.constant 0 : i32
      %dma_start3A_55 = arith.constant 0 : i32
      %dma_start3A_56 = tpu.memref_slice %arg11[%dma_start3A_54, %dma_start3A_55] : memref<10008x128xf32, #tpu.memory_space<vmem_shared>> -> memref<10008x128xf32, #tpu.memory_space<vmem_shared>>
      tpu.enqueue_indirect_dma source(%arg9 : memref<64x128xf32, #tpu.memory_space<vmem>>) target(%dma_start3A_56 : memref<10008x128xf32, #tpu.memory_space<vmem_shared>>) offsets(%dma_start3A_53 : memref<64xi32, #tpu.memory_space<vmem>>) semaphore(%run_scoped3A_50 : memref<!tpu.dma_semaphore, #tpu.memory_space<semaphore_mem>>) {add = true}
      %dma_wait3A_57 = arith.constant 0 : i32
      %dma_wait3A_58 = tpu.memref_slice %arg8[%run_scoped3A, %dma_wait3A_57] : memref<79x128xi32, #tpu.memory_space<vmem>> -> memref<1x64xi32, #tpu.memory_space<vmem>>
      %dma_wait3A_59 = tpu.memref_squeeze %dma_wait3A_58 : memref<1x64xi32, #tpu.memory_space<vmem>> -> memref<64xi32, #tpu.memory_space<vmem>>
      %dma_wait3A_60 = arith.constant 0 : i32
      %dma_wait3A_61 = arith.constant 0 : i32
      %dma_wait3A_62 = tpu.memref_slice %arg11[%dma_wait3A_60, %dma_wait3A_61] : memref<10008x128xf32, #tpu.memory_space<vmem_shared>> -> memref<10008x128xf32, #tpu.memory_space<vmem_shared>>
      tpu.wait_indirect_dma semaphore(%run_scoped3A_50 : memref<!tpu.dma_semaphore, #tpu.memory_space<semaphore_mem>>) src(%arg9 : memref<64x128xf32, #tpu.memory_space<vmem>>) dst(%dma_wait3A_62 : memref<10008x128xf32, #tpu.memory_space<vmem_shared>>)
      tpu.yield
    }) : () -> ()
    %dma_wait3A_31 = arith.constant 78 : i32
    %dma_wait3A_32 = arith.constant 64 : i32
    %dma_wait3A_33 = tpu.memref_slice %arg7[%dma_wait3A_31, %dma_wait3A_32] : memref<79x128xi32, #tpu.memory_space<vmem>> -> memref<1x64xi32, #tpu.memory_space<vmem>>
    %dma_wait3A_34 = tpu.memref_squeeze %dma_wait3A_33 : memref<1x64xi32, #tpu.memory_space<vmem>> -> memref<64xi32, #tpu.memory_space<vmem>>
    %dma_wait3A_35 = arith.constant 0 : i32
    %dma_wait3A_36 = arith.constant 0 : i32
    %dma_wait3A_37 = tpu.memref_slice %arg4[%dma_wait3A_35, %dma_wait3A_36] : memref<10000x128xf32, #tpu.memory_space<hbm>> -> memref<10000x128xf32, #tpu.memory_space<hbm>>
    tpu.wait_indirect_dma semaphore(%arg13 : memref<!tpu.dma_semaphore, #tpu.memory_space<semaphore_mem>>) src(%dma_wait3A_37 : memref<10000x128xf32, #tpu.memory_space<hbm>>) dst(%arg10 : memref<64x128xf32, #tpu.memory_space<vmem>>)
    %run_scoped3A_38 = arith.constant 78 : i32
    "tpu.region"() ({
      %run_scoped3A_50 = tpu.sem_alloc : memref<!tpu.dma_semaphore, #tpu.memory_space<semaphore_mem>>
      %dma_start3A_51 = arith.constant 64 : i32
      %dma_start3A_52 = tpu.memref_slice %arg8[%run_scoped3A_38, %dma_start3A_51] : memref<79x128xi32, #tpu.memory_space<vmem>> -> memref<1x64xi32, #tpu.memory_space<vmem>>
      %dma_start3A_53 = tpu.memref_squeeze %dma_start3A_52 : memref<1x64xi32, #tpu.memory_space<vmem>> -> memref<64xi32, #tpu.memory_space<vmem>>
      %dma_start3A_54 = arith.constant 0 : i32
      %dma_start3A_55 = arith.constant 0 : i32
      %dma_start3A_56 = tpu.memref_slice %arg11[%dma_start3A_54, %dma_start3A_55] : memref<10008x128xf32, #tpu.memory_space<vmem_shared>> -> memref<10008x128xf32, #tpu.memory_space<vmem_shared>>
      tpu.enqueue_indirect_dma source(%arg10 : memref<64x128xf32, #tpu.memory_space<vmem>>) target(%dma_start3A_56 : memref<10008x128xf32, #tpu.memory_space<vmem_shared>>) offsets(%dma_start3A_53 : memref<64xi32, #tpu.memory_space<vmem>>) semaphore(%run_scoped3A_50 : memref<!tpu.dma_semaphore, #tpu.memory_space<semaphore_mem>>) {add = true}
      %dma_wait3A_57 = arith.constant 64 : i32
      %dma_wait3A_58 = tpu.memref_slice %arg8[%run_scoped3A_38, %dma_wait3A_57] : memref<79x128xi32, #tpu.memory_space<vmem>> -> memref<1x64xi32, #tpu.memory_space<vmem>>
      %dma_wait3A_59 = tpu.memref_squeeze %dma_wait3A_58 : memref<1x64xi32, #tpu.memory_space<vmem>> -> memref<64xi32, #tpu.memory_space<vmem>>
      %dma_wait3A_60 = arith.constant 0 : i32
      %dma_wait3A_61 = arith.constant 0 : i32
      %dma_wait3A_62 = tpu.memref_slice %arg11[%dma_wait3A_60, %dma_wait3A_61] : memref<10008x128xf32, #tpu.memory_space<vmem_shared>> -> memref<10008x128xf32, #tpu.memory_space<vmem_shared>>
      tpu.wait_indirect_dma semaphore(%run_scoped3A_50 : memref<!tpu.dma_semaphore, #tpu.memory_space<semaphore_mem>>) src(%arg10 : memref<64x128xf32, #tpu.memory_space<vmem>>) dst(%dma_wait3A_62 : memref<10008x128xf32, #tpu.memory_space<vmem_shared>>)
      tpu.yield
    }) : () -> ()
    %barrier3A_39 = arith.constant 0 : index
    tpu.barrier barrier_id(%barrier3A_39)
    %lt3A_40 = arith.constant 15 : i32
    %lt3A_41 = arith.cmpi slt, %arg1, %lt3A_40 : i32
    %convert_element_type3A_42 = arith.extui %lt3A_41 : i1 to i32
    %cond3A_43 = arith.constant 0 : i32
    %cond3A_44 = arith.cmpi ne, %convert_element_type3A_42, %cond3A_43 : i32
    scf.if %cond3A_44 {
      %mul3A_50 = arith.constant 632 : i32
      %mul3A_51 = arith.muli %arg1, %mul3A_50 : i32
      %mul3A_52 = arith.constant 632 : i32
      %mul3A_53 = arith.muli %arg1, %mul3A_52 : i32
      "tpu.region"() ({
        %run_scoped3A_54 = tpu.sem_alloc : memref<!tpu.dma_semaphore, #tpu.memory_space<semaphore_mem>>
        %dma_start3A_55 = arith.constant 0 : i32
        %dma_start3A_56 = tpu.memref_slice %arg6[%arg0, %mul3A_53, %dma_start3A_55] : memref<2x10000x128xf32, #tpu.memory_space<hbm>> -> memref<1x632x128xf32, #tpu.memory_space<hbm>>
        %dma_start3A_57 = tpu.memref_squeeze %dma_start3A_56 : memref<1x632x128xf32, #tpu.memory_space<hbm>> -> memref<632x128xf32, #tpu.memory_space<hbm>>
        %dma_start3A_58 = arith.constant 0 : i32
        %dma_start3A_59 = tpu.memref_slice %arg11[%mul3A_51, %dma_start3A_58] : memref<10008x128xf32, #tpu.memory_space<vmem_shared>> -> memref<632x128xf32, #tpu.memory_space<vmem_shared>>
        tpu.enqueue_dma source(%dma_start3A_59 : memref<632x128xf32, #tpu.memory_space<vmem_shared>>) target(%dma_start3A_57 : memref<632x128xf32, #tpu.memory_space<hbm>>) target_semaphore(%run_scoped3A_54 : memref<!tpu.dma_semaphore, #tpu.memory_space<semaphore_mem>>)
        %dma_wait3A_60 = arith.constant 0 : i32
        %dma_wait3A_61 = tpu.memref_slice %arg6[%arg0, %mul3A_53, %dma_wait3A_60] : memref<2x10000x128xf32, #tpu.memory_space<hbm>> -> memref<1x632x128xf32, #tpu.memory_space<hbm>>
        %dma_wait3A_62 = tpu.memref_squeeze %dma_wait3A_61 : memref<1x632x128xf32, #tpu.memory_space<hbm>> -> memref<632x128xf32, #tpu.memory_space<hbm>>
        %dma_wait3A_63 = arith.constant 0 : i32
        %dma_wait3A_64 = tpu.memref_slice %arg11[%mul3A_51, %dma_wait3A_63] : memref<10008x128xf32, #tpu.memory_space<vmem_shared>> -> memref<632x128xf32, #tpu.memory_space<vmem_shared>>
        tpu.wait_dma2 semaphore(%run_scoped3A_54 : memref<!tpu.dma_semaphore, #tpu.memory_space<semaphore_mem>>) src(%dma_wait3A_64 : memref<632x128xf32, #tpu.memory_space<vmem_shared>>) dst(%dma_wait3A_62 : memref<632x128xf32, #tpu.memory_space<hbm>>)
        tpu.yield
      }) : () -> ()
    } else {
    }
    %eq3A_45 = arith.constant 15 : i32
    %eq3A_46 = arith.cmpi eq, %arg1, %eq3A_45 : i32
    %convert_element_type3A_47 = arith.extui %eq3A_46 : i1 to i32
    %cond3A_48 = arith.constant 0 : i32
    %cond3A_49 = arith.cmpi ne, %convert_element_type3A_47, %cond3A_48 : i32
    scf.if %cond3A_49 {
      "tpu.region"() ({
        %run_scoped3A_50 = tpu.sem_alloc : memref<!tpu.dma_semaphore, #tpu.memory_space<semaphore_mem>>
        %dma_start3A_51 = arith.constant 9480 : i32
        %dma_start3A_52 = arith.constant 0 : i32
        %dma_start3A_53 = tpu.memref_slice %arg6[%arg0, %dma_start3A_51, %dma_start3A_52] : memref<2x10000x128xf32, #tpu.memory_space<hbm>> -> memref<1x520x128xf32, #tpu.memory_space<hbm>>
        %dma_start3A_54 = tpu.memref_squeeze %dma_start3A_53 : memref<1x520x128xf32, #tpu.memory_space<hbm>> -> memref<520x128xf32, #tpu.memory_space<hbm>>
        %dma_start3A_55 = arith.constant 9480 : i32
        %dma_start3A_56 = arith.constant 0 : i32
        %dma_start3A_57 = tpu.memref_slice %arg11[%dma_start3A_55, %dma_start3A_56] : memref<10008x128xf32, #tpu.memory_space<vmem_shared>> -> memref<520x128xf32, #tpu.memory_space<vmem_shared>>
        tpu.enqueue_dma source(%dma_start3A_57 : memref<520x128xf32, #tpu.memory_space<vmem_shared>>) target(%dma_start3A_54 : memref<520x128xf32, #tpu.memory_space<hbm>>) target_semaphore(%run_scoped3A_50 : memref<!tpu.dma_semaphore, #tpu.memory_space<semaphore_mem>>)
        %dma_wait3A_58 = arith.constant 9480 : i32
        %dma_wait3A_59 = arith.constant 0 : i32
        %dma_wait3A_60 = tpu.memref_slice %arg6[%arg0, %dma_wait3A_58, %dma_wait3A_59] : memref<2x10000x128xf32, #tpu.memory_space<hbm>> -> memref<1x520x128xf32, #tpu.memory_space<hbm>>
        %dma_wait3A_61 = tpu.memref_squeeze %dma_wait3A_60 : memref<1x520x128xf32, #tpu.memory_space<hbm>> -> memref<520x128xf32, #tpu.memory_space<hbm>>
        %dma_wait3A_62 = arith.constant 9480 : i32
        %dma_wait3A_63 = arith.constant 0 : i32
        %dma_wait3A_64 = tpu.memref_slice %arg11[%dma_wait3A_62, %dma_wait3A_63] : memref<10008x128xf32, #tpu.memory_space<vmem_shared>> -> memref<520x128xf32, #tpu.memory_space<vmem_shared>>
        tpu.wait_dma2 semaphore(%run_scoped3A_50 : memref<!tpu.dma_semaphore, #tpu.memory_space<semaphore_mem>>) src(%dma_wait3A_64 : memref<520x128xf32, #tpu.memory_space<vmem_shared>>) dst(%dma_wait3A_61 : memref<520x128xf32, #tpu.memory_space<hbm>>)
        tpu.yield
      }) : () -> ()
    } else {
    }
    return
  }
}

module attributes {stable_mosaic.version = 14 : i64} {
  func.func @_tc1_body(%arg0: i32, %arg1: memref<1000x128xf32, #tpu.memory_space<vmem>>, %arg2: memref<512x128xf32, #tpu.memory_space<vmem>>, %arg3: memref<1x512xf32, #tpu.memory_space<vmem>>, %arg4: memref<128x128xf32, #tpu.memory_space<vmem>>, %arg5: memref<2x1000x128xf32, #tpu.memory_space<vmem>>, %arg6: memref<1000x128xf32, #tpu.memory_space<vmem>>) attributes {dimension_semantics = [#tpu.dimension_semantics<arbitrary>], iteration_bounds = array<i64: 10>, scalar_prefetch = 0 : i64, scratch_operands = 0 : i64, tpu.core_type = #tpu.core_type<tc>, window_params = [{transform_indices = @transform_0, window_bounds = array<i64: 1000, 128>}, {pipeline_mode = #tpu.pipeline_mode<synchronous>, transform_indices = @transform_1, window_bounds = array<i64: 512, 128>}, {pipeline_mode = #tpu.pipeline_mode<synchronous>, transform_indices = @transform_2, window_bounds = array<i64: 1, 512>}, {pipeline_mode = #tpu.pipeline_mode<synchronous>, transform_indices = @transform_3, window_bounds = array<i64: 128, 128>}, {transform_indices = @transform_4, window_bounds = array<i64: 2, 1000, 128>}, {transform_indices = @transform_5, window_bounds = array<i64: 1000, 128>}]} {
    %get3A = arith.constant 0 : index
    %get3A_0 = arith.constant 0 : index
    %get3A_1 = vector.load %arg1[%get3A, %get3A_0] : memref<1000x128xf32, #tpu.memory_space<vmem>>, vector<1000x128xf32>
    %get3A_2 = arith.constant 0 : index
    %get3A_3 = arith.constant 0 : index
    %get3A_4 = vector.load %arg2[%get3A_2, %get3A_3] : memref<512x128xf32, #tpu.memory_space<vmem>>, vector<512x128xf32>
    %dot_general3A = arith.constant dense<0.000000e+00> : vector<1000x512xf32>
    %dot_general3A_5 = tpu.matmul %get3A_1, %get3A_4, %dot_general3A {dimension_numbers = #tpu.dot_dimension_numbers<[1], [1], [0], [0], [0, 0, 1, 0], [], []>, transpose_lhs_hint = false} : vector<1000x128xf32>, vector<512x128xf32>, vector<1000x512xf32> -> vector<1000x512xf32>
    %get3A_6 = arith.constant 0 : index
    %get3A_7 = arith.constant 0 : index
    %get3A_8 = vector.load %arg3[%get3A_6, %get3A_7] : memref<1x512xf32, #tpu.memory_space<vmem>>, vector<1x512xf32>
    %add3A = vector.broadcast %get3A_8 : vector<1x512xf32> to vector<1000x512xf32>
    %add3A_9 = arith.addf %dot_general3A_5, %add3A : vector<1000x512xf32>
    %slice3A = vector.extract_strided_slice %add3A_9 {offsets = [0, 0], sizes = [1000, 128], strides = [1, 1]} : vector<1000x512xf32> to vector<1000x128xf32>
    %slice3A_10 = vector.extract_strided_slice %add3A_9 {offsets = [0, 256], sizes = [1000, 128], strides = [1, 1]} : vector<1000x512xf32> to vector<1000x128xf32>
    %slice3A_11 = vector.extract_strided_slice %add3A_9 {offsets = [0, 384], sizes = [1000, 128], strides = [1, 1]} : vector<1000x512xf32> to vector<1000x128xf32>
    %logistic3A = arith.negf %slice3A : vector<1000x128xf32>
    %logistic3A_12 = math.exp %logistic3A : vector<1000x128xf32>
    %logistic3A_13 = arith.constant 1.000000e+00 : f32
    %logistic3A_14 = vector.broadcast %logistic3A_13 : f32 to vector<1000x128xf32>
    %logistic3A_15 = arith.addf %logistic3A_14, %logistic3A_12 : vector<1000x128xf32>
    %logistic3A_16 = arith.divf %logistic3A_14, %logistic3A_15 : vector<1000x128xf32>
    %tanh3A = math.tanh %slice3A_10 : vector<1000x128xf32>
    %mul3A = arith.mulf %logistic3A_16, %tanh3A : vector<1000x128xf32>
    %logistic3A_17 = arith.negf %slice3A_11 : vector<1000x128xf32>
    %logistic3A_18 = math.exp %logistic3A_17 : vector<1000x128xf32>
    %logistic3A_19 = arith.constant 1.000000e+00 : f32
    %logistic3A_20 = vector.broadcast %logistic3A_19 : f32 to vector<1000x128xf32>
    %logistic3A_21 = arith.addf %logistic3A_20, %logistic3A_18 : vector<1000x128xf32>
    %logistic3A_22 = arith.divf %logistic3A_20, %logistic3A_21 : vector<1000x128xf32>
    %tanh3A_23 = math.tanh %mul3A : vector<1000x128xf32>
    %mul3A_24 = arith.mulf %logistic3A_22, %tanh3A_23 : vector<1000x128xf32>
    %get3A_25 = arith.constant 0 : index
    %get3A_26 = arith.constant 0 : index
    %get3A_27 = arith.constant 0 : index
    %get3A_28 = vector.load %arg5[%get3A_25, %get3A_26, %get3A_27] : memref<2x1000x128xf32, #tpu.memory_space<vmem>>, vector<2x1000x128xf32>
    %slice3A_29 = vector.extract_strided_slice %get3A_28 {offsets = [0, 0, 0], sizes = [1, 1000, 1], strides = [1, 1, 1]} : vector<2x1000x128xf32> to vector<1x1000x1xf32>
    %squeeze3A = vector.shape_cast %slice3A_29 : vector<1x1000x1xf32> to vector<1000x1xf32>
    %slice3A_30 = vector.extract_strided_slice %get3A_28 {offsets = [1, 0, 0], sizes = [1, 1000, 1], strides = [1, 1, 1]} : vector<2x1000x128xf32> to vector<1x1000x1xf32>
    %squeeze3A_31 = vector.shape_cast %slice3A_30 : vector<1x1000x1xf32> to vector<1000x1xf32>
    %add3A_32 = arith.addf %squeeze3A, %squeeze3A_31 : vector<1000x1xf32>
    %add3A_33 = arith.constant 1.000000e+00 : f32
    %add3A_34 = vector.broadcast %add3A_33 : f32 to vector<1000x1xf32>
    %add3A_35 = arith.addf %add3A_32, %add3A_34 : vector<1000x1xf32>
    %rsqrt3A = math.rsqrt %add3A_35 : vector<1000x1xf32>
    %get3A_36 = arith.constant 0 : index
    %get3A_37 = arith.constant 0 : index
    %get3A_38 = vector.load %arg4[%get3A_36, %get3A_37] : memref<128x128xf32, #tpu.memory_space<vmem>>, vector<128x128xf32>
    %dot_general3A_39 = arith.constant dense<0.000000e+00> : vector<1000x128xf32>
    %dot_general3A_40 = tpu.matmul %mul3A_24, %get3A_38, %dot_general3A_39 {dimension_numbers = #tpu.dot_dimension_numbers<[1], [0], [0], [1], [0, 0, 1, 1], [], []>, transpose_lhs_hint = false} : vector<1000x128xf32>, vector<128x128xf32>, vector<1000x128xf32> -> vector<1000x128xf32>
    %mul3A_41 = vector.broadcast %rsqrt3A : vector<1000x1xf32> to vector<1000x128xf32>
    %mul3A_42 = arith.mulf %dot_general3A_40, %mul3A_41 : vector<1000x128xf32>
    %swap3A = arith.constant 0 : index
    %swap3A_43 = arith.constant 0 : index
    %swap3A_44 = vector.load %arg6[%swap3A, %swap3A_43] : memref<1000x128xf32, #tpu.memory_space<vmem>>, vector<1000x128xf32>
    tpu.vector_store %arg6[%swap3A, %swap3A_43], %mul3A_42 {strides = array<i32>} : memref<1000x128xf32, #tpu.memory_space<vmem>>, vector<1000x128xf32>,
    return
  }
  func.func @transform_0(%arg0: i32) -> (i32, i32) {
    %c0_i32 = arith.constant 0 : i32
    %c0_i32_0 = arith.constant 0 : i32
    return %arg0, %c0_i32 : i32, i32
  }
  func.func @transform_1(%arg0: i32) -> (i32, i32) {
    %c0_i32 = arith.constant 0 : i32
    %c0_i32_0 = arith.constant 0 : i32
    %c0_i32_1 = arith.constant 0 : i32
    return %c0_i32, %c0_i32_0 : i32, i32
  }
  func.func @transform_2(%arg0: i32) -> (i32, i32) {
    %c0_i32 = arith.constant 0 : i32
    %c0_i32_0 = arith.constant 0 : i32
    %c0_i32_1 = arith.constant 0 : i32
    return %c0_i32, %c0_i32_0 : i32, i32
  }
  func.func @transform_3(%arg0: i32) -> (i32, i32) {
    %c0_i32 = arith.constant 0 : i32
    %c0_i32_0 = arith.constant 0 : i32
    %c0_i32_1 = arith.constant 0 : i32
    return %c0_i32, %c0_i32_0 : i32, i32
  }
  func.func @transform_4(%arg0: i32) -> (i32, i32, i32) {
    %c0_i32 = arith.constant 0 : i32
    %c0_i32_0 = arith.constant 0 : i32
    %c0_i32_1 = arith.constant 0 : i32
    return %c0_i32, %arg0, %c0_i32_0 : i32, i32, i32
  }
  func.func @transform_5(%arg0: i32) -> (i32, i32) {
    %c0_i32 = arith.constant 0 : i32
    %c0_i32_0 = arith.constant 0 : i32
    return %arg0, %c0_i32 : i32, i32
  }
}

module attributes {stable_mosaic.version = 14 : i64} {
  func.func @_tc2_body(%arg0: i32, %arg1: memref<2x1000x128xf32, #tpu.memory_space<vmem>>, %arg2: memref<1000x128xf32, #tpu.memory_space<vmem>>, %arg3: memref<2x1000x128xf32, #tpu.memory_space<vmem>>, %arg4: memref<1x128xf32, #tpu.memory_space<vmem>>, %arg5: memref<128x128xf32, #tpu.memory_space<vmem>>, %arg6: memref<1000x128xf32, #tpu.memory_space<vmem>>) attributes {dimension_semantics = [#tpu.dimension_semantics<arbitrary>], iteration_bounds = array<i64: 10>, scalar_prefetch = 0 : i64, scratch_operands = 0 : i64, tpu.core_type = #tpu.core_type<tc>, window_params = [{transform_indices = @transform_0, window_bounds = array<i64: 2, 1000, 128>}, {transform_indices = @transform_1, window_bounds = array<i64: 1000, 128>}, {transform_indices = @transform_2, window_bounds = array<i64: 2, 1000, 128>}, {pipeline_mode = #tpu.pipeline_mode<synchronous>, transform_indices = @transform_3, window_bounds = array<i64: 1, 128>}, {pipeline_mode = #tpu.pipeline_mode<synchronous>, transform_indices = @transform_4, window_bounds = array<i64: 128, 128>}, {transform_indices = @transform_5, window_bounds = array<i64: 1000, 128>}]} {
    %get3A = arith.constant 0 : index
    %get3A_0 = arith.constant 0 : index
    %get3A_1 = arith.constant 0 : index
    %get3A_2 = vector.load %arg3[%get3A, %get3A_0, %get3A_1] : memref<2x1000x128xf32, #tpu.memory_space<vmem>>, vector<2x1000x128xf32>
    %slice3A = vector.extract_strided_slice %get3A_2 {offsets = [0, 0, 0], sizes = [1, 1000, 1], strides = [1, 1, 1]} : vector<2x1000x128xf32> to vector<1x1000x1xf32>
    %squeeze3A = vector.shape_cast %slice3A : vector<1x1000x1xf32> to vector<1000x1xf32>
    %slice3A_3 = vector.extract_strided_slice %get3A_2 {offsets = [1, 0, 0], sizes = [1, 1000, 1], strides = [1, 1, 1]} : vector<2x1000x128xf32> to vector<1x1000x1xf32>
    %squeeze3A_4 = vector.shape_cast %slice3A_3 : vector<1x1000x1xf32> to vector<1000x1xf32>
    %add3A = arith.addf %squeeze3A, %squeeze3A_4 : vector<1000x1xf32>
    %add3A_5 = arith.constant 1.000000e+00 : f32
    %add3A_6 = vector.broadcast %add3A_5 : f32 to vector<1000x1xf32>
    %add3A_7 = arith.addf %add3A, %add3A_6 : vector<1000x1xf32>
    %rsqrt3A = math.rsqrt %add3A_7 : vector<1000x1xf32>
    %get3A_8 = arith.constant 0 : index
    %get3A_9 = arith.constant 0 : index
    %get3A_10 = arith.constant 0 : index
    %get3A_11 = vector.load %arg1[%get3A_8, %get3A_9, %get3A_10] : memref<2x1000x128xf32, #tpu.memory_space<vmem>>, vector<1x1000x128xf32>
    %get3A_12 = vector.shape_cast %get3A_11 : vector<1x1000x128xf32> to vector<1000x128xf32>
    %get3A_13 = arith.constant 1 : index
    %get3A_14 = arith.constant 0 : index
    %get3A_15 = arith.constant 0 : index
    %get3A_16 = vector.load %arg1[%get3A_13, %get3A_14, %get3A_15] : memref<2x1000x128xf32, #tpu.memory_space<vmem>>, vector<1x1000x128xf32>
    %get3A_17 = vector.shape_cast %get3A_16 : vector<1x1000x128xf32> to vector<1000x128xf32>
    %add3A_18 = arith.addf %get3A_12, %get3A_17 : vector<1000x128xf32>
    %get3A_19 = arith.constant 0 : index
    %get3A_20 = arith.constant 0 : index
    %get3A_21 = vector.load %arg2[%get3A_19, %get3A_20] : memref<1000x128xf32, #tpu.memory_space<vmem>>, vector<1000x128xf32>
    %add3A_22 = arith.addf %add3A_18, %get3A_21 : vector<1000x128xf32>
    %mul3A = vector.broadcast %rsqrt3A : vector<1000x1xf32> to vector<1000x128xf32>
    %mul3A_23 = arith.mulf %mul3A, %add3A_22 : vector<1000x128xf32>
    %get3A_24 = arith.constant 0 : index
    %get3A_25 = arith.constant 0 : index
    %get3A_26 = vector.load %arg4[%get3A_24, %get3A_25] : memref<1x128xf32, #tpu.memory_space<vmem>>, vector<1x128xf32>
    %add3A_27 = vector.broadcast %get3A_26 : vector<1x128xf32> to vector<1000x128xf32>
    %add3A_28 = arith.addf %mul3A_23, %add3A_27 : vector<1000x128xf32>
    %max3A = arith.constant 0.000000e+00 : f32
    %max3A_29 = vector.broadcast %max3A : f32 to vector<1000x128xf32>
    %max3A_30 = arith.maximumf %add3A_28, %max3A_29 : vector<1000x128xf32>
    %get3A_31 = arith.constant 0 : index
    %get3A_32 = arith.constant 0 : index
    %get3A_33 = vector.load %arg5[%get3A_31, %get3A_32] : memref<128x128xf32, #tpu.memory_space<vmem>>, vector<128x128xf32>
    %dot_general3A = arith.constant dense<0.000000e+00> : vector<1000x128xf32>
    %dot_general3A_34 = tpu.matmul %max3A_30, %get3A_33, %dot_general3A {dimension_numbers = #tpu.dot_dimension_numbers<[1], [0], [0], [1], [0, 0, 1, 1], [], []>, transpose_lhs_hint = false} : vector<1000x128xf32>, vector<128x128xf32>, vector<1000x128xf32> -> vector<1000x128xf32>
    %mul3A_35 = vector.broadcast %rsqrt3A : vector<1000x1xf32> to vector<1000x128xf32>
    %mul3A_36 = arith.mulf %dot_general3A_34, %mul3A_35 : vector<1000x128xf32>
    %swap3A = arith.constant 0 : index
    %swap3A_37 = arith.constant 0 : index
    %swap3A_38 = vector.load %arg6[%swap3A, %swap3A_37] : memref<1000x128xf32, #tpu.memory_space<vmem>>, vector<1000x128xf32>
    tpu.vector_store %arg6[%swap3A, %swap3A_37], %mul3A_36 {strides = array<i32>} : memref<1000x128xf32, #tpu.memory_space<vmem>>, vector<1000x128xf32>,
    return
  }
  func.func @transform_0(%arg0: i32) -> (i32, i32, i32) {
    %c0_i32 = arith.constant 0 : i32
    %c0_i32_0 = arith.constant 0 : i32
    %c0_i32_1 = arith.constant 0 : i32
    return %c0_i32, %arg0, %c0_i32_0 : i32, i32, i32
  }
  func.func @transform_1(%arg0: i32) -> (i32, i32) {
    %c0_i32 = arith.constant 0 : i32
    %c0_i32_0 = arith.constant 0 : i32
    return %arg0, %c0_i32 : i32, i32
  }
  func.func @transform_2(%arg0: i32) -> (i32, i32, i32) {
    %c0_i32 = arith.constant 0 : i32
    %c0_i32_0 = arith.constant 0 : i32
    %c0_i32_1 = arith.constant 0 : i32
    return %c0_i32, %arg0, %c0_i32_0 : i32, i32, i32
  }
  func.func @transform_3(%arg0: i32) -> (i32, i32) {
    %c0_i32 = arith.constant 0 : i32
    %c0_i32_0 = arith.constant 0 : i32
    %c0_i32_1 = arith.constant 0 : i32
    return %c0_i32, %c0_i32_0 : i32, i32
  }
  func.func @transform_4(%arg0: i32) -> (i32, i32) {
    %c0_i32 = arith.constant 0 : i32
    %c0_i32_0 = arith.constant 0 : i32
    %c0_i32_1 = arith.constant 0 : i32
    return %c0_i32, %c0_i32_0 : i32, i32
  }
  func.func @transform_5(%arg0: i32) -> (i32, i32) {
    %c0_i32 = arith.constant 0 : i32
    %c0_i32_0 = arith.constant 0 : i32
    return %arg0, %c0_i32 : i32, i32
  }
}

module attributes {stable_mosaic.version = 14 : i64} {
  func.func @_tc3_body(%arg0: i32, %arg1: memref<2x1000x128xf32, #tpu.memory_space<vmem>>, %arg2: memref<1000x128xf32, #tpu.memory_space<vmem>>, %arg3: memref<2x1000x128xf32, #tpu.memory_space<vmem>>, %arg4: memref<1x128xf32, #tpu.memory_space<vmem>>, %arg5: memref<1000x128xf32, #tpu.memory_space<vmem>>) attributes {dimension_semantics = [#tpu.dimension_semantics<arbitrary>], iteration_bounds = array<i64: 10>, scalar_prefetch = 0 : i64, scratch_operands = 0 : i64, tpu.core_type = #tpu.core_type<tc>, window_params = [{transform_indices = @transform_0, window_bounds = array<i64: 2, 1000, 128>}, {transform_indices = @transform_1, window_bounds = array<i64: 1000, 128>}, {transform_indices = @transform_2, window_bounds = array<i64: 2, 1000, 128>}, {pipeline_mode = #tpu.pipeline_mode<synchronous>, transform_indices = @transform_3, window_bounds = array<i64: 1, 128>}, {transform_indices = @transform_4, window_bounds = array<i64: 1000, 128>}]} {
    %get3A = arith.constant 0 : index
    %get3A_0 = arith.constant 0 : index
    %get3A_1 = arith.constant 0 : index
    %get3A_2 = vector.load %arg3[%get3A, %get3A_0, %get3A_1] : memref<2x1000x128xf32, #tpu.memory_space<vmem>>, vector<2x1000x128xf32>
    %slice3A = vector.extract_strided_slice %get3A_2 {offsets = [0, 0, 0], sizes = [1, 1000, 1], strides = [1, 1, 1]} : vector<2x1000x128xf32> to vector<1x1000x1xf32>
    %squeeze3A = vector.shape_cast %slice3A : vector<1x1000x1xf32> to vector<1000x1xf32>
    %slice3A_3 = vector.extract_strided_slice %get3A_2 {offsets = [1, 0, 0], sizes = [1, 1000, 1], strides = [1, 1, 1]} : vector<2x1000x128xf32> to vector<1x1000x1xf32>
    %squeeze3A_4 = vector.shape_cast %slice3A_3 : vector<1x1000x1xf32> to vector<1000x1xf32>
    %add3A = arith.addf %squeeze3A, %squeeze3A_4 : vector<1000x1xf32>
    %add3A_5 = arith.constant 1.000000e+00 : f32
    %add3A_6 = vector.broadcast %add3A_5 : f32 to vector<1000x1xf32>
    %add3A_7 = arith.addf %add3A, %add3A_6 : vector<1000x1xf32>
    %rsqrt3A = math.rsqrt %add3A_7 : vector<1000x1xf32>
    %get3A_8 = arith.constant 0 : index
    %get3A_9 = arith.constant 0 : index
    %get3A_10 = arith.constant 0 : index
    %get3A_11 = vector.load %arg1[%get3A_8, %get3A_9, %get3A_10] : memref<2x1000x128xf32, #tpu.memory_space<vmem>>, vector<1x1000x128xf32>
    %get3A_12 = vector.shape_cast %get3A_11 : vector<1x1000x128xf32> to vector<1000x128xf32>
    %get3A_13 = arith.constant 1 : index
    %get3A_14 = arith.constant 0 : index
    %get3A_15 = arith.constant 0 : index
    %get3A_16 = vector.load %arg1[%get3A_13, %get3A_14, %get3A_15] : memref<2x1000x128xf32, #tpu.memory_space<vmem>>, vector<1x1000x128xf32>
    %get3A_17 = vector.shape_cast %get3A_16 : vector<1x1000x128xf32> to vector<1000x128xf32>
    %add3A_18 = arith.addf %get3A_12, %get3A_17 : vector<1000x128xf32>
    %get3A_19 = arith.constant 0 : index
    %get3A_20 = arith.constant 0 : index
    %get3A_21 = vector.load %arg2[%get3A_19, %get3A_20] : memref<1000x128xf32, #tpu.memory_space<vmem>>, vector<1000x128xf32>
    %add3A_22 = arith.addf %add3A_18, %get3A_21 : vector<1000x128xf32>
    %mul3A = vector.broadcast %rsqrt3A : vector<1000x1xf32> to vector<1000x128xf32>
    %mul3A_23 = arith.mulf %mul3A, %add3A_22 : vector<1000x128xf32>
    %get3A_24 = arith.constant 0 : index
    %get3A_25 = arith.constant 0 : index
    %get3A_26 = vector.load %arg4[%get3A_24, %get3A_25] : memref<1x128xf32, #tpu.memory_space<vmem>>, vector<1x128xf32>
    %add3A_27 = vector.broadcast %get3A_26 : vector<1x128xf32> to vector<1000x128xf32>
    %add3A_28 = arith.addf %mul3A_23, %add3A_27 : vector<1000x128xf32>
    %swap3A = arith.constant 0 : index
    %swap3A_29 = arith.constant 0 : index
    %swap3A_30 = vector.load %arg5[%swap3A, %swap3A_29] : memref<1000x128xf32, #tpu.memory_space<vmem>>, vector<1000x128xf32>
    tpu.vector_store %arg5[%swap3A, %swap3A_29], %add3A_28 {strides = array<i32>} : memref<1000x128xf32, #tpu.memory_space<vmem>>, vector<1000x128xf32>,
    return
  }
  func.func @transform_0(%arg0: i32) -> (i32, i32, i32) {
    %c0_i32 = arith.constant 0 : i32
    %c0_i32_0 = arith.constant 0 : i32
    %c0_i32_1 = arith.constant 0 : i32
    return %c0_i32, %arg0, %c0_i32_0 : i32, i32, i32
  }
  func.func @transform_1(%arg0: i32) -> (i32, i32) {
    %c0_i32 = arith.constant 0 : i32
    %c0_i32_0 = arith.constant 0 : i32
    return %arg0, %c0_i32 : i32, i32
  }
  func.func @transform_2(%arg0: i32) -> (i32, i32, i32) {
    %c0_i32 = arith.constant 0 : i32
    %c0_i32_0 = arith.constant 0 : i32
    %c0_i32_1 = arith.constant 0 : i32
    return %c0_i32, %arg0, %c0_i32_0 : i32, i32, i32
  }
  func.func @transform_3(%arg0: i32) -> (i32, i32) {
    %c0_i32 = arith.constant 0 : i32
    %c0_i32_0 = arith.constant 0 : i32
    %c0_i32_1 = arith.constant 0 : i32
    return %c0_i32, %c0_i32_0 : i32, i32
  }
  func.func @transform_4(%arg0: i32) -> (i32, i32) {
    %c0_i32 = arith.constant 0 : i32
    %c0_i32_0 = arith.constant 0 : i32
    return %arg0, %c0_i32 : i32, i32
  }
}

module attributes {stable_mosaic.version = 14 : i64} {
  func.func @_dec_reduce_body(%arg0: i32, %arg1: memref<32x128x16xf32, #tpu.memory_space<vmem>>, %arg2: memref<32x128xf32, #tpu.memory_space<vmem>>) attributes {dimension_semantics = [#tpu.dimension_semantics<arbitrary>], iteration_bounds = array<i64: 79>, scalar_prefetch = 0 : i64, scratch_operands = 0 : i64, tpu.core_type = #tpu.core_type<tc>, window_params = [{transform_indices = @transform_0, window_bounds = array<i64: 32, 128, 16>}, {transform_indices = @transform_1, window_bounds = array<i64: 32, 128>}]} {
    %get3A = arith.constant 0 : index
    %get3A_0 = arith.constant 0 : index
    %get3A_1 = arith.constant 0 : index
    %get3A_2 = vector.load %arg1[%get3A, %get3A_0, %get3A_1] : memref<32x128x16xf32, #tpu.memory_space<vmem>>, vector<32x128x16xf32>
    %reduce_sum3A = arith.constant dense<0.000000e+00> : vector<32x128xf32>
    %reduce_sum3A_3 = vector.multi_reduction <add>, %get3A_2, %reduce_sum3A [2] : vector<32x128x16xf32> to vector<32x128xf32>
    %swap3A = arith.constant 0 : index
    %swap3A_4 = arith.constant 0 : index
    %swap3A_5 = vector.load %arg2[%swap3A, %swap3A_4] : memref<32x128xf32, #tpu.memory_space<vmem>>, vector<32x128xf32>
    tpu.vector_store %arg2[%swap3A, %swap3A_4], %reduce_sum3A_3 {strides = array<i32>} : memref<32x128xf32, #tpu.memory_space<vmem>>, vector<32x128xf32>,
    return
  }
  func.func @transform_0(%arg0: i32) -> (i32, i32, i32) {
    %c0_i32 = arith.constant 0 : i32
    %c0_i32_0 = arith.constant 0 : i32
    %c0_i32_1 = arith.constant 0 : i32
    return %arg0, %c0_i32, %c0_i32_0 : i32, i32, i32
  }
  func.func @transform_1(%arg0: i32) -> (i32, i32) {
    %c0_i32 = arith.constant 0 : i32
    %c0_i32_0 = arith.constant 0 : i32
    return %arg0, %c0_i32 : i32, i32
  }
}

</mosaic_0001>

<sc_bundles>
// kernel: kernel.10.cloned.1.call-start
scs
__scs_entry_jumppad:
0x0: {  	(pc) =	sbr.rel $0x88, $3  }
0x1: {  	(tag) =	ssettag $0x0;
	lr =	simm.s32 $0x1  }
0x2: {  	[smem:$0x3F97] =	sst lr;
	_ =	strace $0xD0000000  }
0x3: {  	_ = 	snop  }
0x4: {  	_ = 	snop  }
0x5: {  	_ = 	snop  }
0x6: {  	_ = 	snop  }
0x7: {  	_ = 	snop  }
__scs_overlays_trampoline_lowered:
0x8: {  	[smem:$0x3FA6] =	sst s0  }
0x9: {  	[smem:$0x3FA7] =	sst s1  }
0xa: {  	[smem:$0x3FA8] =	sst s2  }
0xb: {  	[smem:$0x3FA9] =	sst s3  }
0xc: {  	[smem:$0x3FAA] =	sst s4  }
0xd: {  	[smem:$0x3FAB] =	sst s5  }
0xe: {  	[smem:$0x3FAC] =	sst s6  }
0xf: {  	[smem:$0x3FAD] =	sst s7  }
0x10: {  	[smem:$0x3FAE] =	sst s8  }
0x11: {  	[smem:$0x3FAF] =	sst s9;
	s0 =	simm.s32 @!p0 $0x0  }
0x12: {  	s1 =	sld [smem:$0x3F95];
	s0 =	simm.s32 @p0 $0x1  }
0x13: {  	[smem:$0x3FB0] =	sst s0;
	s0 =	simm.s32 @!p1 $0x0  }
0x14: {  	s2 =	sld [smem:$0x3F94];
	s0 =	simm.s32 @p1 $0x1  }
0x15: {  	[smem:$0x3FB1] =	sst s0;
	s0 =	simm.s32 @!p2 $0x0  }
0x16: {  	s3 =	sld [smem:$0x3FDB];
	s0 =	simm.s32 @p2 $0x1  }
0x17: {  	s4 =	simm.s32 $0x1BF5;
	[smem:$0x3FB3] =	sst s0  }
0x18: {  	s0 =	sld [smem:$0x3F96];
	_ =	swait.ge [sflag:s4], $0x0  }
0x19: {  	s7 =	sld [smem:$0x3F97]  }
0x1a: {  	s8 =	sadd.s32 $0xFFFFE003, lr  }
0x1b: {  	s9 =	sadd.s32 $0xFFFFFEF7, lr;
	s5 =	simm.s32 $0xFFFFFFFF;
	p2 =	slt.u32 s8, $0xFFFFF086  }
0x1c: {  	p1 =	slt.u32 s9, $0xF7A;
	s5 =	simm.s32 @!p2 $0x0  }
0x1d: {  	s5 =	simm.s32 @p1 $0x1;
	p0 =	seq.s32 s7, s2  }
0x1e: {  	s7 =	smul.u32 @!p0 $0xF7A, s2;
	p2 =	seq.s32 @!p0 s5, $0x0  }
0x1f: {  	s9 =	smul.u32 $0xF7A, s1;
	s8 =	simm.s32 @!p0 $0x1BF5;
	p2 =	por !p2, p0  }
0x20: {  	[sflag:s8] =	ssyncset.s32 @!p0 $0xFFFFF086;
	s6 =	sadd.s32 @!p0 s3, s7;
	s7 =	simm.s32 @!p0 $0x108  }
0x21: {  	s3 =	sadd.s32 s3, s9;
	s6 =	sadd.s32 @!p0 $0x88, s6;
	s7 =	simm.s32 @p2 $0x1082  }
0x22: {  	[simem:s7], [sflag:s8] =	dma.local @!p0 [hbm:s6], $0xF7A  }
0x23: {  	s9 =	sor.u32 $0xD0000000, s2;
	s6 =	simm.s32 $0x108;
	_ =	swait.ge @!p0 [sflag:s8], $0x0  }
0x24: {  	s3 =	sadd.s32 $0x88, s3;
	s6 =	simm.s32 @!p1 $0x1082;
	[sflag:s4] =	ssyncset.s32 $0xFFFFF086  }
0x25: {  	[simem:s6], [sflag:s4] =	dma.local [hbm:s3], $0xF7A  }
0x26: {  	[smem:$0x3F97] =	sst s1;
	(tag) =	ssettag s2;
	_ =	strace s9  }
0x27: {  	s1 =	sld [smem:$0x3FA7]  }
0x28: {  	s2 =	sld [smem:$0x3FA8]  }
0x29: {  	s4 =	sld [smem:$0x3FAA]  }
0x2a: {  	p0 =	seq.s32 s5, $0x0;
	s5 =	sld [smem:$0x3FAB]  }
0x2b: {  	s6 =	sld [smem:$0x3FAC]  }
0x2c: {  	s7 =	sld [smem:$0x3FAD]  }
0x2d: {  	s3 =	simm.s32 $0x108;
	s8 =	sld [smem:$0x3FAE]  }
0x2e: {  	s3 =	simm.s32 @!p0 $0x1082;
	s9 =	sld [smem:$0x3FAF]  }
0x2f: {  	lr =	sadd.s32 s0, s3;
	s0 =	sld [smem:$0x3FA6]  }
0x30: {  	s3 =	sld [smem:$0x3FA9]  }
0x31: {  	[smem:$0x3FB2] =	sst s10  }
0x32: {  	s10 =	sld [smem:$0x3FB0];
	_ =	sdelay $0x3  }
0x33: {  	p0 =	seq.s32 s10, $0x1;
	s10 =	sld [smem:$0x3FB2];
	_ =	sdelay $0x3  }
0x34: {  	[smem:$0x3FB2] =	sst s10  }
0x35: {  	s10 =	sld [smem:$0x3FB1];
	_ =	sdelay $0x3  }
0x36: {  	p1 =	seq.s32 s10, $0x1;
	s10 =	sld [smem:$0x3FB2];
	_ =	sdelay $0x3  }
0x37: {  	[smem:$0x3FB2] =	sst s10  }
0x38: {  	s10 =	sld [smem:$0x3FB3]  }
0x39: {  	_ = 	snop;
	(pc) =	sbr.ind lr, $3  }
0x3a: {  	_ = 	snop  }
0x3b: {  	_ = 	snop  }
0x3c: {  	p2 =	seq.s32 s10, $0x1;
	s10 =	sld [smem:$0x3FB2]  }
0x3d: {  	_ =	shalt  }
0x3e: {  	_ =	shalt  }
0x3f: {  	_ =	shalt  }
0x40: {  	_ =	shalt  }
0x41: {  	_ =	shalt  }
0x42: {  	_ =	shalt  }
0x43: {  	_ =	shalt  }
0x44: {  	_ =	shalt  }
0x45: {  	_ =	shalt  }
0x46: {  	_ =	shalt  }
0x47: {  	_ =	shalt  }
0x48: {  	_ =	shalt  }
0x49: {  	_ =	shalt  }
0x4a: {  	_ =	shalt  }
0x4b: {  	_ =	shalt  }
0x4c: {  	_ =	shalt  }
0x4d: {  	_ =	shalt  }
0x4e: {  	_ =	shalt  }
0x4f: {  	_ =	shalt  }
0x50: {  	_ =	shalt  }
0x51: {  	_ =	shalt  }
0x52: {  	_ =	shalt  }
0x53: {  	_ =	shalt  }
0x54: {  	_ =	shalt  }
0x55: {  	_ =	shalt  }
0x56: {  	_ =	shalt  }
0x57: {  	_ =	shalt  }
0x58: {  	_ =	shalt  }
0x59: {  	_ =	shalt  }
0x5a: {  	_ =	shalt  }
0x5b: {  	_ =	shalt  }
0x5c: {  	_ =	shalt  }
0x5d: {  	_ =	shalt  }
0x5e: {  	_ =	shalt  }
0x5f: {  	_ =	shalt  }
0x60: {  	_ =	shalt  }
0x61: {  	_ =	shalt  }
0x62: {  	_ =	shalt  }
0x63: {  	_ =	shalt  }
0x64: {  	_ =	shalt  }
0x65: {  	_ =	shalt  }
0x66: {  	_ =	shalt  }
0x67: {  	_ =	shalt  }
0x68: {  	_ =	shalt  }
0x69: {  	_ =	shalt  }
0x6a: {  	_ =	shalt  }
0x6b: {  	_ =	shalt  }
0x6c: {  	_ =	shalt  }
0x6d: {  	_ =	shalt  }
0x6e: {  	_ =	shalt  }
0x6f: {  	_ =	shalt  }
0x70: {  	_ =	shalt  }
0x71: {  	_ =	shalt  }
0x72: {  	_ =	shalt  }
0x73: {  	_ =	shalt  }
0x74: {  	_ =	shalt  }
0x75: {  	_ =	shalt  }
0x76: {  	_ =	shalt  }
0x77: {  	_ =	shalt  }
0x78: {  	_ =	shalt  }
0x79: {  	_ =	shalt  }
0x7a: {  	_ =	shalt  }
0x7b: {  	_ =	shalt  }
0x7c: {  	_ =	shalt  }
0x7d: {  	_ =	shalt  }
0x7e: {  	_ =	shalt  }
0x7f: {  	_ =	shalt  }
0x80: {  	_ =	shalt  }
0x81: {  	_ =	shalt  }
0x82: {  	_ =	shalt  }
0x83: {  	_ =	shalt  }
0x84: {  	_ =	shalt  }
0x85: {  	_ =	shalt  }
0x86: {  	_ =	shalt  }
0x87: {  	_ =	shalt  }
.Lfunc_end0:
.L_simem_size_0:
called_computation_lowered:
.L_overlay_start_0:
0x88: {  	s2 =	sld [smem:$0x3FD9]  }
0x89: {  	s3 =	sld [smem:$0x3FFE];
	_ =	sdelay $0x1  }
0x8a: {  	s1 =	srdreg.scid  }
0x8b: {  	s0 =	sand.u32 $0x1, s1  }
0x8c: {  	s17 =	sshll.u32 s0, $0xA;
	s2 =	sadd.s32 s3, s2  }
0x8d: {  	s2 =	sadd.s32 s2, s17  }
0x8e: {  	[smem:$0x3FBE] =	sst s2  }
0x8f: {  	_ = 	snop  }
0x90: {  	s2 =	sld [smem:$0x3FD0];
	(tm) =	ssettm $0x1  }
0x91: {  	s18 =	sld [smem:$0x3FFB];
	_ =	sdelay $0x3  }
0x92: {  	_ =	strace s18  }
0x93: {  	s3 =	sld [smem:$0x3FFC];
	_ =	sdelay $0x3  }
0x94: {  	_ =	strace s3  }
0x95: {  	s3 =	sld [smem:$0x3FFD];
	_ =	sdelay $0x3  }
0x96: {  	_ =	strace s3  }
0x97: {  	_ =	strace $0x8FFFFFFF  }
0x98: {  	s19 =	sld [smem:$0x3FDB];
	_ =	sdelay $0x1  }
0x99: {  	s4 =	simm.s32 $_scs_section_size  }
0x9a: {  	s5 =	simm.s32 $_size__tile_overlayer_lowered;
	s6 =	simm.s32 $_tile_overlayer_lowered  }
0x9b: {  	s22 =	simm.s32 $0x1BFF;
	s21 =	sshll.u32 s6, $0x1;
	s3 =	sadd.s32 s4, s19  }
0x9c: {  	s7 =	simm.s32 $0x0;
	s20 =	sshll.u32 s5, $0x1;
	s5 =	sadd.s32 s21, s3  }
0x9d: {  	[timem:s7], [sflag:s22] =	dma.local [hbm:s5], s20  }
0x9e: {  	_ =	swait.ge [sflag:s22], s20  }
0x9f: {  	s4 =	ssub.s32 $0x0, s20;
	[sflag:s22] =	ssyncset.done $0x0  }
0xa0: {  	[sflag:s22] =	ssyncadd.s32 s4;
	_ =	sdelay $0x1  }
0xa1: {  	s23 =	simm.s32 $0x1B8B  }
0xa2: {  	_ =	swait.ge [sflag:s23], $0x1  }
0xa3: {  	[sflag:s23] =	ssyncset.done $0x0  }
0xa4: {  	s25 =	simm.s32 $0x1B8E;
	s24 =	sld [smem:$0x3FFE];
	[sflag:s23] =	ssyncadd.s32 $0xFFFFFFFF  }
0xa5: {  	s26 =	simm.s32 $execute0_lowered;
	[smem:$0x3FD2] =	sst s25  }
0xa6: {  	s5 =	sshll.u32 s26, $0x1;
	_ =	strace $0x80000046;
	[dreg:$0x1] =	wrdreg $0xFFFFFFFF  }
0xa7: {  	s28 =	simm.s32 $_size_execute0_lowered;
	s3 =	sadd.s32 s3, s5;
	[dreg:$0x0] =	wrdreg $0x0  }
0xa8: {  	s5 =	sshll.u32 s28, $0x1;
	[dreg:$0x2] =	wrdreg s3  }
0xa9: {  	[dreg:$0x3] =	wrdreg s5  }
0xaa: {  	[dreg:$0x4] =	wrdreg $0xC0  }
0xab: {  	_ =	task [dreg:s7], $0x5FFFF  }
0xac: {  	[dreg:$0x1] =	wrdreg $0xFFFFFFFF  }
0xad: {  	[dreg:$0x0] =	wrdreg $0x60  }
0xae: {  	[dreg:$0x2] =	wrdreg s24  }
0xaf: {  	[dreg:$0x3] =	wrdreg s2  }
0xb0: {  	[dreg:$0x4] =	wrdreg $0x48000  }
0xb1: {  	[dreg:$0x5] =	wrdreg $0x9  }
0xb2: {  	_ =	task.clear_ibuf [dreg:s7], $0x6FFFF;
	_ =	strace $0x90000046  }
0xb3: {  	s29 =	simm.s32 $0x9;
	_ =	strace $0x80000048  }
0xb4: {  	_ =	swait.ge [sflag:s29], $0x1  }
0xb5: {  	[sflag:s29] =	ssyncadd.s32 $0xFFFFFFFF  }
0xb6: {  	_ =	strace $0x90000048  }
0xb7: {  	_ =	sfence  }
0xb8: {  	s30 =	sld [smem:$0x0];
	_ =	sdelay $0x2  }
0xb9: {  	s31 =	sshll.u32 s1, $0xD;
	s1 =	sshrl.u32 s1, $0x2  }
0xba: {  	s3 =	sand.u32 $0x4000, s31;
	s1 =	sadd.s32 s1, s30  }
0xbb: {  	s0 =	sor.u32 s3, s0;
	s1 =	sshll.u32 s1, $0x11  }
0xbc: {  	s0 =	sor.u32 s1, s0  }
0xbd: {  	s0 =	sadd.s32 $0x8F2B, s0  }
0xbe: {  	[sflag:s0] =	ssyncadd.remote.s32 $0x1  }
0xbf: {  	_ =	sfence.sel $0xFFFF  }
0xc0: {  	[dreg:$0x0] =	wrdreg $0xFFFFFFFF;
	(pc) =	sbr.abs _section_cstart, $3  }
0xc1: {  	[dreg:$0x1] =	wrdreg $0xFFFFFFFF  }
0xc2: {  	_ =	task.clear_ibuf [dreg:s7], $0x2FFFF;
	_ =	strace $0x9FFFFFFF  }
0xc3: {  	(tm) =	ssettm $0x7FFFFFFF  }
tec
execute0_lowered:
.L_overlay_start_1:
0x0: {  	(tag) =	ssettag $0x1  }
0x1: {  	s7 =	rddreg [dreg:$0x0]  }
0x2: {  	s0 =	srdreg.scid;
	s2 =	rddreg [dreg:$0x1]  }
0x3: {  	s3 =	rddreg [dreg:$0x2];
	s5 =	sand.u32 $0x1, s0;
	s0 =	stileid.u32  }
0x4: {  	s4 =	simm.s32 $0x0;
	s17 =	simm.s32 $0x0;
	s8 =	smul.u32 $0x2780, s0  }
0x5: {  	[smem:$0x7FF] =	sst s4;
	s11 =	sadd.s32 $0x33E00, s7;
	s10 =	smul.u32 $0x4F000, s0  }
0x6: {  	s14 =	sadd.s32 $0x128400, s3;
	s1 =	sshll.u32 s5, $0x4;
	s13 =	smul.u32 $0x138800, s5  }
0x7: {  	s9 =	ssub.s32 $0x2, s5;
	s29 =	smul.u32 $0x13C00, s0;
	p0 =	seq.s32 s0, $0xF  }
0x8: {  	s6 =	sor.u32 s0, s1;
	s1 =	rddreg [dreg:$0x3];
	_ =	strace $0x80000047  }
0x9: {  	s12 =	sshrl.u32 s9, $0x1;
	s16 =	sshll.u32 @!p0 s0, $0x6;
	s6 =	smul.u32 $0x500, s6  }
0xa: {  	s8 =	sadd.s32 s8, s7;
	s12 =	ssub.s32 s9, s12;
	s28 =	sshrl.u32 s10, $0x2  }
0xb: {  	s30 =	sadd.s32 s29, s13;
	s31 =	sshrl.u32 s13, $0x3;
	s13 =	sshrl.u32 @p0 s14, $0x3  }
0xc: {  	s14 =	sor.u32 @!p0 $0x1C01, s16;
	s16 =	simm.s32 $0x40;
	s15 =	sadd.s32 s28, s3  }
0xd: {  	s9 =	sadd.s32 s11, s31;
	s10 =	smax.u32 s12, $0x1;
	s12 =	simm.s32 $0x2800  }
0xe: {  	s6 =	sadd.s32 s6, s7;
	s7 =	sadd.s32 $0x31C80, s7;
	s9 =	sadd.s32 $0x25080, s9  }
0xf: {  	s5 =	sadd.s32 $0x2C00, s6;
	s6 =	sadd.s32 $0xCC00, s8;
	s8 =	sshrl.u32 s30, $0x3  }
0x10: {  	s15 =	sshrl.u32 @!p0 s15, $0x3;
	s8 =	sadd.s32 s11, s8;
	s11 =	simm.s32 $0x1  }
.LBB2_1:
0x11: {  	[tilespmem:s4], [sflag:$0x1] =	stream.linear.gather [hbm4b:s5+s4], $0x2780, $0x38;
	[tilespmem:$0x180C0] =	vst v63  }
0x12: {  	_ =	swait.ge [sflag:s11], $0x2780  }
0x13: {  	[sflag:s11] =	ssyncset.done $0x0  }
0x14: {  	[sflag:s11] =	ssyncadd.s32 $0xFFFFD880  }
0x15: {  	[tilespmem:s12], [sflag:$0x1] =	stream.linear.gather [hbm4b:s2+s4], $0x2000, $0x38;
	[tilespmem:$0x180C0] =	vst v63  }
0x16: {  	_ =	swait.ge [sflag:s11], $0x2000  }
0x17: {  	[sflag:s11] =	ssyncset.done $0x0  }
0x18: {  	s18 =	simm.s32 @p0 $0x1FC1;
	[sflag:s11] =	ssyncadd.s32 $0xFFFFE000  }
0x19: {  	[spmem:s13], [sflag:s18] =	dma.local @p0 [hbm:s7], $0x2080  }
0x1a: {  	s18 =	simm.s32 @p0 $0x1  }
0x1b: {  	_ =	swait.ge @p0 [sflag:s18], $0x2080  }
0x1c: {  	[sflag:s18] =	ssyncset.done @p0 $0x0  }
0x1d: {  	[sflag:s18] =	ssyncadd.s32 @p0 $0xFFFFDF80;
	s18 =	simm.s32 @!p0 $0x1  }
0x1e: {  	[spmem:s15], [sflag:s14] =	dma.local @!p0 [hbm:s6], $0x2780  }
0x1f: {  	_ =	swait.ge @!p0 [sflag:s18], $0x2780  }
0x20: {  	[sflag:s18] =	ssyncset.done @!p0 $0x0  }
0x21: {  	[sflag:s18] =	ssyncadd.s32 @!p0 $0xFFFFD880  }
0x22: {  	s30 =	simm.s32 $0x0;
	[bflag:$0x0] =	sbarrier.arrive $0xFFFF  }
0x23: {  	[spmem:s3] =	stream.indirect.scatter.add.f32 [tilespmem:s12], [sflag:$0x1], $0x80, s30, s16, $0xb8;
	[tilespmem:$0x180C0] =	vst v63  }
0x24: {  	_ =	swait.ge [sflag:s11], $0x2000  }
0x25: {  	[sflag:s11] =	ssyncset.done $0x0  }
0x26: {  	s31 =	simm.s32 $0x40;
	[sflag:s11] =	ssyncadd.s32 $0xFFFFE000  }
0x27: {  	[spmem:s3] =	stream.indirect.scatter.add.f32 [tilespmem:s12], [sflag:$0x1], $0x80, s31, s16, $0xb8;
	[tilespmem:$0x180C0] =	vst v63  }
0x28: {  	_ =	swait.ge [sflag:s11], $0x2000  }
0x29: {  	s19 =	simm.s32 $0x400;
	s18 =	simm.s32 $0x200;
	[sflag:s11] =	ssyncset.done $0x0  }
.LBB2_2:
0x2a: {  	s20 =	sshra.s32 s18, $0x2  }
0x2b: {  	[sflag:s11] =	ssyncadd.s32 $0xFFFFE000;
	s18 =	smov.u32 s19;
	s21 =	sadd.s32 $0x200, s19  }
0x2c: {  	[spmem:s3] =	stream.indirect.scatter.add.f32 [tilespmem:s12], [sflag:$0x1], $0x80, s20, s16, $0xb8;
	[tilespmem:$0x180C0] =	vst v63  }
0x2d: {  	p1 =	sne.s32 s19, $0x9C00;
	_ =	swait.ge [sflag:s11], $0x2000  }
.Ltmp0:
0x2e: {  	[sflag:s11] =	ssyncset.done $0x0;
	(pc) =	sbr.rel @p1 .LBB2_2-.Ltmp0, $4  }
0x2f: {  	s19 =	sadd.s32 $0x40, s20;
	[sflag:s11] =	ssyncadd.s32 $0xFFFFE000  }
0x30: {  	[spmem:s3] =	stream.indirect.scatter.add.f32 [tilespmem:s12], [sflag:$0x1], $0x80, s19, s16, $0xb8;
	[tilespmem:$0x180C0] =	vst v63  }
0x31: {  	_ =	swait.ge [sflag:s11], $0x2000  }
0x32: {  	s19 =	smov.u32 s21;
	[sflag:s11] =	ssyncset.done $0x0  }
0x33: {  	s18 =	sshra.s32 s18, $0x2;
	[sflag:s11] =	ssyncadd.s32 $0xFFFFE000  }
0x34: {  	[spmem:s3] =	stream.indirect.scatter.add.f32 [tilespmem:s12], [sflag:$0x1], $0x80, s18, s16, $0xb8;
	[tilespmem:$0x180C0] =	vst v63  }
0x35: {  	_ =	swait.ge [sflag:s11], $0x2000  }
0x36: {  	[sflag:s11] =	ssyncset.done $0x0  }
0x37: {  	s18 =	sadd.s32 $0x40, s18;
	[sflag:s11] =	ssyncadd.s32 $0xFFFFE000  }
0x38: {  	[spmem:s3] =	stream.indirect.scatter.add.f32 [tilespmem:s12], [sflag:$0x1], $0x80, s18, s16, $0xb8;
	[tilespmem:$0x180C0] =	vst v63  }
0x39: {  	_ =	swait.ge [sflag:s11], $0x2000  }
0x3a: {  	[sflag:s11] =	ssyncset.done $0x0  }
0x3b: {  	[sflag:s11] =	ssyncadd.s32 $0xFFFFE000  }
0x3c: {  	s18 =	simm.s32 @p0 $0x1FC1;
	[bflag:$0x0] =	sbarrier.arrive $0xFFFF  }
0x3d: {  	[hbm:s9], [sflag:s18] =	dma.local @p0 [spmem:s13], $0x2080  }
0x3e: {  	s18 =	simm.s32 @p0 $0x1  }
0x3f: {  	s17 =	sadd.s32 $0x1, s17;
	_ =	swait.ge @p0 [sflag:s18], $0x2080  }
0x40: {  	p1 =	sne.s32 s17, s10;
	[sflag:s18] =	ssyncset.done @p0 $0x0  }
.Ltmp1:
0x41: {  	[sflag:s18] =	ssyncadd.s32 @p0 $0xFFFFDF80;
	s18 =	simm.s32 @!p0 $0x1;
	(pc) =	sbr.rel @p1 .LBB2_1-.Ltmp1, $4  }
0x42: {  	[hbm:s8], [sflag:s14] =	dma.local @!p0 [spmem:s15], $0x2780  }
0x43: {  	_ =	swait.ge @!p0 [sflag:s18], $0x2780  }
0x44: {  	[sflag:s18] =	ssyncset.done @!p0 $0x0  }
0x45: {  	[sflag:s18] =	ssyncadd.s32 @!p0 $0xFFFFD880  }
0x46: {  	_ =	sfence.sel $0x180000  }
0x47: {  	[bflag:$0x0] =	sbarrier.arrive $0xFFFF  }
0x48: {  	p0 =	sne.s32 s0, $0x0;
	_ =	strace $0x90000047  }
0x49: {  	s0 =	sadd.s32 @!p0 $0x100000, s1;
	[bflag:$0x2] =	sbarrier.arrive $0xFFFF  }
0x4a: {  	[sflag:s0] =	ssyncadd.tile.s32 @!p0 $0x1;
	_ =	shalt  }
.Lfunc_end2:
_tile_overlayer_lowered:
.L_overlay_start_2:
0x4b: {  	(tag) =	ssettag $0x2  }
0x4c: {  	s0 =	rddreg [dreg:$0x0];
	s2 =	stileid.u32  }
0x4d: {  	s1 =	rddreg [dreg:$0x1];
	p0 =	sne.s32 s2, $0x0  }
0x4e: {  	s3 =	rddreg [dreg:$0x2];
	[bflag:$0x3] =	sbarrier.arrive $0xFFFF;
	s2 =	simm.s32 @!p0 $0x1C01  }
0x4f: {  	[timem:s3], [sflag:s2] =	dma.local @!p0 [hbm:s0], s1  }
0x50: {  	s0 =	simm.s32 @!p0 $0x1  }
0x51: {  	_ =	swait.ge @!p0 [sflag:s0], s1  }
0x52: {  	s1 =	ssub.s32 @!p0 $0x0, s1;
	[sflag:s0] =	ssyncset.done @!p0 $0x0  }
0x53: {  	[sflag:s0] =	ssyncadd.s32 @!p0 s1  }
0x54: {  	[bflag:$0x3] =	sbarrier.arrive $0xFFFF  }
0x55: {  	_ =	shalt  }

// kernel: kernel.13.cloned.1.call-start
scs
__scs_entry_jumppad:
0x0: {  	(pc) =	sbr.rel $0x88, $3  }
0x1: {  	(tag) =	ssettag $0x0;
	lr =	simm.s32 $0x1  }
0x2: {  	[smem:$0x3F97] =	sst lr;
	_ =	strace $0xD0000000  }
0x3: {  	_ = 	snop  }
0x4: {  	_ = 	snop  }
0x5: {  	_ = 	snop  }
0x6: {  	_ = 	snop  }
0x7: {  	_ = 	snop  }
__scs_overlays_trampoline_lowered:
0x8: {  	[smem:$0x3FA6] =	sst s0  }
0x9: {  	[smem:$0x3FA7] =	sst s1  }
0xa: {  	[smem:$0x3FA8] =	sst s2  }
0xb: {  	[smem:$0x3FA9] =	sst s3  }
0xc: {  	[smem:$0x3FAA] =	sst s4  }
0xd: {  	[smem:$0x3FAB] =	sst s5  }
0xe: {  	[smem:$0x3FAC] =	sst s6  }
0xf: {  	[smem:$0x3FAD] =	sst s7  }
0x10: {  	[smem:$0x3FAE] =	sst s8  }
0x11: {  	[smem:$0x3FAF] =	sst s9;
	s0 =	simm.s32 @!p0 $0x0  }
0x12: {  	s1 =	sld [smem:$0x3F95];
	s0 =	simm.s32 @p0 $0x1  }
0x13: {  	[smem:$0x3FB0] =	sst s0;
	s0 =	simm.s32 @!p1 $0x0  }
0x14: {  	s2 =	sld [smem:$0x3F94];
	s0 =	simm.s32 @p1 $0x1  }
0x15: {  	[smem:$0x3FB1] =	sst s0;
	s0 =	simm.s32 @!p2 $0x0  }
0x16: {  	s3 =	sld [smem:$0x3FDB];
	s0 =	simm.s32 @p2 $0x1  }
0x17: {  	s4 =	simm.s32 $0x1BF5;
	[smem:$0x3FB3] =	sst s0  }
0x18: {  	s0 =	sld [smem:$0x3F96];
	_ =	swait.ge [sflag:s4], $0x0  }
0x19: {  	s7 =	sld [smem:$0x3F97]  }
0x1a: {  	s8 =	sadd.s32 $0xFFFFE003, lr  }
0x1b: {  	s9 =	sadd.s32 $0xFFFFFEF7, lr;
	s5 =	simm.s32 $0xFFFFFFFF;
	p2 =	slt.u32 s8, $0xFFFFF086  }
0x1c: {  	p1 =	slt.u32 s9, $0xF7A;
	s5 =	simm.s32 @!p2 $0x0  }
0x1d: {  	s5 =	simm.s32 @p1 $0x1;
	p0 =	seq.s32 s7, s2  }
0x1e: {  	s7 =	smul.u32 @!p0 $0xF7A, s2;
	p2 =	seq.s32 @!p0 s5, $0x0  }
0x1f: {  	s9 =	smul.u32 $0xF7A, s1;
	s8 =	simm.s32 @!p0 $0x1BF5;
	p2 =	por !p2, p0  }
0x20: {  	[sflag:s8] =	ssyncset.s32 @!p0 $0xFFFFF086;
	s6 =	sadd.s32 @!p0 s3, s7;
	s7 =	simm.s32 @!p0 $0x108  }
0x21: {  	s3 =	sadd.s32 s3, s9;
	s6 =	sadd.s32 @!p0 $0x88, s6;
	s7 =	simm.s32 @p2 $0x1082  }
0x22: {  	[simem:s7], [sflag:s8] =	dma.local @!p0 [hbm:s6], $0xF7A  }
0x23: {  	s9 =	sor.u32 $0xD0000000, s2;
	s6 =	simm.s32 $0x108;
	_ =	swait.ge @!p0 [sflag:s8], $0x0  }
0x24: {  	s3 =	sadd.s32 $0x88, s3;
	s6 =	simm.s32 @!p1 $0x1082;
	[sflag:s4] =	ssyncset.s32 $0xFFFFF086  }
0x25: {  	[simem:s6], [sflag:s4] =	dma.local [hbm:s3], $0xF7A  }
0x26: {  	[smem:$0x3F97] =	sst s1;
	(tag) =	ssettag s2;
	_ =	strace s9  }
0x27: {  	s1 =	sld [smem:$0x3FA7]  }
0x28: {  	s2 =	sld [smem:$0x3FA8]  }
0x29: {  	s4 =	sld [smem:$0x3FAA]  }
0x2a: {  	p0 =	seq.s32 s5, $0x0;
	s5 =	sld [smem:$0x3FAB]  }
0x2b: {  	s6 =	sld [smem:$0x3FAC]  }
0x2c: {  	s7 =	sld [smem:$0x3FAD]  }
0x2d: {  	s3 =	simm.s32 $0x108;
	s8 =	sld [smem:$0x3FAE]  }
0x2e: {  	s3 =	simm.s32 @!p0 $0x1082;
	s9 =	sld [smem:$0x3FAF]  }
0x2f: {  	lr =	sadd.s32 s0, s3;
	s0 =	sld [smem:$0x3FA6]  }
0x30: {  	s3 =	sld [smem:$0x3FA9]  }
0x31: {  	[smem:$0x3FB2] =	sst s10  }
0x32: {  	s10 =	sld [smem:$0x3FB0];
	_ =	sdelay $0x3  }
0x33: {  	p0 =	seq.s32 s10, $0x1;
	s10 =	sld [smem:$0x3FB2];
	_ =	sdelay $0x3  }
0x34: {  	[smem:$0x3FB2] =	sst s10  }
0x35: {  	s10 =	sld [smem:$0x3FB1];
	_ =	sdelay $0x3  }
0x36: {  	p1 =	seq.s32 s10, $0x1;
	s10 =	sld [smem:$0x3FB2];
	_ =	sdelay $0x3  }
0x37: {  	[smem:$0x3FB2] =	sst s10  }
0x38: {  	s10 =	sld [smem:$0x3FB3]  }
0x39: {  	_ = 	snop;
	(pc) =	sbr.ind lr, $3  }
0x3a: {  	_ = 	snop  }
0x3b: {  	_ = 	snop  }
0x3c: {  	p2 =	seq.s32 s10, $0x1;
	s10 =	sld [smem:$0x3FB2]  }
0x3d: {  	_ =	shalt  }
0x3e: {  	_ =	shalt  }
0x3f: {  	_ =	shalt  }
0x40: {  	_ =	shalt  }
0x41: {  	_ =	shalt  }
0x42: {  	_ =	shalt  }
0x43: {  	_ =	shalt  }
0x44: {  	_ =	shalt  }
0x45: {  	_ =	shalt  }
0x46: {  	_ =	shalt  }
0x47: {  	_ =	shalt  }
0x48: {  	_ =	shalt  }
0x49: {  	_ =	shalt  }
0x4a: {  	_ =	shalt  }
0x4b: {  	_ =	shalt  }
0x4c: {  	_ =	shalt  }
0x4d: {  	_ =	shalt  }
0x4e: {  	_ =	shalt  }
0x4f: {  	_ =	shalt  }
0x50: {  	_ =	shalt  }
0x51: {  	_ =	shalt  }
0x52: {  	_ =	shalt  }
0x53: {  	_ =	shalt  }
0x54: {  	_ =	shalt  }
0x55: {  	_ =	shalt  }
0x56: {  	_ =	shalt  }
0x57: {  	_ =	shalt  }
0x58: {  	_ =	shalt  }
0x59: {  	_ =	shalt  }
0x5a: {  	_ =	shalt  }
0x5b: {  	_ =	shalt  }
0x5c: {  	_ =	shalt  }
0x5d: {  	_ =	shalt  }
0x5e: {  	_ =	shalt  }
0x5f: {  	_ =	shalt  }
0x60: {  	_ =	shalt  }
0x61: {  	_ =	shalt  }
0x62: {  	_ =	shalt  }
0x63: {  	_ =	shalt  }
0x64: {  	_ =	shalt  }
0x65: {  	_ =	shalt  }
0x66: {  	_ =	shalt  }
0x67: {  	_ =	shalt  }
0x68: {  	_ =	shalt  }
0x69: {  	_ =	shalt  }
0x6a: {  	_ =	shalt  }
0x6b: {  	_ =	shalt  }
0x6c: {  	_ =	shalt  }
0x6d: {  	_ =	shalt  }
0x6e: {  	_ =	shalt  }
0x6f: {  	_ =	shalt  }
0x70: {  	_ =	shalt  }
0x71: {  	_ =	shalt  }
0x72: {  	_ =	shalt  }
0x73: {  	_ =	shalt  }
0x74: {  	_ =	shalt  }
0x75: {  	_ =	shalt  }
0x76: {  	_ =	shalt  }
0x77: {  	_ =	shalt  }
0x78: {  	_ =	shalt  }
0x79: {  	_ =	shalt  }
0x7a: {  	_ =	shalt  }
0x7b: {  	_ =	shalt  }
0x7c: {  	_ =	shalt  }
0x7d: {  	_ =	shalt  }
0x7e: {  	_ =	shalt  }
0x7f: {  	_ =	shalt  }
0x80: {  	_ =	shalt  }
0x81: {  	_ =	shalt  }
0x82: {  	_ =	shalt  }
0x83: {  	_ =	shalt  }
0x84: {  	_ =	shalt  }
0x85: {  	_ =	shalt  }
0x86: {  	_ =	shalt  }
0x87: {  	_ =	shalt  }
.Lfunc_end0:
.L_simem_size_0:
called_computation.1_lowered:
.L_overlay_start_0:
0x88: {  	s2 =	sld [smem:$0x3FD9]  }
0x89: {  	s3 =	sld [smem:$0x3FFE];
	_ =	sdelay $0x1  }
0x8a: {  	s1 =	srdreg.scid  }
0x8b: {  	s0 =	sand.u32 $0x1, s1  }
0x8c: {  	s16 =	sshll.u32 s0, $0xA;
	s2 =	sadd.s32 s3, s2  }
0x8d: {  	s2 =	sadd.s32 s2, s16  }
0x8e: {  	[smem:$0x3FBE] =	sst s2  }
0x8f: {  	_ = 	snop  }
0x90: {  	(tm) =	ssettm $0x1  }
0x91: {  	s17 =	sld [smem:$0x3FFB];
	_ =	sdelay $0x3  }
0x92: {  	_ =	strace s17  }
0x93: {  	s2 =	sld [smem:$0x3FFC];
	_ =	sdelay $0x3  }
0x94: {  	_ =	strace s2  }
0x95: {  	s2 =	sld [smem:$0x3FFD];
	_ =	sdelay $0x3  }
0x96: {  	_ =	strace s2  }
0x97: {  	_ =	strace $0x8FFFFFFF  }
0x98: {  	s18 =	sld [smem:$0x3FDB];
	_ =	sdelay $0x1  }
0x99: {  	s19 =	simm.s32 $_scs_section_size  }
0x9a: {  	s4 =	simm.s32 $_size__tile_overlayer_lowered;
	s5 =	simm.s32 $_tile_overlayer_lowered  }
0x9b: {  	s22 =	simm.s32 $0x1BFF;
	s21 =	sshll.u32 s5, $0x1;
	s2 =	sadd.s32 s19, s18  }
0x9c: {  	s6 =	simm.s32 $0x0;
	s20 =	sshll.u32 s4, $0x1;
	s4 =	sadd.s32 s21, s2  }
0x9d: {  	[timem:s6], [sflag:s22] =	dma.local [hbm:s4], s20  }
0x9e: {  	_ =	swait.ge [sflag:s22], s20  }
0x9f: {  	s3 =	ssub.s32 $0x0, s20;
	[sflag:s22] =	ssyncset.done $0x0  }
0xa0: {  	[sflag:s22] =	ssyncadd.s32 s3;
	_ =	sdelay $0x1  }
0xa1: {  	s23 =	simm.s32 $0x1B8B  }
0xa2: {  	_ =	swait.ge [sflag:s23], $0x1  }
0xa3: {  	[sflag:s23] =	ssyncset.done $0x0  }
0xa4: {  	s25 =	simm.s32 $0x1B8E;
	s24 =	sld [smem:$0x3FFE];
	[sflag:s23] =	ssyncadd.s32 $0xFFFFFFFF  }
0xa5: {  	s26 =	simm.s32 $execute0_lowered;
	[smem:$0x3FD2] =	sst s25  }
0xa6: {  	s4 =	sshll.u32 s26, $0x1;
	_ =	strace $0x80000049;
	[dreg:$0x1] =	wrdreg $0xFFFFFFFF  }
0xa7: {  	s28 =	simm.s32 $_size_execute0_lowered;
	s2 =	sadd.s32 s2, s4;
	[dreg:$0x0] =	wrdreg $0x0  }
0xa8: {  	s4 =	sshll.u32 s28, $0x1;
	[dreg:$0x2] =	wrdreg s2  }
0xa9: {  	[dreg:$0x3] =	wrdreg s4  }
0xaa: {  	[dreg:$0x4] =	wrdreg $0xC0  }
0xab: {  	_ =	task [dreg:s6], $0x5FFFF  }
0xac: {  	[dreg:$0x1] =	wrdreg $0xFFFFFFFF  }
0xad: {  	[dreg:$0x0] =	wrdreg $0x60  }
0xae: {  	[dreg:$0x2] =	wrdreg s24  }
0xaf: {  	[dreg:$0x3] =	wrdreg $0x90000  }
0xb0: {  	[dreg:$0x4] =	wrdreg $0x9  }
0xb1: {  	_ =	task.clear_ibuf [dreg:s6], $0x5FFFF;
	_ =	strace $0x90000049  }
0xb2: {  	s29 =	simm.s32 $0x9;
	_ =	strace $0x8000004B  }
0xb3: {  	_ =	swait.ge [sflag:s29], $0x1  }
0xb4: {  	[sflag:s29] =	ssyncadd.s32 $0xFFFFFFFF  }
0xb5: {  	_ =	strace $0x9000004B  }
0xb6: {  	_ =	sfence  }
0xb7: {  	s30 =	sld [smem:$0x0];
	_ =	sdelay $0x2  }
0xb8: {  	s31 =	sshll.u32 s1, $0xD;
	s1 =	sshrl.u32 s1, $0x2  }
0xb9: {  	s3 =	sand.u32 $0x4000, s31;
	s1 =	sadd.s32 s1, s30  }
0xba: {  	s0 =	sor.u32 s3, s0;
	s1 =	sshll.u32 s1, $0x11  }
0xbb: {  	s0 =	sor.u32 s1, s0  }
0xbc: {  	s0 =	sadd.s32 $0x8F2B, s0  }
0xbd: {  	[sflag:s0] =	ssyncadd.remote.s32 $0x1  }
0xbe: {  	_ =	sfence.sel $0xFFFF  }
0xbf: {  	[dreg:$0x0] =	wrdreg $0xFFFFFFFF;
	(pc) =	sbr.abs _section_cstart, $3  }
0xc0: {  	[dreg:$0x1] =	wrdreg $0xFFFFFFFF  }
0xc1: {  	_ =	task.clear_ibuf [dreg:s6], $0x2FFFF;
	_ =	strace $0x9FFFFFFF  }
0xc2: {  	(tm) =	ssettm $0x7FFFFFFF  }
0xc3: {  	_ =	shalt  }
tec
execute0_lowered:
.L_overlay_start_1:
0x0: {  	(tag) =	ssettag $0x1  }
0x1: {  	s0 =	srdreg.scid;
	s8 =	rddreg [dreg:$0x0]  }
0x2: {  	s2 =	rddreg [dreg:$0x1];
	s3 =	simm.s32 $0x0;
	s17 =	simm.s32 $0x40  }
0x3: {  	s18 =	simm.s32 $0x5000;
	s19 =	simm.s32 $0x7000;
	s20 =	simm.s32 $0x1  }
0x4: {  	s21 =	simm.s32 $0x2;
	s22 =	simm.s32 $0x2740;
	s23 =	simm.s32 $0x4F00  }
0x5: {  	s24 =	simm.s32 $0x4F40;
	s5 =	sand.u32 $0x1, s0;
	s0 =	stileid.u32  }
0x6: {  	s25 =	simm.s32 $0x0;
	[smem:$0x7FF] =	sst s3;
	s7 =	smul.u32 $0x2780, s0  }
0x7: {  	s13 =	sadd.s32 $0xB3200, s8;
	s14 =	sadd.s32 $0x128400, s2;
	s10 =	smul.u32 $0x4F000, s0  }
0x8: {  	s1 =	sshll.u32 s5, $0x4;
	s9 =	ssub.s32 $0x2, s5;
	s12 =	smul.u32 $0x138800, s5  }
0x9: {  	s30 =	smul.u32 $0x13C00, s0;
	p0 =	seq.s32 s0, $0xF;
	s4 =	sor.u32 s0, s1  }
0xa: {  	s1 =	rddreg [dreg:$0x2];
	_ =	strace $0x8000004A;
	s11 =	sshrl.u32 s9, $0x1  }
0xb: {  	s15 =	sshll.u32 @!p0 s0, $0x6;
	s14 =	sshrl.u32 @p0 s14, $0x3;
	s4 =	smul.u32 $0x500, s4  }
0xc: {  	s7 =	sadd.s32 s7, s8;
	s11 =	ssub.s32 s9, s11;
	s10 =	sshrl.u32 s10, $0x2  }
0xd: {  	s9 =	sadd.s32 s30, s12;
	s31 =	sshrl.u32 s12, $0x3;
	s12 =	simm.s32 $0x3  }
0xe: {  	s15 =	sor.u32 @!p0 $0x1C03, s15;
	s16 =	sadd.s32 s10, s2;
	s7 =	sadd.s32 $0xCC00, s7  }
0xf: {  	s9 =	sshrl.u32 s9, $0x3;
	s10 =	sadd.s32 s13, s31;
	s11 =	smax.u32 s11, $0x1  }
0x10: {  	s6 =	sadd.s32 s4, s8;
	s4 =	sadd.s32 $0x8C000, s8;
	s8 =	sadd.s32 $0x31C80, s8  }
0x11: {  	s9 =	sadd.s32 s13, s9;
	s10 =	sadd.s32 $0x25080, s10;
	s13 =	simm.s32 $0x2800  }
0x12: {  	s16 =	sshrl.u32 @!p0 s16, $0x3;
	s5 =	sadd.s32 $0x82000, s6;
	s6 =	sadd.s32 $0x2C00, s6  }
.LBB2_1:
0x13: {  	[tilespmem:s3], [sflag:$0x3] =	stream.linear.gather [hbm4b:s5+s3], $0x2780, $0x38;
	[tilespmem:$0x1C8C0] =	vst v63  }
0x14: {  	_ =	swait.ge [sflag:s12], $0x2780  }
0x15: {  	[sflag:s12] =	ssyncset.done $0x0  }
0x16: {  	[sflag:s12] =	ssyncadd.s32 $0xFFFFD880  }
0x17: {  	[tilespmem:s13], [sflag:$0x3] =	stream.linear.gather [hbm4b:s6+s3], $0x2780, $0x38;
	[tilespmem:$0x1C8C0] =	vst v63  }
0x18: {  	_ =	swait.ge [sflag:s12], $0x2780  }
0x19: {  	[sflag:s12] =	ssyncset.done $0x0  }
0x1a: {  	s26 =	simm.s32 @p0 $0x1FC3;
	[sflag:s12] =	ssyncadd.s32 $0xFFFFD880  }
0x1b: {  	[spmem:s14], [sflag:s26] =	dma.local @p0 [hbm:s8], $0x2080  }
0x1c: {  	s26 =	simm.s32 @p0 $0x3  }
0x1d: {  	_ =	swait.ge @p0 [sflag:s26], $0x2080  }
0x1e: {  	[sflag:s26] =	ssyncset.done @p0 $0x0  }
0x1f: {  	[sflag:s26] =	ssyncadd.s32 @p0 $0xFFFFDF80;
	s26 =	simm.s32 @!p0 $0x3  }
0x20: {  	[spmem:s16], [sflag:s15] =	dma.local @!p0 [hbm:s7], $0x2780  }
0x21: {  	_ =	swait.ge @!p0 [sflag:s26], $0x2780  }
0x22: {  	[sflag:s26] =	ssyncset.done @!p0 $0x0  }
0x23: {  	[sflag:s26] =	ssyncadd.s32 @!p0 $0xFFFFD880  }
0x24: {  	[bflag:$0x0] =	sbarrier.arrive $0xFFFF  }
0x25: {  	[tilespmem:s18], [sflag:$0x1] =	stream.indirect.gather [hbm4b:s4+s17], $0x80, s3, s17, $0xb8;
	[tilespmem:$0x1C8C0] =	vst v63  }
0x26: {  	s31 =	simm.s32 $0x40  }
0x27: {  	[tilespmem:s19], [sflag:$0x2] =	stream.indirect.gather [hbm4b:s4+s17], $0x80, s31, s17, $0xb8;
	[tilespmem:$0x1C8C0] =	vst v63  }
0x28: {  	_ =	swait.ge [sflag:s20], $0x2000  }
0x29: {  	[sflag:s20] =	ssyncset.done $0x0  }
0x2a: {  	s29 =	simm.s32 $0x2800;
	[sflag:s20] =	ssyncadd.s32 $0xFFFFE000  }
0x2b: {  	[spmem:s2] =	stream.indirect.scatter.add.f32 [tilespmem:s18], [sflag:$0x3], $0x80, s29, s17, $0xb8;
	[tilespmem:$0x1C8C0] =	vst v63  }
0x2c: {  	_ =	swait.ge [sflag:s12], $0x2000  }
0x2d: {  	[sflag:s12] =	ssyncset.done $0x0  }
0x2e: {  	s30 =	simm.s32 $0x80;
	[sflag:s12] =	ssyncadd.s32 $0xFFFFE000  }
0x2f: {  	[tilespmem:s18], [sflag:$0x1] =	stream.indirect.gather [hbm4b:s4+s17], $0x80, s30, s17, $0xb8;
	[tilespmem:$0x1C8C0] =	vst v63  }
0x30: {  	_ =	swait.ge [sflag:s21], $0x2000  }
0x31: {  	[sflag:s21] =	ssyncset.done $0x0  }
0x32: {  	s31 =	simm.s32 $0x2840;
	[sflag:s21] =	ssyncadd.s32 $0xFFFFE000  }
0x33: {  	[spmem:s2] =	stream.indirect.scatter.add.f32 [tilespmem:s19], [sflag:$0x3], $0x80, s31, s17, $0xb8;
	[tilespmem:$0x1C8C0] =	vst v63  }
0x34: {  	_ =	swait.ge [sflag:s12], $0x2000  }
0x35: {  	s28 =	simm.s32 $0x400;
	s26 =	simm.s32 $0x80;
	[sflag:s12] =	ssyncset.done $0x0  }
.LBB2_2:
0x36: {  	s29 =	sadd.s32 $0x40, s26  }
0x37: {  	[sflag:s12] =	ssyncadd.s32 $0xFFFFE000;
	s30 =	smov.u32 s28;
	s31 =	sadd.s32 $0x200, s28  }
0x38: {  	[tilespmem:s19], [sflag:$0x2] =	stream.indirect.gather [hbm4b:s4+s17], $0x80, s29, s17, $0xb8;
	[tilespmem:$0x1C8C0] =	vst v63  }
0x39: {  	p1 =	sne.s32 s28, $0x9A00;
	_ =	swait.ge [sflag:s20], $0x2000  }
0x3a: {  	[sflag:s20] =	ssyncset.done $0x0  }
0x3b: {  	s28 =	sadd.s32 $0x2800, s26;
	[sflag:s20] =	ssyncadd.s32 $0xFFFFE000  }
0x3c: {  	[spmem:s2] =	stream.indirect.scatter.add.f32 [tilespmem:s18], [sflag:$0x3], $0x80, s28, s17, $0xb8;
	[tilespmem:$0x1C8C0] =	vst v63  }
0x3d: {  	_ =	swait.ge [sflag:s12], $0x2000  }
0x3e: {  	[sflag:s12] =	ssyncset.done $0x0  }
0x3f: {  	s28 =	sadd.s32 $0x80, s26;
	[sflag:s12] =	ssyncadd.s32 $0xFFFFE000  }
0x40: {  	[tilespmem:s18], [sflag:$0x1] =	stream.indirect.gather [hbm4b:s4+s17], $0x80, s28, s17, $0xb8;
	[tilespmem:$0x1C8C0] =	vst v63  }
0x41: {  	_ =	swait.ge [sflag:s21], $0x2000  }
.Ltmp0:
0x42: {  	[sflag:s21] =	ssyncset.done $0x0;
	(pc) =	sbr.rel @p1 .LBB2_2-.Ltmp0, $4  }
0x43: {  	s26 =	sadd.s32 $0x2840, s26;
	[sflag:s21] =	ssyncadd.s32 $0xFFFFE000  }
0x44: {  	[spmem:s2] =	stream.indirect.scatter.add.f32 [tilespmem:s19], [sflag:$0x3], $0x80, s26, s17, $0xb8;
	[tilespmem:$0x1C8C0] =	vst v63  }
0x45: {  	_ =	swait.ge [sflag:s12], $0x2000  }
0x46: {  	s28 =	smov.u32 s31;
	s26 =	sshra.s32 s30, $0x2;
	[sflag:s12] =	ssyncset.done $0x0  }
0x47: {  	s28 =	sadd.s32 $0x40, s26;
	[sflag:s12] =	ssyncadd.s32 $0xFFFFE000  }
0x48: {  	[tilespmem:s19], [sflag:$0x2] =	stream.indirect.gather [hbm4b:s4+s17], $0x80, s28, s17, $0xb8;
	[tilespmem:$0x1C8C0] =	vst v63  }
0x49: {  	_ =	swait.ge [sflag:s20], $0x2000  }
0x4a: {  	[sflag:s20] =	ssyncset.done $0x0  }
0x4b: {  	s29 =	sadd.s32 $0x2800, s26;
	[sflag:s20] =	ssyncadd.s32 $0xFFFFE000  }
0x4c: {  	[spmem:s2] =	stream.indirect.scatter.add.f32 [tilespmem:s18], [sflag:$0x3], $0x80, s29, s17, $0xb8;
	[tilespmem:$0x1C8C0] =	vst v63  }
0x4d: {  	_ =	swait.ge [sflag:s12], $0x2000  }
0x4e: {  	[sflag:s12] =	ssyncset.done $0x0  }
0x4f: {  	s30 =	sadd.s32 $0x80, s26;
	[sflag:s12] =	ssyncadd.s32 $0xFFFFE000  }
0x50: {  	[tilespmem:s18], [sflag:$0x1] =	stream.indirect.gather [hbm4b:s4+s17], $0x80, s30, s17, $0xb8;
	[tilespmem:$0x1C8C0] =	vst v63  }
0x51: {  	_ =	swait.ge [sflag:s21], $0x2000  }
0x52: {  	[sflag:s21] =	ssyncset.done $0x0  }
0x53: {  	s31 =	sadd.s32 $0x2840, s26;
	[sflag:s21] =	ssyncadd.s32 $0xFFFFE000  }
0x54: {  	[spmem:s2] =	stream.indirect.scatter.add.f32 [tilespmem:s19], [sflag:$0x3], $0x80, s31, s17, $0xb8;
	[tilespmem:$0x1C8C0] =	vst v63  }
0x55: {  	_ =	swait.ge [sflag:s12], $0x2000  }
0x56: {  	[sflag:s12] =	ssyncset.done $0x0  }
0x57: {  	[sflag:s12] =	ssyncadd.s32 $0xFFFFE000  }
0x58: {  	[tilespmem:s19], [sflag:$0x2] =	stream.indirect.gather [hbm4b:s4+s17], $0x80, s22, s17, $0xb8;
	[tilespmem:$0x1C8C0] =	vst v63  }
0x59: {  	_ =	swait.ge [sflag:s20], $0x2000  }
0x5a: {  	[sflag:s20] =	ssyncset.done $0x0  }
0x5b: {  	[sflag:s20] =	ssyncadd.s32 $0xFFFFE000  }
0x5c: {  	[spmem:s2] =	stream.indirect.scatter.add.f32 [tilespmem:s18], [sflag:$0x3], $0x80, s23, s17, $0xb8;
	[tilespmem:$0x1C8C0] =	vst v63  }
0x5d: {  	_ =	swait.ge [sflag:s12], $0x2000  }
0x5e: {  	[sflag:s12] =	ssyncset.done $0x0  }
0x5f: {  	[sflag:s12] =	ssyncadd.s32 $0xFFFFE000  }
0x60: {  	_ =	swait.ge [sflag:s21], $0x2000  }
0x61: {  	[sflag:s21] =	ssyncset.done $0x0  }
0x62: {  	[sflag:s21] =	ssyncadd.s32 $0xFFFFE000  }
0x63: {  	[spmem:s2] =	stream.indirect.scatter.add.f32 [tilespmem:s19], [sflag:$0x3], $0x80, s24, s17, $0xb8;
	[tilespmem:$0x1C8C0] =	vst v63  }
0x64: {  	_ =	swait.ge [sflag:s12], $0x2000  }
0x65: {  	[sflag:s12] =	ssyncset.done $0x0  }
0x66: {  	[sflag:s12] =	ssyncadd.s32 $0xFFFFE000  }
0x67: {  	s26 =	simm.s32 @p0 $0x1FC3;
	[bflag:$0x0] =	sbarrier.arrive $0xFFFF  }
0x68: {  	[hbm:s10], [sflag:s26] =	dma.local @p0 [spmem:s14], $0x2080  }
0x69: {  	s26 =	simm.s32 @p0 $0x3  }
0x6a: {  	s25 =	sadd.s32 $0x1, s25;
	_ =	swait.ge @p0 [sflag:s26], $0x2080  }
0x6b: {  	p1 =	sne.s32 s25, s11;
	[sflag:s26] =	ssyncset.done @p0 $0x0  }
.Ltmp1:
0x6c: {  	[sflag:s26] =	ssyncadd.s32 @p0 $0xFFFFDF80;
	s26 =	simm.s32 @!p0 $0x3;
	(pc) =	sbr.rel @p1 .LBB2_1-.Ltmp1, $4  }
0x6d: {  	[hbm:s9], [sflag:s15] =	dma.local @!p0 [spmem:s16], $0x2780  }
0x6e: {  	_ =	swait.ge @!p0 [sflag:s26], $0x2780  }
0x6f: {  	[sflag:s26] =	ssyncset.done @!p0 $0x0  }
0x70: {  	[sflag:s26] =	ssyncadd.s32 @!p0 $0xFFFFD880  }
0x71: {  	_ =	sfence.sel $0x180000  }
0x72: {  	[bflag:$0x0] =	sbarrier.arrive $0xFFFF  }
0x73: {  	p0 =	sne.s32 s0, $0x0;
	_ =	strace $0x9000004A  }
0x74: {  	s0 =	sadd.s32 @!p0 $0x100000, s1;
	[bflag:$0x2] =	sbarrier.arrive $0xFFFF  }
0x75: {  	[sflag:s0] =	ssyncadd.tile.s32 @!p0 $0x1;
	_ =	shalt  }
.Lfunc_end2:
_tile_overlayer_lowered:
.L_overlay_start_2:
0x76: {  	(tag) =	ssettag $0x2  }
0x77: {  	s0 =	rddreg [dreg:$0x0];
	s2 =	stileid.u32  }
0x78: {  	s1 =	rddreg [dreg:$0x1];
	p0 =	sne.s32 s2, $0x0  }
0x79: {  	s3 =	rddreg [dreg:$0x2];
	[bflag:$0x3] =	sbarrier.arrive $0xFFFF;
	s2 =	simm.s32 @!p0 $0x1C03  }
0x7a: {  	[timem:s3], [sflag:s2] =	dma.local @!p0 [hbm:s0], s1  }
0x7b: {  	s0 =	simm.s32 @!p0 $0x3  }
0x7c: {  	_ =	swait.ge @!p0 [sflag:s0], s1  }
0x7d: {  	s1 =	ssub.s32 @!p0 $0x0, s1;
	[sflag:s0] =	ssyncset.done @!p0 $0x0  }
0x7e: {  	[sflag:s0] =	ssyncadd.s32 @!p0 s1  }
0x7f: {  	[bflag:$0x3] =	sbarrier.arrive $0xFFFF  }
0x80: {  	_ =	shalt  }

// kernel: kernel.16.cloned.1.call-start
scs
__scs_entry_jumppad:
0x0: {  	(pc) =	sbr.rel $0x88, $3  }
0x1: {  	(tag) =	ssettag $0x0;
	lr =	simm.s32 $0x1  }
0x2: {  	[smem:$0x3F97] =	sst lr;
	_ =	strace $0xD0000000  }
0x3: {  	_ = 	snop  }
0x4: {  	_ = 	snop  }
0x5: {  	_ = 	snop  }
0x6: {  	_ = 	snop  }
0x7: {  	_ = 	snop  }
__scs_overlays_trampoline_lowered:
0x8: {  	[smem:$0x3FA6] =	sst s0  }
0x9: {  	[smem:$0x3FA7] =	sst s1  }
0xa: {  	[smem:$0x3FA8] =	sst s2  }
0xb: {  	[smem:$0x3FA9] =	sst s3  }
0xc: {  	[smem:$0x3FAA] =	sst s4  }
0xd: {  	[smem:$0x3FAB] =	sst s5  }
0xe: {  	[smem:$0x3FAC] =	sst s6  }
0xf: {  	[smem:$0x3FAD] =	sst s7  }
0x10: {  	[smem:$0x3FAE] =	sst s8  }
0x11: {  	[smem:$0x3FAF] =	sst s9;
	s0 =	simm.s32 @!p0 $0x0  }
0x12: {  	s1 =	sld [smem:$0x3F95];
	s0 =	simm.s32 @p0 $0x1  }
0x13: {  	[smem:$0x3FB0] =	sst s0;
	s0 =	simm.s32 @!p1 $0x0  }
0x14: {  	s2 =	sld [smem:$0x3F94];
	s0 =	simm.s32 @p1 $0x1  }
0x15: {  	[smem:$0x3FB1] =	sst s0;
	s0 =	simm.s32 @!p2 $0x0  }
0x16: {  	s3 =	sld [smem:$0x3FDB];
	s0 =	simm.s32 @p2 $0x1  }
0x17: {  	s4 =	simm.s32 $0x1BF5;
	[smem:$0x3FB3] =	sst s0  }
0x18: {  	s0 =	sld [smem:$0x3F96];
	_ =	swait.ge [sflag:s4], $0x0  }
0x19: {  	s7 =	sld [smem:$0x3F97]  }
0x1a: {  	s8 =	sadd.s32 $0xFFFFE003, lr  }
0x1b: {  	s9 =	sadd.s32 $0xFFFFFEF7, lr;
	s5 =	simm.s32 $0xFFFFFFFF;
	p2 =	slt.u32 s8, $0xFFFFF086  }
0x1c: {  	p1 =	slt.u32 s9, $0xF7A;
	s5 =	simm.s32 @!p2 $0x0  }
0x1d: {  	s5 =	simm.s32 @p1 $0x1;
	p0 =	seq.s32 s7, s2  }
0x1e: {  	s7 =	smul.u32 @!p0 $0xF7A, s2;
	p2 =	seq.s32 @!p0 s5, $0x0  }
0x1f: {  	s9 =	smul.u32 $0xF7A, s1;
	s8 =	simm.s32 @!p0 $0x1BF5;
	p2 =	por !p2, p0  }
0x20: {  	[sflag:s8] =	ssyncset.s32 @!p0 $0xFFFFF086;
	s6 =	sadd.s32 @!p0 s3, s7;
	s7 =	simm.s32 @!p0 $0x108  }
0x21: {  	s3 =	sadd.s32 s3, s9;
	s6 =	sadd.s32 @!p0 $0x88, s6;
	s7 =	simm.s32 @p2 $0x1082  }
0x22: {  	[simem:s7], [sflag:s8] =	dma.local @!p0 [hbm:s6], $0xF7A  }
0x23: {  	s9 =	sor.u32 $0xD0000000, s2;
	s6 =	simm.s32 $0x108;
	_ =	swait.ge @!p0 [sflag:s8], $0x0  }
0x24: {  	s3 =	sadd.s32 $0x88, s3;
	s6 =	simm.s32 @!p1 $0x1082;
	[sflag:s4] =	ssyncset.s32 $0xFFFFF086  }
0x25: {  	[simem:s6], [sflag:s4] =	dma.local [hbm:s3], $0xF7A  }
0x26: {  	[smem:$0x3F97] =	sst s1;
	(tag) =	ssettag s2;
	_ =	strace s9  }
0x27: {  	s1 =	sld [smem:$0x3FA7]  }
0x28: {  	s2 =	sld [smem:$0x3FA8]  }
0x29: {  	s4 =	sld [smem:$0x3FAA]  }
0x2a: {  	p0 =	seq.s32 s5, $0x0;
	s5 =	sld [smem:$0x3FAB]  }
0x2b: {  	s6 =	sld [smem:$0x3FAC]  }
0x2c: {  	s7 =	sld [smem:$0x3FAD]  }
0x2d: {  	s3 =	simm.s32 $0x108;
	s8 =	sld [smem:$0x3FAE]  }
0x2e: {  	s3 =	simm.s32 @!p0 $0x1082;
	s9 =	sld [smem:$0x3FAF]  }
0x2f: {  	lr =	sadd.s32 s0, s3;
	s0 =	sld [smem:$0x3FA6]  }
0x30: {  	s3 =	sld [smem:$0x3FA9]  }
0x31: {  	[smem:$0x3FB2] =	sst s10  }
0x32: {  	s10 =	sld [smem:$0x3FB0];
	_ =	sdelay $0x3  }
0x33: {  	p0 =	seq.s32 s10, $0x1;
	s10 =	sld [smem:$0x3FB2];
	_ =	sdelay $0x3  }
0x34: {  	[smem:$0x3FB2] =	sst s10  }
0x35: {  	s10 =	sld [smem:$0x3FB1];
	_ =	sdelay $0x3  }
0x36: {  	p1 =	seq.s32 s10, $0x1;
	s10 =	sld [smem:$0x3FB2];
	_ =	sdelay $0x3  }
0x37: {  	[smem:$0x3FB2] =	sst s10  }
0x38: {  	s10 =	sld [smem:$0x3FB3]  }
0x39: {  	_ = 	snop;
	(pc) =	sbr.ind lr, $3  }
0x3a: {  	_ = 	snop  }
0x3b: {  	_ = 	snop  }
0x3c: {  	p2 =	seq.s32 s10, $0x1;
	s10 =	sld [smem:$0x3FB2]  }
0x3d: {  	_ =	shalt  }
0x3e: {  	_ =	shalt  }
0x3f: {  	_ =	shalt  }
0x40: {  	_ =	shalt  }
0x41: {  	_ =	shalt  }
0x42: {  	_ =	shalt  }
0x43: {  	_ =	shalt  }
0x44: {  	_ =	shalt  }
0x45: {  	_ =	shalt  }
0x46: {  	_ =	shalt  }
0x47: {  	_ =	shalt  }
0x48: {  	_ =	shalt  }
0x49: {  	_ =	shalt  }
0x4a: {  	_ =	shalt  }
0x4b: {  	_ =	shalt  }
0x4c: {  	_ =	shalt  }
0x4d: {  	_ =	shalt  }
0x4e: {  	_ =	shalt  }
0x4f: {  	_ =	shalt  }
0x50: {  	_ =	shalt  }
0x51: {  	_ =	shalt  }
0x52: {  	_ =	shalt  }
0x53: {  	_ =	shalt  }
0x54: {  	_ =	shalt  }
0x55: {  	_ =	shalt  }
0x56: {  	_ =	shalt  }
0x57: {  	_ =	shalt  }
0x58: {  	_ =	shalt  }
0x59: {  	_ =	shalt  }
0x5a: {  	_ =	shalt  }
0x5b: {  	_ =	shalt  }
0x5c: {  	_ =	shalt  }
0x5d: {  	_ =	shalt  }
0x5e: {  	_ =	shalt  }
0x5f: {  	_ =	shalt  }
0x60: {  	_ =	shalt  }
0x61: {  	_ =	shalt  }
0x62: {  	_ =	shalt  }
0x63: {  	_ =	shalt  }
0x64: {  	_ =	shalt  }
0x65: {  	_ =	shalt  }
0x66: {  	_ =	shalt  }
0x67: {  	_ =	shalt  }
0x68: {  	_ =	shalt  }
0x69: {  	_ =	shalt  }
0x6a: {  	_ =	shalt  }
0x6b: {  	_ =	shalt  }
0x6c: {  	_ =	shalt  }
0x6d: {  	_ =	shalt  }
0x6e: {  	_ =	shalt  }
0x6f: {  	_ =	shalt  }
0x70: {  	_ =	shalt  }
0x71: {  	_ =	shalt  }
0x72: {  	_ =	shalt  }
0x73: {  	_ =	shalt  }
0x74: {  	_ =	shalt  }
0x75: {  	_ =	shalt  }
0x76: {  	_ =	shalt  }
0x77: {  	_ =	shalt  }
0x78: {  	_ =	shalt  }
0x79: {  	_ =	shalt  }
0x7a: {  	_ =	shalt  }
0x7b: {  	_ =	shalt  }
0x7c: {  	_ =	shalt  }
0x7d: {  	_ =	shalt  }
0x7e: {  	_ =	shalt  }
0x7f: {  	_ =	shalt  }
0x80: {  	_ =	shalt  }
0x81: {  	_ =	shalt  }
0x82: {  	_ =	shalt  }
0x83: {  	_ =	shalt  }
0x84: {  	_ =	shalt  }
0x85: {  	_ =	shalt  }
0x86: {  	_ =	shalt  }
0x87: {  	_ =	shalt  }
.Lfunc_end0:
.L_simem_size_0:
called_computation.2_lowered:
.L_overlay_start_0:
0x88: {  	s2 =	sld [smem:$0x3FD9]  }
0x89: {  	s3 =	sld [smem:$0x3FFE];
	_ =	sdelay $0x1  }
0x8a: {  	s1 =	srdreg.scid  }
0x8b: {  	s0 =	sand.u32 $0x1, s1  }
0x8c: {  	s16 =	sshll.u32 s0, $0xA;
	s2 =	sadd.s32 s3, s2  }
0x8d: {  	s2 =	sadd.s32 s2, s16  }
0x8e: {  	[smem:$0x3FBE] =	sst s2  }
0x8f: {  	_ = 	snop  }
0x90: {  	(tm) =	ssettm $0x1  }
0x91: {  	s17 =	sld [smem:$0x3FFB];
	_ =	sdelay $0x3  }
0x92: {  	_ =	strace s17  }
0x93: {  	s2 =	sld [smem:$0x3FFC];
	_ =	sdelay $0x3  }
0x94: {  	_ =	strace s2  }
0x95: {  	s2 =	sld [smem:$0x3FFD];
	_ =	sdelay $0x3  }
0x96: {  	_ =	strace s2  }
0x97: {  	_ =	strace $0x8FFFFFFF  }
0x98: {  	s18 =	sld [smem:$0x3FDB];
	_ =	sdelay $0x1  }
0x99: {  	s19 =	simm.s32 $_scs_section_size  }
0x9a: {  	s4 =	simm.s32 $_size__tile_overlayer_lowered;
	s5 =	simm.s32 $_tile_overlayer_lowered  }
0x9b: {  	s22 =	simm.s32 $0x1BFF;
	s21 =	sshll.u32 s5, $0x1;
	s2 =	sadd.s32 s19, s18  }
0x9c: {  	s6 =	simm.s32 $0x0;
	s20 =	sshll.u32 s4, $0x1;
	s4 =	sadd.s32 s21, s2  }
0x9d: {  	[timem:s6], [sflag:s22] =	dma.local [hbm:s4], s20  }
0x9e: {  	_ =	swait.ge [sflag:s22], s20  }
0x9f: {  	s3 =	ssub.s32 $0x0, s20;
	[sflag:s22] =	ssyncset.done $0x0  }
0xa0: {  	[sflag:s22] =	ssyncadd.s32 s3;
	_ =	sdelay $0x1  }
0xa1: {  	s23 =	simm.s32 $0x1B8B  }
0xa2: {  	_ =	swait.ge [sflag:s23], $0x1  }
0xa3: {  	[sflag:s23] =	ssyncset.done $0x0  }
0xa4: {  	s25 =	simm.s32 $0x1B8E;
	s24 =	sld [smem:$0x3FFE];
	[sflag:s23] =	ssyncadd.s32 $0xFFFFFFFF  }
0xa5: {  	s26 =	simm.s32 $execute0_lowered;
	[smem:$0x3FD2] =	sst s25  }
0xa6: {  	s4 =	sshll.u32 s26, $0x1;
	_ =	strace $0x8000004C;
	[dreg:$0x1] =	wrdreg $0xFFFFFFFF  }
0xa7: {  	s28 =	simm.s32 $_size_execute0_lowered;
	s2 =	sadd.s32 s2, s4;
	[dreg:$0x0] =	wrdreg $0x0  }
0xa8: {  	s4 =	sshll.u32 s28, $0x1;
	[dreg:$0x2] =	wrdreg s2  }
0xa9: {  	[dreg:$0x3] =	wrdreg s4  }
0xaa: {  	[dreg:$0x4] =	wrdreg $0xC0  }
0xab: {  	_ =	task [dreg:s6], $0x5FFFF  }
0xac: {  	[dreg:$0x1] =	wrdreg $0xFFFFFFFF  }
0xad: {  	[dreg:$0x0] =	wrdreg $0x60  }
0xae: {  	[dreg:$0x2] =	wrdreg s24  }
0xaf: {  	[dreg:$0x3] =	wrdreg $0x90000  }
0xb0: {  	[dreg:$0x4] =	wrdreg $0x9  }
0xb1: {  	_ =	task.clear_ibuf [dreg:s6], $0x5FFFF;
	_ =	strace $0x9000004C  }
0xb2: {  	s29 =	simm.s32 $0x9;
	_ =	strace $0x8000004E  }
0xb3: {  	_ =	swait.ge [sflag:s29], $0x1  }
0xb4: {  	[sflag:s29] =	ssyncadd.s32 $0xFFFFFFFF  }
0xb5: {  	_ =	strace $0x9000004E  }
0xb6: {  	_ =	sfence  }
0xb7: {  	s30 =	sld [smem:$0x0];
	_ =	sdelay $0x2  }
0xb8: {  	s31 =	sshll.u32 s1, $0xD;
	s1 =	sshrl.u32 s1, $0x2  }
0xb9: {  	s3 =	sand.u32 $0x4000, s31;
	s1 =	sadd.s32 s1, s30  }
0xba: {  	s0 =	sor.u32 s3, s0;
	s1 =	sshll.u32 s1, $0x11  }
0xbb: {  	s0 =	sor.u32 s1, s0  }
0xbc: {  	s0 =	sadd.s32 $0x8F2B, s0  }
0xbd: {  	[sflag:s0] =	ssyncadd.remote.s32 $0x1  }
0xbe: {  	_ =	sfence.sel $0xFFFF  }
0xbf: {  	[dreg:$0x0] =	wrdreg $0xFFFFFFFF;
	(pc) =	sbr.abs _section_cstart, $3  }
0xc0: {  	[dreg:$0x1] =	wrdreg $0xFFFFFFFF  }
0xc1: {  	_ =	task.clear_ibuf [dreg:s6], $0x2FFFF;
	_ =	strace $0x9FFFFFFF  }
0xc2: {  	(tm) =	ssettm $0x7FFFFFFF  }
0xc3: {  	_ =	shalt  }
tec
execute0_lowered:
.L_overlay_start_1:
0x0: {  	(tag) =	ssettag $0x1  }
0x1: {  	s0 =	srdreg.scid;
	s8 =	rddreg [dreg:$0x0]  }
0x2: {  	s2 =	rddreg [dreg:$0x1];
	s3 =	simm.s32 $0x0;
	s17 =	simm.s32 $0x40  }
0x3: {  	s18 =	simm.s32 $0x5000;
	s19 =	simm.s32 $0x7000;
	s20 =	simm.s32 $0x1  }
0x4: {  	s21 =	simm.s32 $0x2;
	s22 =	simm.s32 $0x2740;
	s23 =	simm.s32 $0x4F00  }
0x5: {  	s24 =	simm.s32 $0x4F40;
	s5 =	sand.u32 $0x1, s0;
	s0 =	stileid.u32  }
0x6: {  	s25 =	simm.s32 $0x0;
	[smem:$0x7FF] =	sst s3;
	s7 =	smul.u32 $0x2780, s0  }
0x7: {  	s13 =	sadd.s32 $0xB3200, s8;
	s14 =	sadd.s32 $0x128400, s2;
	s10 =	smul.u32 $0x4F000, s0  }
0x8: {  	s1 =	sshll.u32 s5, $0x4;
	s9 =	ssub.s32 $0x2, s5;
	s12 =	smul.u32 $0x138800, s5  }
0x9: {  	s30 =	smul.u32 $0x13C00, s0;
	p0 =	seq.s32 s0, $0xF;
	s4 =	sor.u32 s0, s1  }
0xa: {  	s1 =	rddreg [dreg:$0x2];
	_ =	strace $0x8000004D;
	s11 =	sshrl.u32 s9, $0x1  }
0xb: {  	s15 =	sshll.u32 @!p0 s0, $0x6;
	s14 =	sshrl.u32 @p0 s14, $0x3;
	s4 =	smul.u32 $0x500, s4  }
0xc: {  	s7 =	sadd.s32 s7, s8;
	s11 =	ssub.s32 s9, s11;
	s10 =	sshrl.u32 s10, $0x2  }
0xd: {  	s9 =	sadd.s32 s30, s12;
	s31 =	sshrl.u32 s12, $0x3;
	s12 =	simm.s32 $0x3  }
0xe: {  	s15 =	sor.u32 @!p0 $0x1C03, s15;
	s16 =	sadd.s32 s10, s2;
	s7 =	sadd.s32 $0xCC00, s7  }
0xf: {  	s9 =	sshrl.u32 s9, $0x3;
	s10 =	sadd.s32 s13, s31;
	s11 =	smax.u32 s11, $0x1  }
0x10: {  	s6 =	sadd.s32 s4, s8;
	s4 =	sadd.s32 $0x8C000, s8;
	s8 =	sadd.s32 $0x31C80, s8  }
0x11: {  	s9 =	sadd.s32 s13, s9;
	s10 =	sadd.s32 $0x25080, s10;
	s13 =	simm.s32 $0x2800  }
0x12: {  	s16 =	sshrl.u32 @!p0 s16, $0x3;
	s5 =	sadd.s32 $0x82000, s6;
	s6 =	sadd.s32 $0x2C00, s6  }
.LBB2_1:
0x13: {  	[tilespmem:s3], [sflag:$0x3] =	stream.linear.gather [hbm4b:s5+s3], $0x2780, $0x38;
	[tilespmem:$0x1C8C0] =	vst v63  }
0x14: {  	_ =	swait.ge [sflag:s12], $0x2780  }
0x15: {  	[sflag:s12] =	ssyncset.done $0x0  }
0x16: {  	[sflag:s12] =	ssyncadd.s32 $0xFFFFD880  }
0x17: {  	[tilespmem:s13], [sflag:$0x3] =	stream.linear.gather [hbm4b:s6+s3], $0x2780, $0x38;
	[tilespmem:$0x1C8C0] =	vst v63  }
0x18: {  	_ =	swait.ge [sflag:s12], $0x2780  }
0x19: {  	[sflag:s12] =	ssyncset.done $0x0  }
0x1a: {  	s26 =	simm.s32 @p0 $0x1FC3;
	[sflag:s12] =	ssyncadd.s32 $0xFFFFD880  }
0x1b: {  	[spmem:s14], [sflag:s26] =	dma.local @p0 [hbm:s8], $0x2080  }
0x1c: {  	s26 =	simm.s32 @p0 $0x3  }
0x1d: {  	_ =	swait.ge @p0 [sflag:s26], $0x2080  }
0x1e: {  	[sflag:s26] =	ssyncset.done @p0 $0x0  }
0x1f: {  	[sflag:s26] =	ssyncadd.s32 @p0 $0xFFFFDF80;
	s26 =	simm.s32 @!p0 $0x3  }
0x20: {  	[spmem:s16], [sflag:s15] =	dma.local @!p0 [hbm:s7], $0x2780  }
0x21: {  	_ =	swait.ge @!p0 [sflag:s26], $0x2780  }
0x22: {  	[sflag:s26] =	ssyncset.done @!p0 $0x0  }
0x23: {  	[sflag:s26] =	ssyncadd.s32 @!p0 $0xFFFFD880  }
0x24: {  	[bflag:$0x0] =	sbarrier.arrive $0xFFFF  }
0x25: {  	[tilespmem:s18], [sflag:$0x1] =	stream.indirect.gather [hbm4b:s4+s17], $0x80, s3, s17, $0xb8;
	[tilespmem:$0x1C8C0] =	vst v63  }
0x26: {  	s31 =	simm.s32 $0x40  }
0x27: {  	[tilespmem:s19], [sflag:$0x2] =	stream.indirect.gather [hbm4b:s4+s17], $0x80, s31, s17, $0xb8;
	[tilespmem:$0x1C8C0] =	vst v63  }
0x28: {  	_ =	swait.ge [sflag:s20], $0x2000  }
0x29: {  	[sflag:s20] =	ssyncset.done $0x0  }
0x2a: {  	s29 =	simm.s32 $0x2800;
	[sflag:s20] =	ssyncadd.s32 $0xFFFFE000  }
0x2b: {  	[spmem:s2] =	stream.indirect.scatter.add.f32 [tilespmem:s18], [sflag:$0x3], $0x80, s29, s17, $0xb8;
	[tilespmem:$0x1C8C0] =	vst v63  }
0x2c: {  	_ =	swait.ge [sflag:s12], $0x2000  }
0x2d: {  	[sflag:s12] =	ssyncset.done $0x0  }
0x2e: {  	s30 =	simm.s32 $0x80;
	[sflag:s12] =	ssyncadd.s32 $0xFFFFE000  }
0x2f: {  	[tilespmem:s18], [sflag:$0x1] =	stream.indirect.gather [hbm4b:s4+s17], $0x80, s30, s17, $0xb8;
	[tilespmem:$0x1C8C0] =	vst v63  }
0x30: {  	_ =	swait.ge [sflag:s21], $0x2000  }
0x31: {  	[sflag:s21] =	ssyncset.done $0x0  }
0x32: {  	s31 =	simm.s32 $0x2840;
	[sflag:s21] =	ssyncadd.s32 $0xFFFFE000  }
0x33: {  	[spmem:s2] =	stream.indirect.scatter.add.f32 [tilespmem:s19], [sflag:$0x3], $0x80, s31, s17, $0xb8;
	[tilespmem:$0x1C8C0] =	vst v63  }
0x34: {  	_ =	swait.ge [sflag:s12], $0x2000  }
0x35: {  	s28 =	simm.s32 $0x400;
	s26 =	simm.s32 $0x80;
	[sflag:s12] =	ssyncset.done $0x0  }
.LBB2_2:
0x36: {  	s29 =	sadd.s32 $0x40, s26  }
0x37: {  	[sflag:s12] =	ssyncadd.s32 $0xFFFFE000;
	s30 =	smov.u32 s28;
	s31 =	sadd.s32 $0x200, s28  }
0x38: {  	[tilespmem:s19], [sflag:$0x2] =	stream.indirect.gather [hbm4b:s4+s17], $0x80, s29, s17, $0xb8;
	[tilespmem:$0x1C8C0] =	vst v63  }
0x39: {  	p1 =	sne.s32 s28, $0x9A00;
	_ =	swait.ge [sflag:s20], $0x2000  }
0x3a: {  	[sflag:s20] =	ssyncset.done $0x0  }
0x3b: {  	s28 =	sadd.s32 $0x2800, s26;
	[sflag:s20] =	ssyncadd.s32 $0xFFFFE000  }
0x3c: {  	[spmem:s2] =	stream.indirect.scatter.add.f32 [tilespmem:s18], [sflag:$0x3], $0x80, s28, s17, $0xb8;
	[tilespmem:$0x1C8C0] =	vst v63  }
0x3d: {  	_ =	swait.ge [sflag:s12], $0x2000  }
0x3e: {  	[sflag:s12] =	ssyncset.done $0x0  }
0x3f: {  	s28 =	sadd.s32 $0x80, s26;
	[sflag:s12] =	ssyncadd.s32 $0xFFFFE000  }
0x40: {  	[tilespmem:s18], [sflag:$0x1] =	stream.indirect.gather [hbm4b:s4+s17], $0x80, s28, s17, $0xb8;
	[tilespmem:$0x1C8C0] =	vst v63  }
0x41: {  	_ =	swait.ge [sflag:s21], $0x2000  }
.Ltmp0:
0x42: {  	[sflag:s21] =	ssyncset.done $0x0;
	(pc) =	sbr.rel @p1 .LBB2_2-.Ltmp0, $4  }
0x43: {  	s26 =	sadd.s32 $0x2840, s26;
	[sflag:s21] =	ssyncadd.s32 $0xFFFFE000  }
0x44: {  	[spmem:s2] =	stream.indirect.scatter.add.f32 [tilespmem:s19], [sflag:$0x3], $0x80, s26, s17, $0xb8;
	[tilespmem:$0x1C8C0] =	vst v63  }
0x45: {  	_ =	swait.ge [sflag:s12], $0x2000  }
0x46: {  	s28 =	smov.u32 s31;
	s26 =	sshra.s32 s30, $0x2;
	[sflag:s12] =	ssyncset.done $0x0  }
0x47: {  	s28 =	sadd.s32 $0x40, s26;
	[sflag:s12] =	ssyncadd.s32 $0xFFFFE000  }
0x48: {  	[tilespmem:s19], [sflag:$0x2] =	stream.indirect.gather [hbm4b:s4+s17], $0x80, s28, s17, $0xb8;
	[tilespmem:$0x1C8C0] =	vst v63  }
0x49: {  	_ =	swait.ge [sflag:s20], $0x2000  }
0x4a: {  	[sflag:s20] =	ssyncset.done $0x0  }
0x4b: {  	s29 =	sadd.s32 $0x2800, s26;
	[sflag:s20] =	ssyncadd.s32 $0xFFFFE000  }
0x4c: {  	[spmem:s2] =	stream.indirect.scatter.add.f32 [tilespmem:s18], [sflag:$0x3], $0x80, s29, s17, $0xb8;
	[tilespmem:$0x1C8C0] =	vst v63  }
0x4d: {  	_ =	swait.ge [sflag:s12], $0x2000  }
0x4e: {  	[sflag:s12] =	ssyncset.done $0x0  }
0x4f: {  	s30 =	sadd.s32 $0x80, s26;
	[sflag:s12] =	ssyncadd.s32 $0xFFFFE000  }
0x50: {  	[tilespmem:s18], [sflag:$0x1] =	stream.indirect.gather [hbm4b:s4+s17], $0x80, s30, s17, $0xb8;
	[tilespmem:$0x1C8C0] =	vst v63  }
0x51: {  	_ =	swait.ge [sflag:s21], $0x2000  }
0x52: {  	[sflag:s21] =	ssyncset.done $0x0  }
0x53: {  	s31 =	sadd.s32 $0x2840, s26;
	[sflag:s21] =	ssyncadd.s32 $0xFFFFE000  }
0x54: {  	[spmem:s2] =	stream.indirect.scatter.add.f32 [tilespmem:s19], [sflag:$0x3], $0x80, s31, s17, $0xb8;
	[tilespmem:$0x1C8C0] =	vst v63  }
0x55: {  	_ =	swait.ge [sflag:s12], $0x2000  }
0x56: {  	[sflag:s12] =	ssyncset.done $0x0  }
0x57: {  	[sflag:s12] =	ssyncadd.s32 $0xFFFFE000  }
0x58: {  	[tilespmem:s19], [sflag:$0x2] =	stream.indirect.gather [hbm4b:s4+s17], $0x80, s22, s17, $0xb8;
	[tilespmem:$0x1C8C0] =	vst v63  }
0x59: {  	_ =	swait.ge [sflag:s20], $0x2000  }
0x5a: {  	[sflag:s20] =	ssyncset.done $0x0  }
0x5b: {  	[sflag:s20] =	ssyncadd.s32 $0xFFFFE000  }
0x5c: {  	[spmem:s2] =	stream.indirect.scatter.add.f32 [tilespmem:s18], [sflag:$0x3], $0x80, s23, s17, $0xb8;
	[tilespmem:$0x1C8C0] =	vst v63  }
0x5d: {  	_ =	swait.ge [sflag:s12], $0x2000  }
0x5e: {  	[sflag:s12] =	ssyncset.done $0x0  }
0x5f: {  	[sflag:s12] =	ssyncadd.s32 $0xFFFFE000  }
0x60: {  	_ =	swait.ge [sflag:s21], $0x2000  }
0x61: {  	[sflag:s21] =	ssyncset.done $0x0  }
0x62: {  	[sflag:s21] =	ssyncadd.s32 $0xFFFFE000  }
0x63: {  	[spmem:s2] =	stream.indirect.scatter.add.f32 [tilespmem:s19], [sflag:$0x3], $0x80, s24, s17, $0xb8;
	[tilespmem:$0x1C8C0] =	vst v63  }
0x64: {  	_ =	swait.ge [sflag:s12], $0x2000  }
0x65: {  	[sflag:s12] =	ssyncset.done $0x0  }
0x66: {  	[sflag:s12] =	ssyncadd.s32 $0xFFFFE000  }
0x67: {  	s26 =	simm.s32 @p0 $0x1FC3;
	[bflag:$0x0] =	sbarrier.arrive $0xFFFF  }
0x68: {  	[hbm:s10], [sflag:s26] =	dma.local @p0 [spmem:s14], $0x2080  }
0x69: {  	s26 =	simm.s32 @p0 $0x3  }
0x6a: {  	s25 =	sadd.s32 $0x1, s25;
	_ =	swait.ge @p0 [sflag:s26], $0x2080  }
0x6b: {  	p1 =	sne.s32 s25, s11;
	[sflag:s26] =	ssyncset.done @p0 $0x0  }
.Ltmp1:
0x6c: {  	[sflag:s26] =	ssyncadd.s32 @p0 $0xFFFFDF80;
	s26 =	simm.s32 @!p0 $0x3;
	(pc) =	sbr.rel @p1 .LBB2_1-.Ltmp1, $4  }
0x6d: {  	[hbm:s9], [sflag:s15] =	dma.local @!p0 [spmem:s16], $0x2780  }
0x6e: {  	_ =	swait.ge @!p0 [sflag:s26], $0x2780  }
0x6f: {  	[sflag:s26] =	ssyncset.done @!p0 $0x0  }
0x70: {  	[sflag:s26] =	ssyncadd.s32 @!p0 $0xFFFFD880  }
0x71: {  	_ =	sfence.sel $0x180000  }
0x72: {  	[bflag:$0x0] =	sbarrier.arrive $0xFFFF  }
0x73: {  	p0 =	sne.s32 s0, $0x0;
	_ =	strace $0x9000004D  }
0x74: {  	s0 =	sadd.s32 @!p0 $0x100000, s1;
	[bflag:$0x2] =	sbarrier.arrive $0xFFFF  }
0x75: {  	[sflag:s0] =	ssyncadd.tile.s32 @!p0 $0x1;
	_ =	shalt  }
.Lfunc_end2:
_tile_overlayer_lowered:
.L_overlay_start_2:
0x76: {  	(tag) =	ssettag $0x2  }
0x77: {  	s0 =	rddreg [dreg:$0x0];
	s2 =	stileid.u32  }
0x78: {  	s1 =	rddreg [dreg:$0x1];
	p0 =	sne.s32 s2, $0x0  }
0x79: {  	s3 =	rddreg [dreg:$0x2];
	[bflag:$0x3] =	sbarrier.arrive $0xFFFF;
	s2 =	simm.s32 @!p0 $0x1C03  }
0x7a: {  	[timem:s3], [sflag:s2] =	dma.local @!p0 [hbm:s0], s1  }
0x7b: {  	s0 =	simm.s32 @!p0 $0x3  }
0x7c: {  	_ =	swait.ge @!p0 [sflag:s0], s1  }
0x7d: {  	s1 =	ssub.s32 @!p0 $0x0, s1;
	[sflag:s0] =	ssyncset.done @!p0 $0x0  }
0x7e: {  	[sflag:s0] =	ssyncadd.s32 @!p0 s1  }
0x7f: {  	[bflag:$0x3] =	sbarrier.arrive $0xFFFF  }
0x80: {  	_ =	shalt  }

// kernel: kernel.19.cloned.1.call-start
scs
__scs_entry_jumppad:
0x0: {  	(pc) =	sbr.rel $0x88, $3  }
0x1: {  	(tag) =	ssettag $0x0;
	lr =	simm.s32 $0x1  }
0x2: {  	[smem:$0x3F97] =	sst lr;
	_ =	strace $0xD0000000  }
0x3: {  	_ = 	snop  }
0x4: {  	_ = 	snop  }
0x5: {  	_ = 	snop  }
0x6: {  	_ = 	snop  }
0x7: {  	_ = 	snop  }
__scs_overlays_trampoline_lowered:
0x8: {  	[smem:$0x3FA6] =	sst s0  }
0x9: {  	[smem:$0x3FA7] =	sst s1  }
0xa: {  	[smem:$0x3FA8] =	sst s2  }
0xb: {  	[smem:$0x3FA9] =	sst s3  }
0xc: {  	[smem:$0x3FAA] =	sst s4  }
0xd: {  	[smem:$0x3FAB] =	sst s5  }
0xe: {  	[smem:$0x3FAC] =	sst s6  }
0xf: {  	[smem:$0x3FAD] =	sst s7  }
0x10: {  	[smem:$0x3FAE] =	sst s8  }
0x11: {  	[smem:$0x3FAF] =	sst s9;
	s0 =	simm.s32 @!p0 $0x0  }
0x12: {  	s1 =	sld [smem:$0x3F95];
	s0 =	simm.s32 @p0 $0x1  }
0x13: {  	[smem:$0x3FB0] =	sst s0;
	s0 =	simm.s32 @!p1 $0x0  }
0x14: {  	s2 =	sld [smem:$0x3F94];
	s0 =	simm.s32 @p1 $0x1  }
0x15: {  	[smem:$0x3FB1] =	sst s0;
	s0 =	simm.s32 @!p2 $0x0  }
0x16: {  	s3 =	sld [smem:$0x3FDB];
	s0 =	simm.s32 @p2 $0x1  }
0x17: {  	s4 =	simm.s32 $0x1BF5;
	[smem:$0x3FB3] =	sst s0  }
0x18: {  	s0 =	sld [smem:$0x3F96];
	_ =	swait.ge [sflag:s4], $0x0  }
0x19: {  	s7 =	sld [smem:$0x3F97]  }
0x1a: {  	s8 =	sadd.s32 $0xFFFFE003, lr  }
0x1b: {  	s9 =	sadd.s32 $0xFFFFFEF7, lr;
	s5 =	simm.s32 $0xFFFFFFFF;
	p2 =	slt.u32 s8, $0xFFFFF086  }
0x1c: {  	p1 =	slt.u32 s9, $0xF7A;
	s5 =	simm.s32 @!p2 $0x0  }
0x1d: {  	s5 =	simm.s32 @p1 $0x1;
	p0 =	seq.s32 s7, s2  }
0x1e: {  	s7 =	smul.u32 @!p0 $0xF7A, s2;
	p2 =	seq.s32 @!p0 s5, $0x0  }
0x1f: {  	s9 =	smul.u32 $0xF7A, s1;
	s8 =	simm.s32 @!p0 $0x1BF5;
	p2 =	por !p2, p0  }
0x20: {  	[sflag:s8] =	ssyncset.s32 @!p0 $0xFFFFF086;
	s6 =	sadd.s32 @!p0 s3, s7;
	s7 =	simm.s32 @!p0 $0x108  }
0x21: {  	s3 =	sadd.s32 s3, s9;
	s6 =	sadd.s32 @!p0 $0x88, s6;
	s7 =	simm.s32 @p2 $0x1082  }
0x22: {  	[simem:s7], [sflag:s8] =	dma.local @!p0 [hbm:s6], $0xF7A  }
0x23: {  	s9 =	sor.u32 $0xD0000000, s2;
	s6 =	simm.s32 $0x108;
	_ =	swait.ge @!p0 [sflag:s8], $0x0  }
0x24: {  	s3 =	sadd.s32 $0x88, s3;
	s6 =	simm.s32 @!p1 $0x1082;
	[sflag:s4] =	ssyncset.s32 $0xFFFFF086  }
0x25: {  	[simem:s6], [sflag:s4] =	dma.local [hbm:s3], $0xF7A  }
0x26: {  	[smem:$0x3F97] =	sst s1;
	(tag) =	ssettag s2;
	_ =	strace s9  }
0x27: {  	s1 =	sld [smem:$0x3FA7]  }
0x28: {  	s2 =	sld [smem:$0x3FA8]  }
0x29: {  	s4 =	sld [smem:$0x3FAA]  }
0x2a: {  	p0 =	seq.s32 s5, $0x0;
	s5 =	sld [smem:$0x3FAB]  }
0x2b: {  	s6 =	sld [smem:$0x3FAC]  }
0x2c: {  	s7 =	sld [smem:$0x3FAD]  }
0x2d: {  	s3 =	simm.s32 $0x108;
	s8 =	sld [smem:$0x3FAE]  }
0x2e: {  	s3 =	simm.s32 @!p0 $0x1082;
	s9 =	sld [smem:$0x3FAF]  }
0x2f: {  	lr =	sadd.s32 s0, s3;
	s0 =	sld [smem:$0x3FA6]  }
0x30: {  	s3 =	sld [smem:$0x3FA9]  }
0x31: {  	[smem:$0x3FB2] =	sst s10  }
0x32: {  	s10 =	sld [smem:$0x3FB0];
	_ =	sdelay $0x3  }
0x33: {  	p0 =	seq.s32 s10, $0x1;
	s10 =	sld [smem:$0x3FB2];
	_ =	sdelay $0x3  }
0x34: {  	[smem:$0x3FB2] =	sst s10  }
0x35: {  	s10 =	sld [smem:$0x3FB1];
	_ =	sdelay $0x3  }
0x36: {  	p1 =	seq.s32 s10, $0x1;
	s10 =	sld [smem:$0x3FB2];
	_ =	sdelay $0x3  }
0x37: {  	[smem:$0x3FB2] =	sst s10  }
0x38: {  	s10 =	sld [smem:$0x3FB3]  }
0x39: {  	_ = 	snop;
	(pc) =	sbr.ind lr, $3  }
0x3a: {  	_ = 	snop  }
0x3b: {  	_ = 	snop  }
0x3c: {  	p2 =	seq.s32 s10, $0x1;
	s10 =	sld [smem:$0x3FB2]  }
0x3d: {  	_ =	shalt  }
0x3e: {  	_ =	shalt  }
0x3f: {  	_ =	shalt  }
0x40: {  	_ =	shalt  }
0x41: {  	_ =	shalt  }
0x42: {  	_ =	shalt  }
0x43: {  	_ =	shalt  }
0x44: {  	_ =	shalt  }
0x45: {  	_ =	shalt  }
0x46: {  	_ =	shalt  }
0x47: {  	_ =	shalt  }
0x48: {  	_ =	shalt  }
0x49: {  	_ =	shalt  }
0x4a: {  	_ =	shalt  }
0x4b: {  	_ =	shalt  }
0x4c: {  	_ =	shalt  }
0x4d: {  	_ =	shalt  }
0x4e: {  	_ =	shalt  }
0x4f: {  	_ =	shalt  }
0x50: {  	_ =	shalt  }
0x51: {  	_ =	shalt  }
0x52: {  	_ =	shalt  }
0x53: {  	_ =	shalt  }
0x54: {  	_ =	shalt  }
0x55: {  	_ =	shalt  }
0x56: {  	_ =	shalt  }
0x57: {  	_ =	shalt  }
0x58: {  	_ =	shalt  }
0x59: {  	_ =	shalt  }
0x5a: {  	_ =	shalt  }
0x5b: {  	_ =	shalt  }
0x5c: {  	_ =	shalt  }
0x5d: {  	_ =	shalt  }
0x5e: {  	_ =	shalt  }
0x5f: {  	_ =	shalt  }
0x60: {  	_ =	shalt  }
0x61: {  	_ =	shalt  }
0x62: {  	_ =	shalt  }
0x63: {  	_ =	shalt  }
0x64: {  	_ =	shalt  }
0x65: {  	_ =	shalt  }
0x66: {  	_ =	shalt  }
0x67: {  	_ =	shalt  }
0x68: {  	_ =	shalt  }
0x69: {  	_ =	shalt  }
0x6a: {  	_ =	shalt  }
0x6b: {  	_ =	shalt  }
0x6c: {  	_ =	shalt  }
0x6d: {  	_ =	shalt  }
0x6e: {  	_ =	shalt  }
0x6f: {  	_ =	shalt  }
0x70: {  	_ =	shalt  }
0x71: {  	_ =	shalt  }
0x72: {  	_ =	shalt  }
0x73: {  	_ =	shalt  }
0x74: {  	_ =	shalt  }
0x75: {  	_ =	shalt  }
0x76: {  	_ =	shalt  }
0x77: {  	_ =	shalt  }
0x78: {  	_ =	shalt  }
0x79: {  	_ =	shalt  }
0x7a: {  	_ =	shalt  }
0x7b: {  	_ =	shalt  }
0x7c: {  	_ =	shalt  }
0x7d: {  	_ =	shalt  }
0x7e: {  	_ =	shalt  }
0x7f: {  	_ =	shalt  }
0x80: {  	_ =	shalt  }
0x81: {  	_ =	shalt  }
0x82: {  	_ =	shalt  }
0x83: {  	_ =	shalt  }
0x84: {  	_ =	shalt  }
0x85: {  	_ =	shalt  }
0x86: {  	_ =	shalt  }
0x87: {  	_ =	shalt  }
.Lfunc_end0:
.L_simem_size_0:
called_computation.3_lowered:
.L_overlay_start_0:
0x88: {  	s2 =	sld [smem:$0x3FD9]  }
0x89: {  	s3 =	sld [smem:$0x3FFE];
	_ =	sdelay $0x1  }
0x8a: {  	s1 =	srdreg.scid  }
0x8b: {  	s0 =	sand.u32 $0x1, s1  }
0x8c: {  	s16 =	sshll.u32 s0, $0xA;
	s2 =	sadd.s32 s3, s2  }
0x8d: {  	s2 =	sadd.s32 s2, s16  }
0x8e: {  	[smem:$0x3FBE] =	sst s2  }
0x8f: {  	_ = 	snop  }
0x90: {  	(tm) =	ssettm $0x1  }
0x91: {  	s17 =	sld [smem:$0x3FFB];
	_ =	sdelay $0x3  }
0x92: {  	_ =	strace s17  }
0x93: {  	s2 =	sld [smem:$0x3FFC];
	_ =	sdelay $0x3  }
0x94: {  	_ =	strace s2  }
0x95: {  	s2 =	sld [smem:$0x3FFD];
	_ =	sdelay $0x3  }
0x96: {  	_ =	strace s2  }
0x97: {  	_ =	strace $0x8FFFFFFF  }
0x98: {  	s18 =	sld [smem:$0x3FDB];
	_ =	sdelay $0x1  }
0x99: {  	s19 =	simm.s32 $_scs_section_size  }
0x9a: {  	s4 =	simm.s32 $_size__tile_overlayer_lowered;
	s5 =	simm.s32 $_tile_overlayer_lowered  }
0x9b: {  	s22 =	simm.s32 $0x1BFF;
	s21 =	sshll.u32 s5, $0x1;
	s2 =	sadd.s32 s19, s18  }
0x9c: {  	s6 =	simm.s32 $0x0;
	s20 =	sshll.u32 s4, $0x1;
	s4 =	sadd.s32 s21, s2  }
0x9d: {  	[timem:s6], [sflag:s22] =	dma.local [hbm:s4], s20  }
0x9e: {  	_ =	swait.ge [sflag:s22], s20  }
0x9f: {  	s3 =	ssub.s32 $0x0, s20;
	[sflag:s22] =	ssyncset.done $0x0  }
0xa0: {  	[sflag:s22] =	ssyncadd.s32 s3;
	_ =	sdelay $0x1  }
0xa1: {  	s23 =	simm.s32 $0x1B8B  }
0xa2: {  	_ =	swait.ge [sflag:s23], $0x1  }
0xa3: {  	[sflag:s23] =	ssyncset.done $0x0  }
0xa4: {  	s25 =	simm.s32 $0x1B8E;
	s24 =	sld [smem:$0x3FFE];
	[sflag:s23] =	ssyncadd.s32 $0xFFFFFFFF  }
0xa5: {  	s26 =	simm.s32 $execute0_lowered;
	[smem:$0x3FD2] =	sst s25  }
0xa6: {  	s4 =	sshll.u32 s26, $0x1;
	_ =	strace $0x8000004F;
	[dreg:$0x1] =	wrdreg $0xFFFFFFFF  }
0xa7: {  	s28 =	simm.s32 $_size_execute0_lowered;
	s2 =	sadd.s32 s2, s4;
	[dreg:$0x0] =	wrdreg $0x0  }
0xa8: {  	s4 =	sshll.u32 s28, $0x1;
	[dreg:$0x2] =	wrdreg s2  }
0xa9: {  	[dreg:$0x3] =	wrdreg s4  }
0xaa: {  	[dreg:$0x4] =	wrdreg $0xC0  }
0xab: {  	_ =	task [dreg:s6], $0x5FFFF  }
0xac: {  	[dreg:$0x1] =	wrdreg $0xFFFFFFFF  }
0xad: {  	[dreg:$0x0] =	wrdreg $0x60  }
0xae: {  	[dreg:$0x2] =	wrdreg s24  }
0xaf: {  	[dreg:$0x3] =	wrdreg $0x50000  }
0xb0: {  	[dreg:$0x4] =	wrdreg $0x9  }
0xb1: {  	_ =	task.clear_ibuf [dreg:s6], $0x5FFFF;
	_ =	strace $0x9000004F  }
0xb2: {  	s29 =	simm.s32 $0x9;
	_ =	strace $0x80000051  }
0xb3: {  	_ =	swait.ge [sflag:s29], $0x1  }
0xb4: {  	[sflag:s29] =	ssyncadd.s32 $0xFFFFFFFF  }
0xb5: {  	_ =	strace $0x90000051  }
0xb6: {  	_ =	sfence  }
0xb7: {  	s30 =	sld [smem:$0x0];
	_ =	sdelay $0x2  }
0xb8: {  	s31 =	sshll.u32 s1, $0xD;
	s1 =	sshrl.u32 s1, $0x2  }
0xb9: {  	s3 =	sand.u32 $0x4000, s31;
	s1 =	sadd.s32 s1, s30  }
0xba: {  	s0 =	sor.u32 s3, s0;
	s1 =	sshll.u32 s1, $0x11  }
0xbb: {  	s0 =	sor.u32 s1, s0  }
0xbc: {  	s0 =	sadd.s32 $0x8F2B, s0  }
0xbd: {  	[sflag:s0] =	ssyncadd.remote.s32 $0x1  }
0xbe: {  	_ =	sfence.sel $0xFFFF  }
0xbf: {  	[dreg:$0x0] =	wrdreg $0xFFFFFFFF;
	(pc) =	sbr.abs _section_cstart, $3  }
0xc0: {  	[dreg:$0x1] =	wrdreg $0xFFFFFFFF  }
0xc1: {  	_ =	task.clear_ibuf [dreg:s6], $0x2FFFF;
	_ =	strace $0x9FFFFFFF  }
0xc2: {  	(tm) =	ssettm $0x7FFFFFFF  }
0xc3: {  	_ =	shalt  }
tec
execute0_lowered:
.L_overlay_start_1:
0x0: {  	(tag) =	ssettag $0x1  }
0x1: {  	s10 =	rddreg [dreg:$0x0]  }
0x2: {  	s0 =	srdreg.scid;
	s2 =	rddreg [dreg:$0x1]  }
0x3: {  	s3 =	simm.s32 $0x0;
	s17 =	simm.s32 $0x40;
	s18 =	simm.s32 $0x18880  }
0x4: {  	s19 =	simm.s32 $0x1A880;
	s20 =	simm.s32 $0x1C880;
	s21 =	simm.s32 $0x0  }
0x5: {  	s4 =	sand.u32 $0x1, s0;
	s0 =	stileid.u32;
	[smem:$0x7FF] =	sst s3  }
0x6: {  	s14 =	sadd.s32 $0x128400, s2;
	s1 =	sshll.u32 s4, $0x4;
	s6 =	smul.u32 $0x2780, s0  }
0x7: {  	s7 =	ssub.s32 $0x2, s4;
	s8 =	smul.u32 $0x4F000, s0;
	s4 =	sadd.s32 $0x115400, s10  }
0x8: {  	p0 =	seq.s32 s0, $0xF;
	s9 =	sor.u32 s0, s1;
	s1 =	rddreg [dreg:$0x2]  }
0x9: {  	_ =	strace $0x80000050;
	s30 =	sshrl.u32 s7, $0x1;
	s15 =	sshll.u32 @!p0 s0, $0x6  }
0xa: {  	s14 =	sshrl.u32 @p0 s14, $0x3;
	s5 =	smul.u32 $0x500, s9;
	s12 =	sadd.s32 s6, s10  }
0xb: {  	s13 =	ssub.s32 s7, s30;
	s31 =	sshrl.u32 s8, $0x2;
	s8 =	sadd.s32 $0x27C80, s10  }
0xc: {  	s9 =	smul.u32 $0x13C000, s9;
	s15 =	sor.u32 @!p0 $0x1C01, s15;
	s16 =	sadd.s32 s31, s2  }
0xd: {  	s7 =	sadd.s32 $0x2C00, s12;
	s12 =	simm.s32 $0x1;
	s11 =	sadd.s32 s5, s10  }
0xe: {  	s10 =	sadd.s32 $0x115800, s10;
	s16 =	sshrl.u32 @!p0 s16, $0x3;
	s5 =	sadd.s32 $0x101400, s11  }
0xf: {  	s6 =	sadd.s32 $0x10B400, s11;
	s11 =	smax.u32 s13, $0x1;
	s13 =	simm.s32 $0x2800  }
.LBB2_1:
0x10: {  	[tilespmem:s3], [sflag:$0x1] =	stream.linear.gather [hbm4b:s5+s3], $0x2780, $0x38;
	[tilespmem:$0x1E880] =	vst v63  }
0x11: {  	_ =	swait.ge [sflag:s12], $0x2780  }
0x12: {  	[sflag:s12] =	ssyncset.done $0x0  }
0x13: {  	[sflag:s12] =	ssyncadd.s32 $0xFFFFD880  }
0x14: {  	[tilespmem:s13], [sflag:$0x1] =	stream.linear.gather [hbm4b:s6+s3], $0x2780, $0x38;
	[tilespmem:$0x1E880] =	vst v63  }
0x15: {  	_ =	swait.ge [sflag:s12], $0x2780  }
0x16: {  	[sflag:s12] =	ssyncset.done $0x0  }
0x17: {  	s22 =	simm.s32 @p0 $0x1FC1;
	[sflag:s12] =	ssyncadd.s32 $0xFFFFD880  }
0x18: {  	[spmem:s14], [sflag:s22] =	dma.local @p0 [hbm:s8], $0x2080  }
0x19: {  	s22 =	simm.s32 @p0 $0x1  }
0x1a: {  	_ =	swait.ge @p0 [sflag:s22], $0x2080  }
0x1b: {  	[sflag:s22] =	ssyncset.done @p0 $0x0  }
0x1c: {  	[sflag:s22] =	ssyncadd.s32 @p0 $0xFFFFDF80;
	s22 =	simm.s32 @!p0 $0x1  }
0x1d: {  	[spmem:s16], [sflag:s15] =	dma.local @!p0 [hbm:s7], $0x2780  }
0x1e: {  	_ =	swait.ge @!p0 [sflag:s22], $0x2780  }
0x1f: {  	[sflag:s22] =	ssyncset.done @!p0 $0x0  }
0x20: {  	[sflag:s22] =	ssyncadd.s32 @!p0 $0xFFFFD880  }
0x21: {  	s22 =	simm.s32 $0x0;
	[bflag:$0x0] =	sbarrier.arrive $0xFFFF  }
.LBB2_2:
0x22: {  	s23 =	sshll.u32 s22, $0x7  }
0x23: {  	[tilespmem:s18], [sflag:$0x1] =	stream.indirect.gather [spmem:s2], $0x80, s23, s17, $0xb8;
	[tilespmem:$0x1E880] =	vst v63  }
0x24: {  	_ =	swait.ge [sflag:s12], $0x2000  }
0x25: {  	[sflag:s12] =	ssyncset.done $0x0  }
0x26: {  	s24 =	sadd.s32 $0x2800, s23;
	[sflag:s12] =	ssyncadd.s32 $0xFFFFE000  }
0x27: {  	[tilespmem:s19], [sflag:$0x1] =	stream.indirect.gather [spmem:s2], $0x80, s24, s17, $0xb8;
	[tilespmem:$0x1E880] =	vst v63  }
0x28: {  	_ =	swait.ge [sflag:s12], $0x2000  }
0x29: {  	[sflag:s12] =	ssyncset.done $0x0  }
0x2a: {  	s24 =	simm.s32 $0x1AA80;
	[sflag:s12] =	ssyncadd.s32 $0xFFFFE000  }
0x2b: {  	s25 =	simm.s32 $0x18A80;
	v0 =	vld [tilespmem:s24+$0xFFFFFE00]  }
0x2c: {  	v1 =	vld [tilespmem:s25+$0xFFFFFE10]  }
0x2d: {  	v2 =	vld [tilespmem:s24+$0xFFFFFE10]  }
0x2e: {  	v3 =	vld [tilespmem:s25+$0xFFFFFE00]  }
0x2f: {  	v4 =	vld [tilespmem:s24+$0xFFFFFE20]  }
0x30: {  	v5 =	vld [tilespmem:s25+$0xFFFFFE20]  }
0x31: {  	v6 =	vld [tilespmem:s24+$0xFFFFFE30]  }
0x32: {  	v7 =	vld [tilespmem:s25+$0xFFFFFE30]  }
0x33: {  	v1 =	vmul.f32 v2, v1;
	v0 =	vmul.f32 v0, v3;
	_ =	sdelay $0x1  }
0x34: {  	v0 =	vadd.f32 v1, v0;
	v1 =	vmul.f32 v4, v5;
	_ =	sdelay $0x1  }
0x35: {  	v0 =	vadd.f32 v1, v0;
	v1 =	vmul.f32 v6, v7;
	_ =	sdelay $0x1  }
0x36: {  	v0 =	vadd.f32 v1, v0  }
0x37: {  	s26 =	simm.s32 $0x1CA80  }
0x38: {  	[tilespmem:s26+$0xFFFFFE00] =	vst v0  }
0x39: {  	v0 =	vld [tilespmem:s24+$0xFFFFFE90]  }
0x3a: {  	v1 =	vld [tilespmem:s25+$0xFFFFFE80]  }
0x3b: {  	v2 =	vld [tilespmem:s25+$0xFFFFFE90]  }
0x3c: {  	v3 =	vld [tilespmem:s24+$0xFFFFFE80]  }
0x3d: {  	v4 =	vld [tilespmem:s24+$0xFFFFFEA0]  }
0x3e: {  	v5 =	vld [tilespmem:s25+$0xFFFFFEA0]  }
0x3f: {  	v53 =	vld [tilespmem:s24+$0xFFFFFEB0]  }
0x40: {  	v54 =	vld [tilespmem:s25+$0xFFFFFEB0]  }
0x41: {  	v0 =	vmul.f32 v0, v2;
	v1 =	vmul.f32 v3, v1;
	_ =	sdelay $0x1  }
0x42: {  	v0 =	vadd.f32 v0, v1;
	v1 =	vmul.f32 v4, v5;
	_ =	sdelay $0x1  }
0x43: {  	v0 =	vadd.f32 v1, v0;
	v1 =	vmul.f32 v53, v54;
	_ =	sdelay $0x1  }
0x44: {  	v0 =	vadd.f32 v1, v0;
	_ =	sdelay $0x1  }
0x45: {  	[tilespmem:s26+$0xFFFFFE80] =	vst v0  }
0x46: {  	v0 =	vld [tilespmem:s25+$0xFFFFFF00]  }
0x47: {  	v1 =	vld [tilespmem:s24+$0xFFFFFF00]  }
0x48: {  	v2 =	vld [tilespmem:s24+$0xFFFFFF10]  }
0x49: {  	v3 =	vld [tilespmem:s25+$0xFFFFFF10]  }
0x4a: {  	v4 =	vld [tilespmem:s25+$0xFFFFFF20]  }
0x4b: {  	v5 =	vld [tilespmem:s24+$0xFFFFFF20]  }
0x4c: {  	v55 =	vld [tilespmem:s25+$0xFFFFFF30]  }
0x4d: {  	v56 =	vld [tilespmem:s24+$0xFFFFFF30]  }
0x4e: {  	v0 =	vmul.f32 v1, v0;
	v1 =	vmul.f32 v2, v3;
	_ =	sdelay $0x1  }
0x4f: {  	v0 =	vadd.f32 v1, v0;
	v1 =	vmul.f32 v5, v4;
	_ =	sdelay $0x1  }
0x50: {  	v0 =	vadd.f32 v1, v0;
	v1 =	vmul.f32 v56, v55;
	_ =	sdelay $0x1  }
0x51: {  	v0 =	vadd.f32 v1, v0;
	_ =	sdelay $0x1  }
0x52: {  	[tilespmem:s26+$0xFFFFFF00] =	vst v0  }
0x53: {  	v0 =	vld [tilespmem:s25+$0xFFFFFF80]  }
0x54: {  	v1 =	vld [tilespmem:s24+$0xFFFFFF80]  }
0x55: {  	v2 =	vld [tilespmem:s25+$0xFFFFFF90]  }
0x56: {  	v3 =	vld [tilespmem:s24+$0xFFFFFF90]  }
0x57: {  	v4 =	vld [tilespmem:s25+$0xFFFFFFA0]  }
0x58: {  	v5 =	vld [tilespmem:s24+$0xFFFFFFA0]  }
0x59: {  	v57 =	vld [tilespmem:s25+$0xFFFFFFB0]  }
0x5a: {  	v58 =	vld [tilespmem:s24+$0xFFFFFFB0]  }
0x5b: {  	v0 =	vmul.f32 v1, v0;
	v1 =	vmul.f32 v3, v2;
	_ =	sdelay $0x1  }
0x5c: {  	v0 =	vadd.f32 v1, v0;
	v1 =	vmul.f32 v5, v4;
	_ =	sdelay $0x1  }
0x5d: {  	v0 =	vadd.f32 v1, v0;
	v1 =	vmul.f32 v58, v57;
	_ =	sdelay $0x1  }
0x5e: {  	v0 =	vadd.f32 v1, v0;
	_ =	sdelay $0x1  }
0x5f: {  	[tilespmem:s26+$0xFFFFFF80] =	vst v0  }
0x60: {  	v0 =	vld [tilespmem:s24+$0x10]  }
0x61: {  	v1 =	vld [tilespmem:s25+$0x0]  }
0x62: {  	v2 =	vld [tilespmem:s24+$0x0]  }
0x63: {  	v3 =	vld [tilespmem:s25+$0x10]  }
0x64: {  	v4 =	vld [tilespmem:s25+$0x20]  }
0x65: {  	v5 =	vld [tilespmem:s24+$0x20]  }
0x66: {  	v59 =	vld [tilespmem:s24+$0x30]  }
0x67: {  	v60 =	vld [tilespmem:s25+$0x30]  }
0x68: {  	v1 =	vmul.f32 v2, v1;
	v0 =	vmul.f32 v0, v3;
	_ =	sdelay $0x1  }
0x69: {  	v0 =	vadd.f32 v0, v1;
	v1 =	vmul.f32 v5, v4;
	_ =	sdelay $0x1  }
0x6a: {  	v0 =	vadd.f32 v1, v0;
	v1 =	vmul.f32 v59, v60;
	_ =	sdelay $0x1  }
0x6b: {  	v0 =	vadd.f32 v1, v0;
	_ =	sdelay $0x1  }
0x6c: {  	[tilespmem:s26+$0x0] =	vst v0  }
0x6d: {  	v0 =	vld [tilespmem:s25+$0x80]  }
0x6e: {  	v1 =	vld [tilespmem:s24+$0x90]  }
0x6f: {  	v2 =	vld [tilespmem:s25+$0x90]  }
0x70: {  	v3 =	vld [tilespmem:s24+$0x80]  }
0x71: {  	v4 =	vld [tilespmem:s25+$0xA0]  }
0x72: {  	v5 =	vld [tilespmem:s24+$0xA0]  }
0x73: {  	v61 =	vld [tilespmem:s25+$0xB0]  }
0x74: {  	v62 =	vld [tilespmem:s24+$0xB0]  }
0x75: {  	v1 =	vmul.f32 v1, v2;
	v0 =	vmul.f32 v3, v0;
	_ =	sdelay $0x1  }
0x76: {  	v0 =	vadd.f32 v1, v0;
	v1 =	vmul.f32 v5, v4;
	_ =	sdelay $0x1  }
0x77: {  	v0 =	vadd.f32 v1, v0;
	v1 =	vmul.f32 v62, v61;
	_ =	sdelay $0x1  }
0x78: {  	v0 =	vadd.f32 v1, v0;
	_ =	sdelay $0x1  }
0x79: {  	[tilespmem:s26+$0x80] =	vst v0  }
0x7a: {  	v0 =	vld [tilespmem:s25+$0x100]  }
0x7b: {  	v1 =	vld [tilespmem:s24+$0x100]  }
0x7c: {  	v2 =	vld [tilespmem:s24+$0x110]  }
0x7d: {  	v3 =	vld [tilespmem:s25+$0x110]  }
0x7e: {  	v4 =	vld [tilespmem:s25+$0x120]  }
0x7f: {  	v5 =	vld [tilespmem:s24+$0x120]  }
0x80: {  	v63 =	vmul.f32 v1, v0;
	v0 =	vld [tilespmem:s25+$0x130]  }
0x81: {  	v1 =	vld [tilespmem:s24+$0x130]  }
0x82: {  	v2 =	vmul.f32 v2, v3  }
0x83: {  	s30 =	simm.s32 $0x0  }
0x84: {  	s31 =	simm.s32 $0x1AE80;
	s28 =	simm.s32 $0x1CA80;
	s29 =	simm.s32 $0x18A80;
	v3 =	vmul.f32 v5, v4;
	v2 =	vadd.f32 v2, v63  }
.LBB2_3:
0x85: {  	s30 =	sadd.s32 $0x8, s30;
	s26 =	sadd.s32 $0x400, s26;
	s25 =	sadd.s32 $0x400, s25  }
0x86: {  	p1 =	slt.u32 s30, $0x38;
	v2 =	vadd.f32 v3, v2;
	v0 =	vmul.f32 v1, v0;
	_ =	sdelay $0x1  }
0x87: {  	v0 =	vadd.f32 v0, v2;
	_ =	sdelay $0x1  }
0x88: {  	[tilespmem:s28+$0x100] =	vst v0  }
0x89: {  	v0 =	vld [tilespmem:s29+$0x180]  }
0x8a: {  	v1 =	vld [tilespmem:s24+$0x180]  }
0x8b: {  	v2 =	vld [tilespmem:s24+$0x190]  }
0x8c: {  	v3 =	vld [tilespmem:s29+$0x190]  }
0x8d: {  	v4 =	vld [tilespmem:s29+$0x1A0]  }
0x8e: {  	v5 =	vld [tilespmem:s24+$0x1A0]  }
0x8f: {  	v0 =	vmul.f32 v1, v0;
	v1 =	vld [tilespmem:s29+$0x1B0];
	s29 =	smov.u32 s25  }
0x90: {  	v6 =	vld [tilespmem:s24+$0x1B0];
	s24 =	smov.u32 s31  }
0x91: {  	v2 =	vmul.f32 v2, v3;
	_ =	sdelay $0x1  }
0x92: {  	v0 =	vadd.f32 v2, v0;
	v2 =	vmul.f32 v5, v4;
	_ =	sdelay $0x1  }
0x93: {  	v0 =	vadd.f32 v2, v0;
	v1 =	vmul.f32 v6, v1;
	_ =	sdelay $0x1  }
0x94: {  	v0 =	vadd.f32 v1, v0;
	_ =	sdelay $0x1  }
0x95: {  	[tilespmem:s28+$0x180] =	vst v0;
	s28 =	smov.u32 s26  }
0x96: {  	v0 =	vld [tilespmem:s31+$0xFFFFFE00]  }
0x97: {  	v1 =	vld [tilespmem:s25+$0xFFFFFE10]  }
0x98: {  	v2 =	vld [tilespmem:s31+$0xFFFFFE10]  }
0x99: {  	v3 =	vld [tilespmem:s25+$0xFFFFFE00]  }
0x9a: {  	v4 =	vld [tilespmem:s31+$0xFFFFFE20]  }
0x9b: {  	v5 =	vld [tilespmem:s25+$0xFFFFFE20]  }
0x9c: {  	v6 =	vld [tilespmem:s31+$0xFFFFFE30]  }
0x9d: {  	v1 =	vmul.f32 v2, v1;
	v2 =	vld [tilespmem:s25+$0xFFFFFE30]  }
0x9e: {  	v0 =	vmul.f32 v0, v3;
	_ =	sdelay $0x1  }
0x9f: {  	v0 =	vadd.f32 v1, v0;
	v1 =	vmul.f32 v4, v5;
	_ =	sdelay $0x1  }
0xa0: {  	v0 =	vadd.f32 v1, v0;
	v1 =	vmul.f32 v6, v2;
	_ =	sdelay $0x1  }
0xa1: {  	v0 =	vadd.f32 v1, v0;
	_ =	sdelay $0x1  }
0xa2: {  	[tilespmem:s26+$0xFFFFFE00] =	vst v0  }
0xa3: {  	v0 =	vld [tilespmem:s31+$0xFFFFFE90]  }
0xa4: {  	v1 =	vld [tilespmem:s25+$0xFFFFFE80]  }
0xa5: {  	v2 =	vld [tilespmem:s25+$0xFFFFFE90]  }
0xa6: {  	v3 =	vld [tilespmem:s31+$0xFFFFFE80]  }
0xa7: {  	v4 =	vld [tilespmem:s31+$0xFFFFFEA0]  }
0xa8: {  	v5 =	vld [tilespmem:s25+$0xFFFFFEA0]  }
0xa9: {  	v6 =	vld [tilespmem:s31+$0xFFFFFEB0]  }
0xaa: {  	v0 =	vmul.f32 v0, v2;
	v2 =	vld [tilespmem:s25+$0xFFFFFEB0]  }
0xab: {  	v1 =	vmul.f32 v3, v1;
	_ =	sdelay $0x1  }
0xac: {  	v0 =	vadd.f32 v0, v1;
	v1 =	vmul.f32 v4, v5;
	_ =	sdelay $0x1  }
0xad: {  	v0 =	vadd.f32 v1, v0;
	v1 =	vmul.f32 v6, v2;
	_ =	sdelay $0x1  }
0xae: {  	v0 =	vadd.f32 v1, v0;
	_ =	sdelay $0x1  }
0xaf: {  	[tilespmem:s26+$0xFFFFFE80] =	vst v0  }
0xb0: {  	v0 =	vld [tilespmem:s25+$0xFFFFFF00]  }
0xb1: {  	v1 =	vld [tilespmem:s31+$0xFFFFFF00]  }
0xb2: {  	v2 =	vld [tilespmem:s31+$0xFFFFFF10]  }
0xb3: {  	v3 =	vld [tilespmem:s25+$0xFFFFFF10]  }
0xb4: {  	v4 =	vld [tilespmem:s25+$0xFFFFFF20]  }
0xb5: {  	v5 =	vld [tilespmem:s31+$0xFFFFFF20]  }
0xb6: {  	v0 =	vmul.f32 v1, v0;
	v1 =	vld [tilespmem:s25+$0xFFFFFF30]  }
0xb7: {  	v6 =	vld [tilespmem:s31+$0xFFFFFF30]  }
0xb8: {  	v2 =	vmul.f32 v2, v3;
	_ =	sdelay $0x1  }
0xb9: {  	v0 =	vadd.f32 v2, v0;
	v2 =	vmul.f32 v5, v4;
	_ =	sdelay $0x1  }
0xba: {  	v0 =	vadd.f32 v2, v0;
	v1 =	vmul.f32 v6, v1;
	_ =	sdelay $0x1  }
0xbb: {  	v0 =	vadd.f32 v1, v0;
	_ =	sdelay $0x1  }
0xbc: {  	[tilespmem:s26+$0xFFFFFF00] =	vst v0  }
0xbd: {  	v0 =	vld [tilespmem:s25+$0xFFFFFF80]  }
0xbe: {  	v1 =	vld [tilespmem:s31+$0xFFFFFF80]  }
0xbf: {  	v2 =	vld [tilespmem:s25+$0xFFFFFF90]  }
0xc0: {  	v3 =	vld [tilespmem:s31+$0xFFFFFF90]  }
0xc1: {  	v4 =	vld [tilespmem:s25+$0xFFFFFFA0]  }
0xc2: {  	v5 =	vld [tilespmem:s31+$0xFFFFFFA0]  }
0xc3: {  	v0 =	vmul.f32 v1, v0;
	v1 =	vld [tilespmem:s25+$0xFFFFFFB0]  }
0xc4: {  	v6 =	vld [tilespmem:s31+$0xFFFFFFB0]  }
0xc5: {  	v2 =	vmul.f32 v3, v2;
	_ =	sdelay $0x1  }
0xc6: {  	v0 =	vadd.f32 v2, v0;
	v2 =	vmul.f32 v5, v4;
	_ =	sdelay $0x1  }
0xc7: {  	v0 =	vadd.f32 v2, v0;
	v1 =	vmul.f32 v6, v1;
	_ =	sdelay $0x1  }
0xc8: {  	v0 =	vadd.f32 v1, v0;
	_ =	sdelay $0x1  }
0xc9: {  	[tilespmem:s26+$0xFFFFFF80] =	vst v0  }
0xca: {  	v0 =	vld [tilespmem:s31+$0x10]  }
0xcb: {  	v1 =	vld [tilespmem:s25+$0x0]  }
0xcc: {  	v2 =	vld [tilespmem:s31+$0x0]  }
0xcd: {  	v3 =	vld [tilespmem:s25+$0x10]  }
0xce: {  	v4 =	vld [tilespmem:s25+$0x20]  }
0xcf: {  	v5 =	vld [tilespmem:s31+$0x20]  }
0xd0: {  	v6 =	vld [tilespmem:s31+$0x30]  }
0xd1: {  	v1 =	vmul.f32 v2, v1;
	v2 =	vld [tilespmem:s25+$0x30]  }
0xd2: {  	v0 =	vmul.f32 v0, v3;
	_ =	sdelay $0x1  }
0xd3: {  	v0 =	vadd.f32 v0, v1;
	v1 =	vmul.f32 v5, v4;
	_ =	sdelay $0x1  }
0xd4: {  	v0 =	vadd.f32 v1, v0;
	v1 =	vmul.f32 v6, v2;
	_ =	sdelay $0x1  }
0xd5: {  	v0 =	vadd.f32 v1, v0;
	_ =	sdelay $0x1  }
0xd6: {  	[tilespmem:s26+$0x0] =	vst v0  }
0xd7: {  	v0 =	vld [tilespmem:s25+$0x80]  }
0xd8: {  	v1 =	vld [tilespmem:s31+$0x90]  }
0xd9: {  	v2 =	vld [tilespmem:s25+$0x90]  }
0xda: {  	v3 =	vld [tilespmem:s31+$0x80]  }
0xdb: {  	v4 =	vld [tilespmem:s25+$0xA0]  }
0xdc: {  	v5 =	vld [tilespmem:s31+$0xA0]  }
0xdd: {  	v6 =	vld [tilespmem:s25+$0xB0]  }
0xde: {  	v1 =	vmul.f32 v1, v2;
	v2 =	vld [tilespmem:s31+$0xB0]  }
0xdf: {  	v0 =	vmul.f32 v3, v0;
	_ =	sdelay $0x1  }
0xe0: {  	v0 =	vadd.f32 v1, v0;
	v1 =	vmul.f32 v5, v4;
	_ =	sdelay $0x1  }
0xe1: {  	v0 =	vadd.f32 v1, v0;
	v1 =	vmul.f32 v2, v6;
	_ =	sdelay $0x1  }
0xe2: {  	v0 =	vadd.f32 v1, v0;
	_ =	sdelay $0x1  }
0xe3: {  	[tilespmem:s26+$0x80] =	vst v0  }
0xe4: {  	v0 =	vld [tilespmem:s25+$0x100]  }
0xe5: {  	v1 =	vld [tilespmem:s31+$0x100]  }
0xe6: {  	v2 =	vld [tilespmem:s31+$0x110]  }
0xe7: {  	v3 =	vld [tilespmem:s25+$0x110]  }
0xe8: {  	v4 =	vld [tilespmem:s25+$0x120]  }
0xe9: {  	v5 =	vld [tilespmem:s31+$0x120]  }
.Ltmp0:
0xea: {  	v6 =	vmul.f32 v1, v0;
	v0 =	vld [tilespmem:s25+$0x130];
	(pc) =	sbr.rel @p1 .LBB2_3-.Ltmp0, $3  }
0xeb: {  	v1 =	vld [tilespmem:s31+$0x130]  }
0xec: {  	v2 =	vmul.f32 v2, v3;
	_ =	sdelay $0x1  }
0xed: {  	s31 =	sadd.s32 $0x400, s31;
	v2 =	vadd.f32 v2, v6;
	v3 =	vmul.f32 v5, v4  }
0xee: {  	_ = 	snop  }
0xef: {  	v2 =	vadd.f32 v3, v2;
	v0 =	vmul.f32 v1, v0;
	_ =	sdelay $0x1  }
0xf0: {  	v0 =	vadd.f32 v0, v2;
	_ =	sdelay $0x1  }
0xf1: {  	[tilespmem:s28+$0x100] =	vst v0  }
0xf2: {  	v0 =	vld [tilespmem:s29+$0x180]  }
0xf3: {  	v1 =	vld [tilespmem:s24+$0x180]  }
0xf4: {  	v2 =	vld [tilespmem:s24+$0x190]  }
0xf5: {  	v3 =	vld [tilespmem:s29+$0x190]  }
0xf6: {  	v4 =	vld [tilespmem:s29+$0x1A0]  }
0xf7: {  	v5 =	vld [tilespmem:s24+$0x1A0]  }
0xf8: {  	v6 =	vld [tilespmem:s29+$0x1B0]  }
0xf9: {  	v7 =	vld [tilespmem:s24+$0x1B0]  }
0xfa: {  	v0 =	vmul.f32 v1, v0;
	v1 =	vmul.f32 v2, v3;
	_ =	sdelay $0x1  }
0xfb: {  	v0 =	vadd.f32 v1, v0;
	v1 =	vmul.f32 v5, v4;
	_ =	sdelay $0x1  }
0xfc: {  	v0 =	vadd.f32 v1, v0;
	v1 =	vmul.f32 v7, v6  }
0xfd: {  	s25 =	sshll.u32 s22, $0xE  }
0xfe: {  	s24 =	sadd.s32 s9, s25;
	v0 =	vadd.f32 v1, v0  }
0xff: {  	s24 =	sshrl.u32 s24, $0x3  }
0x100: {  	s25 =	sadd.s32 s4, s24;
	[tilespmem:s28+$0x180] =	vst v0  }
0x101: {  	[hbm4b:s25+s3] =	stream.linear.scatter [tilespmem:s20], [sflag:$0x1], $0x2000, $0x38;
	[tilespmem:$0x1E880] =	vst v63  }
0x102: {  	_ =	swait.ge [sflag:s12], $0x2000  }
0x103: {  	[sflag:s12] =	ssyncset.done $0x0  }
0x104: {  	s26 =	sor.u32 $0x40, s23;
	[sflag:s12] =	ssyncadd.s32 $0xFFFFE000  }
0x105: {  	[tilespmem:s18], [sflag:$0x1] =	stream.indirect.gather [spmem:s2], $0x80, s26, s17, $0xb8;
	[tilespmem:$0x1E880] =	vst v63  }
0x106: {  	_ =	swait.ge [sflag:s12], $0x2000  }
0x107: {  	[sflag:s12] =	ssyncset.done $0x0  }
0x108: {  	s26 =	sadd.s32 $0x2840, s23;
	[sflag:s12] =	ssyncadd.s32 $0xFFFFE000  }
0x109: {  	[tilespmem:s19], [sflag:$0x1] =	stream.indirect.gather [spmem:s2], $0x80, s26, s17, $0xb8;
	[tilespmem:$0x1E880] =	vst v63  }
0x10a: {  	_ =	swait.ge [sflag:s12], $0x2000  }
0x10b: {  	[sflag:s12] =	ssyncset.done $0x0  }
0x10c: {  	s23 =	simm.s32 $0x1AA80;
	[sflag:s12] =	ssyncadd.s32 $0xFFFFE000  }
0x10d: {  	s25 =	simm.s32 $0x18A80;
	v0 =	vld [tilespmem:s23+$0xFFFFFE00]  }
0x10e: {  	v1 =	vld [tilespmem:s25+$0xFFFFFE10]  }
0x10f: {  	v2 =	vld [tilespmem:s23+$0xFFFFFE10]  }
0x110: {  	v3 =	vld [tilespmem:s25+$0xFFFFFE00]  }
0x111: {  	v4 =	vld [tilespmem:s23+$0xFFFFFE20]  }
0x112: {  	v5 =	vld [tilespmem:s25+$0xFFFFFE20]  }
0x113: {  	v51 =	vld [tilespmem:s23+$0xFFFFFE30]  }
0x114: {  	v52 =	vld [tilespmem:s25+$0xFFFFFE30]  }
0x115: {  	v1 =	vmul.f32 v2, v1;
	v0 =	vmul.f32 v0, v3;
	_ =	sdelay $0x1  }
0x116: {  	v0 =	vadd.f32 v1, v0;
	v1 =	vmul.f32 v4, v5;
	_ =	sdelay $0x1  }
0x117: {  	v0 =	vadd.f32 v1, v0;
	v1 =	vmul.f32 v51, v52;
	_ =	sdelay $0x1  }
0x118: {  	v0 =	vadd.f32 v1, v0  }
0x119: {  	s26 =	simm.s32 $0x1CA80  }
0x11a: {  	[tilespmem:s26+$0xFFFFFE00] =	vst v0  }
0x11b: {  	v0 =	vld [tilespmem:s23+$0xFFFFFE90]  }
0x11c: {  	v1 =	vld [tilespmem:s25+$0xFFFFFE80]  }
0x11d: {  	v2 =	vld [tilespmem:s25+$0xFFFFFE90]  }
0x11e: {  	v3 =	vld [tilespmem:s23+$0xFFFFFE80]  }
0x11f: {  	v4 =	vld [tilespmem:s23+$0xFFFFFEA0]  }
0x120: {  	v5 =	vld [tilespmem:s25+$0xFFFFFEA0]  }
0x121: {  	v53 =	vld [tilespmem:s23+$0xFFFFFEB0]  }
0x122: {  	v54 =	vld [tilespmem:s25+$0xFFFFFEB0]  }
0x123: {  	v0 =	vmul.f32 v0, v2;
	v1 =	vmul.f32 v3, v1;
	_ =	sdelay $0x1  }
0x124: {  	v0 =	vadd.f32 v0, v1;
	v1 =	vmul.f32 v4, v5;
	_ =	sdelay $0x1  }
0x125: {  	v0 =	vadd.f32 v1, v0;
	v1 =	vmul.f32 v53, v54;
	_ =	sdelay $0x1  }
0x126: {  	v0 =	vadd.f32 v1, v0;
	_ =	sdelay $0x1  }
0x127: {  	[tilespmem:s26+$0xFFFFFE80] =	vst v0  }
0x128: {  	v0 =	vld [tilespmem:s25+$0xFFFFFF00]  }
0x129: {  	v1 =	vld [tilespmem:s23+$0xFFFFFF00]  }
0x12a: {  	v2 =	vld [tilespmem:s23+$0xFFFFFF10]  }
0x12b: {  	v3 =	vld [tilespmem:s25+$0xFFFFFF10]  }
0x12c: {  	v4 =	vld [tilespmem:s25+$0xFFFFFF20]  }
0x12d: {  	v5 =	vld [tilespmem:s23+$0xFFFFFF20]  }
0x12e: {  	v55 =	vld [tilespmem:s25+$0xFFFFFF30]  }
0x12f: {  	v56 =	vld [tilespmem:s23+$0xFFFFFF30]  }
0x130: {  	v0 =	vmul.f32 v1, v0;
	v1 =	vmul.f32 v2, v3;
	_ =	sdelay $0x1  }
0x131: {  	v0 =	vadd.f32 v1, v0;
	v1 =	vmul.f32 v5, v4;
	_ =	sdelay $0x1  }
0x132: {  	v0 =	vadd.f32 v1, v0;
	v1 =	vmul.f32 v56, v55;
	_ =	sdelay $0x1  }
0x133: {  	v0 =	vadd.f32 v1, v0;
	_ =	sdelay $0x1  }
0x134: {  	[tilespmem:s26+$0xFFFFFF00] =	vst v0  }
0x135: {  	v0 =	vld [tilespmem:s25+$0xFFFFFF80]  }
0x136: {  	v1 =	vld [tilespmem:s23+$0xFFFFFF80]  }
0x137: {  	v2 =	vld [tilespmem:s25+$0xFFFFFF90]  }
0x138: {  	v3 =	vld [tilespmem:s23+$0xFFFFFF90]  }
0x139: {  	v4 =	vld [tilespmem:s25+$0xFFFFFFA0]  }
0x13a: {  	v5 =	vld [tilespmem:s23+$0xFFFFFFA0]  }
0x13b: {  	v57 =	vld [tilespmem:s25+$0xFFFFFFB0]  }
0x13c: {  	v58 =	vld [tilespmem:s23+$0xFFFFFFB0]  }
0x13d: {  	v0 =	vmul.f32 v1, v0;
	v1 =	vmul.f32 v3, v2;
	_ =	sdelay $0x1  }
0x13e: {  	v0 =	vadd.f32 v1, v0;
	v1 =	vmul.f32 v5, v4;
	_ =	sdelay $0x1  }
0x13f: {  	v0 =	vadd.f32 v1, v0;
	v1 =	vmul.f32 v58, v57;
	_ =	sdelay $0x1  }
0x140: {  	v0 =	vadd.f32 v1, v0;
	_ =	sdelay $0x1  }
0x141: {  	[tilespmem:s26+$0xFFFFFF80] =	vst v0  }
0x142: {  	v0 =	vld [tilespmem:s23+$0x10]  }
0x143: {  	v1 =	vld [tilespmem:s25+$0x0]  }
0x144: {  	v2 =	vld [tilespmem:s23+$0x0]  }
0x145: {  	v3 =	vld [tilespmem:s25+$0x10]  }
0x146: {  	v4 =	vld [tilespmem:s25+$0x20]  }
0x147: {  	v5 =	vld [tilespmem:s23+$0x20]  }
0x148: {  	v59 =	vld [tilespmem:s23+$0x30]  }
0x149: {  	v60 =	vld [tilespmem:s25+$0x30]  }
0x14a: {  	v1 =	vmul.f32 v2, v1;
	v0 =	vmul.f32 v0, v3;
	_ =	sdelay $0x1  }
0x14b: {  	v0 =	vadd.f32 v0, v1;
	v1 =	vmul.f32 v5, v4;
	_ =	sdelay $0x1  }
0x14c: {  	v0 =	vadd.f32 v1, v0;
	v1 =	vmul.f32 v59, v60;
	_ =	sdelay $0x1  }
0x14d: {  	v0 =	vadd.f32 v1, v0;
	_ =	sdelay $0x1  }
0x14e: {  	[tilespmem:s26+$0x0] =	vst v0  }
0x14f: {  	v0 =	vld [tilespmem:s25+$0x80]  }
0x150: {  	v1 =	vld [tilespmem:s23+$0x90]  }
0x151: {  	v2 =	vld [tilespmem:s25+$0x90]  }
0x152: {  	v3 =	vld [tilespmem:s23+$0x80]  }
0x153: {  	v4 =	vld [tilespmem:s25+$0xA0]  }
0x154: {  	v5 =	vld [tilespmem:s23+$0xA0]  }
0x155: {  	v61 =	vld [tilespmem:s25+$0xB0]  }
0x156: {  	v62 =	vld [tilespmem:s23+$0xB0]  }
0x157: {  	v1 =	vmul.f32 v1, v2;
	v0 =	vmul.f32 v3, v0;
	_ =	sdelay $0x1  }
0x158: {  	v0 =	vadd.f32 v1, v0;
	v1 =	vmul.f32 v5, v4;
	_ =	sdelay $0x1  }
0x159: {  	v0 =	vadd.f32 v1, v0;
	v1 =	vmul.f32 v62, v61;
	_ =	sdelay $0x1  }
0x15a: {  	v0 =	vadd.f32 v1, v0;
	_ =	sdelay $0x1  }
0x15b: {  	[tilespmem:s26+$0x80] =	vst v0  }
0x15c: {  	v0 =	vld [tilespmem:s25+$0x100]  }
0x15d: {  	v1 =	vld [tilespmem:s23+$0x100]  }
0x15e: {  	v2 =	vld [tilespmem:s23+$0x110]  }
0x15f: {  	v3 =	vld [tilespmem:s25+$0x110]  }
0x160: {  	v4 =	vld [tilespmem:s25+$0x120]  }
0x161: {  	v5 =	vld [tilespmem:s23+$0x120]  }
0x162: {  	v63 =	vmul.f32 v1, v0;
	v0 =	vld [tilespmem:s25+$0x130]  }
0x163: {  	v1 =	vld [tilespmem:s23+$0x130]  }
0x164: {  	v2 =	vmul.f32 v2, v3  }
0x165: {  	s30 =	simm.s32 $0x0  }
0x166: {  	s31 =	simm.s32 $0x1AE80;
	s29 =	simm.s32 $0x18A80;
	s28 =	simm.s32 $0x1CA80;
	v3 =	vmul.f32 v5, v4;
	v2 =	vadd.f32 v2, v63  }
.LBB2_5:
0x167: {  	s30 =	sadd.s32 $0x8, s30;
	s26 =	sadd.s32 $0x400, s26;
	s25 =	sadd.s32 $0x400, s25  }
0x168: {  	p1 =	slt.u32 s30, $0x38;
	v2 =	vadd.f32 v3, v2;
	v0 =	vmul.f32 v1, v0;
	_ =	sdelay $0x1  }
0x169: {  	v0 =	vadd.f32 v0, v2;
	_ =	sdelay $0x1  }
0x16a: {  	[tilespmem:s28+$0x100] =	vst v0  }
0x16b: {  	v0 =	vld [tilespmem:s29+$0x180]  }
0x16c: {  	v1 =	vld [tilespmem:s23+$0x180]  }
0x16d: {  	v2 =	vld [tilespmem:s23+$0x190]  }
0x16e: {  	v3 =	vld [tilespmem:s29+$0x190]  }
0x16f: {  	v4 =	vld [tilespmem:s29+$0x1A0]  }
0x170: {  	v5 =	vld [tilespmem:s23+$0x1A0]  }
0x171: {  	v0 =	vmul.f32 v1, v0;
	v1 =	vld [tilespmem:s29+$0x1B0];
	s29 =	smov.u32 s25  }
0x172: {  	v6 =	vld [tilespmem:s23+$0x1B0];
	s23 =	smov.u32 s31  }
0x173: {  	v2 =	vmul.f32 v2, v3;
	_ =	sdelay $0x1  }
0x174: {  	v0 =	vadd.f32 v2, v0;
	v2 =	vmul.f32 v5, v4;
	_ =	sdelay $0x1  }
0x175: {  	v0 =	vadd.f32 v2, v0;
	v1 =	vmul.f32 v6, v1;
	_ =	sdelay $0x1  }
0x176: {  	v0 =	vadd.f32 v1, v0;
	_ =	sdelay $0x1  }
0x177: {  	[tilespmem:s28+$0x180] =	vst v0;
	s28 =	smov.u32 s26  }
0x178: {  	v0 =	vld [tilespmem:s31+$0xFFFFFE00]  }
0x179: {  	v1 =	vld [tilespmem:s25+$0xFFFFFE10]  }
0x17a: {  	v2 =	vld [tilespmem:s31+$0xFFFFFE10]  }
0x17b: {  	v3 =	vld [tilespmem:s25+$0xFFFFFE00]  }
0x17c: {  	v4 =	vld [tilespmem:s31+$0xFFFFFE20]  }
0x17d: {  	v5 =	vld [tilespmem:s25+$0xFFFFFE20]  }
0x17e: {  	v6 =	vld [tilespmem:s31+$0xFFFFFE30]  }
0x17f: {  	v1 =	vmul.f32 v2, v1;
	v2 =	vld [tilespmem:s25+$0xFFFFFE30]  }
0x180: {  	v0 =	vmul.f32 v0, v3;
	_ =	sdelay $0x1  }
0x181: {  	v0 =	vadd.f32 v1, v0;
	v1 =	vmul.f32 v4, v5;
	_ =	sdelay $0x1  }
0x182: {  	v0 =	vadd.f32 v1, v0;
	v1 =	vmul.f32 v6, v2;
	_ =	sdelay $0x1  }
0x183: {  	v0 =	vadd.f32 v1, v0;
	_ =	sdelay $0x1  }
0x184: {  	[tilespmem:s26+$0xFFFFFE00] =	vst v0  }
0x185: {  	v0 =	vld [tilespmem:s31+$0xFFFFFE90]  }
0x186: {  	v1 =	vld [tilespmem:s25+$0xFFFFFE80]  }
0x187: {  	v2 =	vld [tilespmem:s25+$0xFFFFFE90]  }
0x188: {  	v3 =	vld [tilespmem:s31+$0xFFFFFE80]  }
0x189: {  	v4 =	vld [tilespmem:s31+$0xFFFFFEA0]  }
0x18a: {  	v5 =	vld [tilespmem:s25+$0xFFFFFEA0]  }
0x18b: {  	v6 =	vld [tilespmem:s31+$0xFFFFFEB0]  }
0x18c: {  	v0 =	vmul.f32 v0, v2;
	v2 =	vld [tilespmem:s25+$0xFFFFFEB0]  }
0x18d: {  	v1 =	vmul.f32 v3, v1;
	_ =	sdelay $0x1  }
0x18e: {  	v0 =	vadd.f32 v0, v1;
	v1 =	vmul.f32 v4, v5;
	_ =	sdelay $0x1  }
0x18f: {  	v0 =	vadd.f32 v1, v0;
	v1 =	vmul.f32 v6, v2;
	_ =	sdelay $0x1  }
0x190: {  	v0 =	vadd.f32 v1, v0;
	_ =	sdelay $0x1  }
0x191: {  	[tilespmem:s26+$0xFFFFFE80] =	vst v0  }
0x192: {  	v0 =	vld [tilespmem:s25+$0xFFFFFF00]  }
0x193: {  	v1 =	vld [tilespmem:s31+$0xFFFFFF00]  }
0x194: {  	v2 =	vld [tilespmem:s31+$0xFFFFFF10]  }
0x195: {  	v3 =	vld [tilespmem:s25+$0xFFFFFF10]  }
0x196: {  	v4 =	vld [tilespmem:s25+$0xFFFFFF20]  }
0x197: {  	v5 =	vld [tilespmem:s31+$0xFFFFFF20]  }
0x198: {  	v0 =	vmul.f32 v1, v0;
	v1 =	vld [tilespmem:s25+$0xFFFFFF30]  }
0x199: {  	v6 =	vld [tilespmem:s31+$0xFFFFFF30]  }
0x19a: {  	v2 =	vmul.f32 v2, v3;
	_ =	sdelay $0x1  }
0x19b: {  	v0 =	vadd.f32 v2, v0;
	v2 =	vmul.f32 v5, v4;
	_ =	sdelay $0x1  }
0x19c: {  	v0 =	vadd.f32 v2, v0;
	v1 =	vmul.f32 v6, v1;
	_ =	sdelay $0x1  }
0x19d: {  	v0 =	vadd.f32 v1, v0;
	_ =	sdelay $0x1  }
0x19e: {  	[tilespmem:s26+$0xFFFFFF00] =	vst v0  }
0x19f: {  	v0 =	vld [tilespmem:s25+$0xFFFFFF80]  }
0x1a0: {  	v1 =	vld [tilespmem:s31+$0xFFFFFF80]  }
0x1a1: {  	v2 =	vld [tilespmem:s25+$0xFFFFFF90]  }
0x1a2: {  	v3 =	vld [tilespmem:s31+$0xFFFFFF90]  }
0x1a3: {  	v4 =	vld [tilespmem:s25+$0xFFFFFFA0]  }
0x1a4: {  	v5 =	vld [tilespmem:s31+$0xFFFFFFA0]  }
0x1a5: {  	v0 =	vmul.f32 v1, v0;
	v1 =	vld [tilespmem:s25+$0xFFFFFFB0]  }
0x1a6: {  	v6 =	vld [tilespmem:s31+$0xFFFFFFB0]  }
0x1a7: {  	v2 =	vmul.f32 v3, v2;
	_ =	sdelay $0x1  }
0x1a8: {  	v0 =	vadd.f32 v2, v0;
	v2 =	vmul.f32 v5, v4;
	_ =	sdelay $0x1  }
0x1a9: {  	v0 =	vadd.f32 v2, v0;
	v1 =	vmul.f32 v6, v1;
	_ =	sdelay $0x1  }
0x1aa: {  	v0 =	vadd.f32 v1, v0;
	_ =	sdelay $0x1  }
0x1ab: {  	[tilespmem:s26+$0xFFFFFF80] =	vst v0  }
0x1ac: {  	v0 =	vld [tilespmem:s31+$0x10]  }
0x1ad: {  	v1 =	vld [tilespmem:s25+$0x0]  }
0x1ae: {  	v2 =	vld [tilespmem:s31+$0x0]  }
0x1af: {  	v3 =	vld [tilespmem:s25+$0x10]  }
0x1b0: {  	v4 =	vld [tilespmem:s25+$0x20]  }
0x1b1: {  	v5 =	vld [tilespmem:s31+$0x20]  }
0x1b2: {  	v6 =	vld [tilespmem:s31+$0x30]  }
0x1b3: {  	v1 =	vmul.f32 v2, v1;
	v2 =	vld [tilespmem:s25+$0x30]  }
0x1b4: {  	v0 =	vmul.f32 v0, v3;
	_ =	sdelay $0x1  }
0x1b5: {  	v0 =	vadd.f32 v0, v1;
	v1 =	vmul.f32 v5, v4;
	_ =	sdelay $0x1  }
0x1b6: {  	v0 =	vadd.f32 v1, v0;
	v1 =	vmul.f32 v6, v2;
	_ =	sdelay $0x1  }
0x1b7: {  	v0 =	vadd.f32 v1, v0;
	_ =	sdelay $0x1  }
0x1b8: {  	[tilespmem:s26+$0x0] =	vst v0  }
0x1b9: {  	v0 =	vld [tilespmem:s25+$0x80]  }
0x1ba: {  	v1 =	vld [tilespmem:s31+$0x90]  }
0x1bb: {  	v2 =	vld [tilespmem:s25+$0x90]  }
0x1bc: {  	v3 =	vld [tilespmem:s31+$0x80]  }
0x1bd: {  	v4 =	vld [tilespmem:s25+$0xA0]  }
0x1be: {  	v5 =	vld [tilespmem:s31+$0xA0]  }
0x1bf: {  	v6 =	vld [tilespmem:s25+$0xB0]  }
0x1c0: {  	v1 =	vmul.f32 v1, v2;
	v2 =	vld [tilespmem:s31+$0xB0]  }
0x1c1: {  	v0 =	vmul.f32 v3, v0;
	_ =	sdelay $0x1  }
0x1c2: {  	v0 =	vadd.f32 v1, v0;
	v1 =	vmul.f32 v5, v4;
	_ =	sdelay $0x1  }
0x1c3: {  	v0 =	vadd.f32 v1, v0;
	v1 =	vmul.f32 v2, v6;
	_ =	sdelay $0x1  }
0x1c4: {  	v0 =	vadd.f32 v1, v0;
	_ =	sdelay $0x1  }
0x1c5: {  	[tilespmem:s26+$0x80] =	vst v0  }
0x1c6: {  	v0 =	vld [tilespmem:s25+$0x100]  }
0x1c7: {  	v1 =	vld [tilespmem:s31+$0x100]  }
0x1c8: {  	v2 =	vld [tilespmem:s31+$0x110]  }
0x1c9: {  	v3 =	vld [tilespmem:s25+$0x110]  }
0x1ca: {  	v4 =	vld [tilespmem:s25+$0x120]  }
0x1cb: {  	v5 =	vld [tilespmem:s31+$0x120]  }
.Ltmp1:
0x1cc: {  	v6 =	vmul.f32 v1, v0;
	v0 =	vld [tilespmem:s25+$0x130];
	(pc) =	sbr.rel @p1 .LBB2_5-.Ltmp1, $3  }
0x1cd: {  	v1 =	vld [tilespmem:s31+$0x130]  }
0x1ce: {  	v2 =	vmul.f32 v2, v3;
	_ =	sdelay $0x1  }
0x1cf: {  	s31 =	sadd.s32 $0x400, s31;
	v2 =	vadd.f32 v2, v6;
	v3 =	vmul.f32 v5, v4  }
0x1d0: {  	_ = 	snop  }
0x1d1: {  	v2 =	vadd.f32 v3, v2;
	v0 =	vmul.f32 v1, v0;
	_ =	sdelay $0x1  }
0x1d2: {  	v0 =	vadd.f32 v0, v2;
	_ =	sdelay $0x1  }
0x1d3: {  	[tilespmem:s28+$0x100] =	vst v0  }
0x1d4: {  	v0 =	vld [tilespmem:s29+$0x180]  }
0x1d5: {  	v58 =	vld [tilespmem:s23+$0x180]  }
0x1d6: {  	v59 =	vld [tilespmem:s23+$0x190]  }
0x1d7: {  	v60 =	vld [tilespmem:s29+$0x190]  }
0x1d8: {  	v4 =	vld [tilespmem:s29+$0x1A0]  }
0x1d9: {  	v5 =	vld [tilespmem:s23+$0x1A0]  }
0x1da: {  	v6 =	vld [tilespmem:s29+$0x1B0]  }
0x1db: {  	v7 =	vld [tilespmem:s23+$0x1B0]  }
0x1dc: {  	v0 =	vmul.f32 v58, v0;
	v61 =	vmul.f32 v59, v60;
	_ =	sdelay $0x1  }
0x1dd: {  	v62 =	vmul.f32 v5, v4;
	v0 =	vadd.f32 v61, v0;
	_ =	sdelay $0x1  }
0x1de: {  	v63 =	vmul.f32 v7, v6;
	v0 =	vadd.f32 v62, v0;
	_ =	sdelay $0x1  }
0x1df: {  	s22 =	sadd.s32 $0x1, s22;
	v0 =	vadd.f32 v63, v0  }
0x1e0: {  	p1 =	sne.s32 s22, $0x4F  }
.Ltmp2:
0x1e1: {  	s31 =	sadd.s32 s24, s10;
	[tilespmem:s28+$0x180] =	vst v0;
	(pc) =	sbr.rel @p1 .LBB2_2-.Ltmp2, $4  }
0x1e2: {  	[hbm4b:s31+s3] =	stream.linear.scatter [tilespmem:s20], [sflag:$0x1], $0x2000, $0x38;
	[tilespmem:$0x1E880] =	vst v63  }
0x1e3: {  	_ =	swait.ge [sflag:s12], $0x2000  }
0x1e4: {  	[sflag:s12] =	ssyncset.done $0x0  }
0x1e5: {  	[sflag:s12] =	ssyncadd.s32 $0xFFFFE000  }
0x1e6: {  	s21 =	sadd.s32 $0x1, s21  }
0x1e7: {  	p1 =	sne.s32 s21, s11  }
.Ltmp3:
0x1e8: {  	_ = 	snop;
	(pc) =	sbr.rel @p1 .LBB2_1-.Ltmp3, $1  }
0x1e9: {  	_ =	sdelay $0x3  }
0x1ea: {  	_ =	sfence.sel $0x180000  }
0x1eb: {  	[bflag:$0x0] =	sbarrier.arrive $0xFFFF  }
0x1ec: {  	p0 =	sne.s32 s0, $0x0;
	_ =	strace $0x90000050  }
0x1ed: {  	s0 =	sadd.s32 @!p0 $0x100000, s1;
	[bflag:$0x2] =	sbarrier.arrive $0xFFFF  }
0x1ee: {  	[sflag:s0] =	ssyncadd.tile.s32 @!p0 $0x1;
	_ =	shalt  }
.Lfunc_end2:
_tile_overlayer_lowered:
.L_overlay_start_2:
0x1ef: {  	(tag) =	ssettag $0x2  }
0x1f0: {  	s0 =	rddreg [dreg:$0x0];
	s2 =	stileid.u32  }
0x1f1: {  	s1 =	rddreg [dreg:$0x1];
	p0 =	sne.s32 s2, $0x0  }
0x1f2: {  	s3 =	rddreg [dreg:$0x2];
	[bflag:$0x3] =	sbarrier.arrive $0xFFFF;
	s2 =	simm.s32 @!p0 $0x1C01  }
0x1f3: {  	[timem:s3], [sflag:s2] =	dma.local @!p0 [hbm:s0], s1  }
0x1f4: {  	s0 =	simm.s32 @!p0 $0x1  }
0x1f5: {  	_ =	swait.ge @!p0 [sflag:s0], s1  }
0x1f6: {  	s1 =	ssub.s32 @!p0 $0x0, s1;
	[sflag:s0] =	ssyncset.done @!p0 $0x0  }
0x1f7: {  	[sflag:s0] =	ssyncadd.s32 @!p0 s1  }
0x1f8: {  	[bflag:$0x3] =	sbarrier.arrive $0xFFFF  }
0x1f9: {  	_ =	shalt  }

</sc_bundles>
